<compile_context>
chip_gen: v7x
topology: tpu7x:2x2x1
jax: 0.10.2.dev20260603
libtpu: 0.0.44.dev20260713+nightly
codegen_flags: <defaults>
</compile_context>

<pallas_src>
import jax
import jax.numpy as jnp
from jax import lax
from jax.experimental import pallas as pl
from jax.experimental.pallas import tpu as pltpu
from jax.experimental.pallas import tpu_sc as plsc

_NCLS = 20
_GRIDS = (52, 26, 13)
_OFFS = (0, 2704, 3380)
_HWA = 10647
_HWA_PAD = 10656
_B = 32
_NB = 8
_ANC = tuple(
    (w / 416.0, h / 416.0)
    for w, h in ((10.0, 13.0), (16.0, 30.0), (33.0, 23.0), (30.0, 61.0),
                 (62.0, 45.0), (59.0, 119.0), (116.0, 90.0), (156.0, 198.0),
                 (373.0, 326.0))
)
_LN2 = 0.6931471805599453


def _ln(x):
    bits = plsc.bitcast(x, jnp.int32)
    e = lax.shift_right_logical(bits, 23) - 127
    m = plsc.bitcast((bits & 0x007FFFFF) | 0x3F800000, jnp.float32)
    big = m > 1.4142135381698608
    m = jnp.where(big, m * 0.5, m)
    e = e + big.astype(jnp.int32)
    t = (m - 1.0) / (m + 1.0)
    t2 = t * t
    p = 1.0 + t2 * (0.3333333333 + t2 * (0.2 + t2 * (0.1428571429 + t2 * 0.1111111111)))
    return e.astype(jnp.float32) * _LN2 + 2.0 * t * p


def _sig(x):
    return 1.0 / (1.0 + jnp.exp(-x))


def _bce(x, t):
    return jnp.maximum(x, 0.0) - x * t + _ln(1.0 + jnp.exp(-jnp.abs(x)))



def _match(gb_v, lane):
    bl = gb_v[0]
    bt = gb_v[1]
    br = gb_v[2]
    bb = gb_v[3]
    w = br - bl
    h = bb - bt
    cx = (bl + br) * 0.5
    cy = (bt + bb) * 0.5
    wt = 2.0 - br * bb
    area = w * h

    cols = []
    rows = []
    mdl = []
    for l in range(3):
        g = float(_GRIDS[l])
        cl = (cx * g).astype(jnp.int32)
        rw = (cy * g).astype(jnp.int32)
        cols.append(cl)
        rows.append(rw)
        mdl.append((_OFFS[l] + rw * _GRIDS[l] + cl) * 3)

    best = jnp.full((16,), -1.0, jnp.float32)
    jmv = jnp.zeros((16,), jnp.int32)
    lvlv = jnp.zeros((16,), jnp.int32)
    ancw = jnp.zeros((16,), jnp.float32)
    anch = jnp.zeros((16,), jnp.float32)
    lmask = [None, None, None]
    for j in range(9):
        aw, ah = _ANC[j]
        l = j // 3
        inter = jnp.minimum(w, aw) * jnp.minimum(h, ah)
        iou = inter / (area + aw * ah - inter + 1e-9)
        mj = iou > 0.5
        lmask[l] = mj if lmask[l] is None else (lmask[l] | mj)
        upd = iou > best
        best = jnp.where(upd, iou, best)
        jmv = jnp.where(upd, j, jmv)
        lvlv = jnp.where(upd, l, lvlv)
        ancw = jnp.where(upd, aw, ancw)
        anch = jnp.where(upd, ah, anch)

    is0 = lvlv == 0
    is1 = lvlv == 1
    gridf = jnp.where(is0, 52.0, jnp.where(is1, 26.0, 13.0))
    colf = jnp.where(is0, cols[0], jnp.where(is1, cols[1], cols[2])).astype(jnp.float32)
    rowf = jnp.where(is0, rows[0], jnp.where(is1, rows[1], rows[2])).astype(jnp.float32)
    mdp = jnp.where(is0, mdl[0], jnp.where(is1, mdl[1], mdl[2]))
    txy_x = cx * gridf - colf
    txy_y = cy * gridf - rowf
    twh_x = _ln(br / ancw)
    twh_y = _ln(bb / anch)

    validb = lane < _NB
    evs = [jnp.where(validb, mdp, -1 - lane)]
    for l in range(3):
        evs.append(jnp.where(validb & lmask[l], mdl[l], -(100 + 16 * l) - lane))
    rowp = jnp.maximum(evs[0], 0)

    tv = jnp.full((16,), -1, jnp.int32)
    kv = jnp.full((16,), -1, jnp.int32)
    pv = [jnp.full((16,), -1, jnp.int32) for _ in range(4)]
    for ip in range(_NB):
        for cc in range(4):
            sv = evs[cc][ip]
            pconst = cc * 8 + ip
            for t in range(4):
                hit = evs[t] == sv
                pv[t] = jnp.where(hit, jnp.maximum(pv[t], pconst), pv[t])
            hit0 = evs[0] == sv
            if cc == 0:
                tv = jnp.where(hit0, jnp.maximum(tv, ip), tv)
            else:
                kv = jnp.where(hit0, jnp.maximum(kv, ip), kv)
    win = (tv == lane) & (kv <= lane)
    winf = jnp.where(win, 1.0, 0.0)
    extras = (jmv, colf, rowf, gridf, ancw, anch, bl, bt, br, bb, area, validb)
    return rowp, winf, wt, txy_x, txy_y, twh_x, twh_y, evs, pv, extras

def _body1(pconf_hbm, gb_hbm, lab_hbm, pjm_hbm, out_hbm,
           conf_v, pjm_v, gb_v, lab_v, outloc, sem_c):
    c = lax.axis_index("c")
    s = lax.axis_index("s")
    b = s * 2 + c

    cp_conf = pltpu.async_copy(pconf_hbm.at[b], conf_v, sem_c)
    pltpu.sync_copy(gb_hbm.at[b], gb_v)
    pltpu.sync_copy(lab_hbm.at[b], lab_v)
    pltpu.sync_copy(pjm_hbm.at[b], pjm_v)

    lane = lax.iota(jnp.int32, 16)
    (rowp, winf, wt, txy_x, txy_y, twh_x, twh_y, evs, pv, extras) = _match(gb_v, lane)
    (jmv, colf, rowf, gridf, ancw, anch, bl, bt, br, bb, area, validb) = extras

    cp_conf.wait()

    def dbody(i, acc):
        x = conf_v[pl.ds(pl.multiple_of(i * 16, 16), 16)]
        sg = _sig(x)
        return acc + sg * sg

    gvec = lax.fori_loop(0, _HWA_PAD // 16, dbody, jnp.zeros((16,), jnp.float32))

    sg0 = None
    for t in range(4):
        v = plsc.load_gather(conf_v, [jnp.maximum(evs[t], 0)])
        sg = _sig(v)
        canon = (pv[t] == (t * 8) + lane) & (evs[t] >= 0)
        gvec = gvec - jnp.where(canon, sg * sg, 0.0)
        if t == 0:
            sg0 = sg

    jms = jnp.where(validb, jmv, 0)
    f0 = jnp.zeros((16,), jnp.int32)
    pj0 = plsc.load_gather(pjm_v, [f0, jms])
    pj1 = plsc.load_gather(pjm_v, [f0 + 1, jms])
    pj2 = plsc.load_gather(pjm_v, [f0 + 2, jms])
    pj3 = plsc.load_gather(pjm_v, [f0 + 3, jms])
    pxyx = (_sig(pj0) + colf) / gridf
    pxyy = (_sig(pj1) + rowf) / gridf
    pwx = jnp.exp(pj2) * ancw
    pwy = jnp.exp(pj3) * anch
    pleft = pxyx - pwx * 0.5
    ptop = pxyy - pwy * 0.5
    prght = pxyx + pwx * 0.5
    pbot = pxyy + pwy * 0.5
    ix0 = jnp.maximum(pleft, bl)
    iy0 = jnp.maximum(ptop, bt)
    ix1 = jnp.minimum(prght, br)
    iy1 = jnp.minimum(pbot, bb)
    iw = jnp.maximum(ix1 - ix0, 0.0)
    ih = jnp.maximum(iy1 - iy0, 0.0)
    inter = iw * ih
    confv = inter / ((prght - pleft) * (pbot - ptop) + area - inter + 1e-9)
    dconf = sg0 - confv
    gvec = gvec + winf * dconf * dconf

    group = jnp.sum(gvec) - (_HWA_PAD - _HWA) * 0.25
    npos = jnp.sum(winf)
    ovec = jnp.where(lane == 0, group, jnp.where(lane == 1, npos, 0.0))
    outloc[...] = ovec
    pltpu.sync_copy(outloc, out_hbm.at[b])


def _body2(pcls_hbm, ptx_hbm, gb_hbm, lab_hbm, out_hbm,
           gb_v, lab_v, cls8_v, ptx8_v, outloc, sem_a, sem_b):
    c = lax.axis_index("c")
    s = lax.axis_index("s")
    b = s * 2 + c

    pltpu.sync_copy(gb_hbm.at[b], gb_v)
    pltpu.sync_copy(lab_hbm.at[b], lab_v)
    lane = lax.iota(jnp.int32, 16)
    (rowv, winf, wt, txy_x, txy_y, twh_x, twh_y, _evs, _pv, _ex) = _match(gb_v, lane)
    wtw = winf * wt
    lbv = lab_v[...]

    r0v = (rowv // 8) * 8
    subv = rowv - r0v
    lane_c = lane & 7
    fptx = rowv * 4
    sgp = lax.shift_right_logical(fptx, 7) & ~7

    cps = []
    for i in range(_NB):
        r0s = pl.multiple_of(r0v[i], 8)
        sgp_s = pl.multiple_of(sgp[i], 8)
        cps.append(pltpu.async_copy(
            pcls_hbm.at[b, pl.ds(r0s, 8), :], cls8_v.at[i], sem_a))
        cps.append(pltpu.async_copy(
            ptx_hbm.at[b, pl.ds(sgp_s, 8), :], ptx8_v.at[i], sem_b))
    for cp in cps:
        cp.wait()

    f0 = jnp.zeros((16,), jnp.int32)
    subp = lax.shift_right_logical(fptx, 7) - sgp
    lanep = fptx & 127
    p0 = plsc.load_gather(ptx8_v, [lane_c, subp, lanep])
    p1 = plsc.load_gather(ptx8_v, [lane_c, subp, lanep + 1])
    p2 = plsc.load_gather(ptx8_v, [lane_c, subp, lanep + 2])
    p3 = plsc.load_gather(ptx8_v, [lane_c, subp, lanep + 3])
    gvec = wtw * (_bce(p0, txy_x) + _bce(p1, txy_y))
    dw = p2 - twh_x
    dh = p3 - twh_y
    gvec = gvec + wtw * (dw * dw + dh * dh)

    clsacc = jnp.zeros((16,), jnp.float32)
    for ccl in range(_NCLS):
        colv = plsc.load_gather(cls8_v, [lane_c, subv, f0 + ccl])
        tgt = jnp.where(lbv == ccl, 1.0, 0.0)
        clsacc = clsacc + _bce(colv, tgt)

    coord = jnp.sum(gvec)
    cls_part = jnp.sum(winf * clsacc)
    ovec = jnp.where(lane == 0, coord, jnp.where(lane == 1, cls_part, 0.0))
    outloc[...] = ovec
    pltpu.sync_copy(outloc, out_hbm.at[b])


def _mesh():
    return plsc.VectorSubcoreMesh(
        core_axis_name="c", subcore_axis_name="s", num_cores=2, num_subcores=16)


@jax.jit
def _sc_call(pconf2, gbt, lab, pjm):
    f = pl.kernel(
        _body1,
        out_type=jax.ShapeDtypeStruct((_B, 16), jnp.float32),
        mesh=_mesh(),
        compiler_params=pltpu.CompilerParams(
            needs_layout_passes=False, use_tc_tiling_on_sc=False),
        scratch_types=[
            pltpu.VMEM((_HWA_PAD,), jnp.float32),
            pltpu.VMEM((4, 16), jnp.float32),
            pltpu.VMEM((4, 16), jnp.float32),
            pltpu.VMEM((16,), jnp.int32),
            pltpu.VMEM((16,), jnp.float32),
            pltpu.SemaphoreType.DMA,
        ],
    )
    return f(pconf2, gbt, lab, pjm)


@jax.jit
def _sc_call2(pcls, ptx_r, gbt, lab):
    f = pl.kernel(
        _body2,
        out_type=jax.ShapeDtypeStruct((_B, 16), jnp.float32),
        mesh=_mesh(),
        compiler_params=pltpu.CompilerParams(
            needs_layout_passes=False, use_tc_tiling_on_sc=True),
        scratch_types=[
            pltpu.VMEM((4, 16), jnp.float32),
            pltpu.VMEM((16,), jnp.int32),
            pltpu.VMEM((_NB, 8, _NCLS), jnp.float32),
            pltpu.VMEM((_NB, 8, 128), jnp.float32),
            pltpu.VMEM((16,), jnp.float32),
            pltpu.SemaphoreType.DMA,
            pltpu.SemaphoreType.DMA,
        ],
    )
    return f(pcls, ptx_r, gbt, lab)


def kernel(pconf, pcls, ptxywh, gboxes, glabels):
    pconf2 = jnp.pad(pconf[..., 0], ((0, 0), (0, _HWA_PAD - _HWA)))
    gbt = jnp.pad(jnp.transpose(gboxes, (0, 2, 1)), ((0, 0), (0, 0), (0, 16 - _NB)))
    lab = jnp.pad(glabels.astype(jnp.int32) - 1, ((0, 0), (0, 16 - _NB)))
    pjm = jnp.pad(jnp.transpose(ptxywh[:, :9, :], (0, 2, 1)),
                  ((0, 0), (0, 0), (0, 16 - 9)))
    hp = 10752
    ptx_r = jnp.pad(ptxywh, ((0, 0), (0, hp - _HWA), (0, 0))).reshape(
        _B, hp * 4 // 128, 128)
    parts1 = _sc_call(pconf2, gbt, lab, pjm)
    parts2 = _sc_call2(pcls, ptx_r, gbt, lab)
    t1 = parts1.sum(axis=0)
    t2 = parts2.sum(axis=0)
    return (t1[0] + t2[0]) / _B + t2[1] / jnp.maximum(t1[1], 1.0)

# --- scband reference (transcript-rebuilt; emitter-appended) ---
"""Pipeline reference for scband-loss-yolo-v3-85478439125829 (READ-ONLY COPY).

The authoritative reference and input builder live on the scoring server;
editing this copy changes nothing except your own understanding.
"""

import jax, jax.numpy as jnp
import numpy as np

NUM_CLASSES = 20
NUMS_CENG = [2704, 676, 169]
NUM_ANC = 3
ANC_SCALE = np.array([[10.0, 13.0], [16.0, 30.0], [33.0, 23.0], [30.0, 61.0], [62.0, 45.0], [59.0, 119.0], [116.0, 90.0], [156.0, 198.0], [373.0, 326.0]], dtype=np.float32) / 416.0
LOSS_WEIGHT = [1.0, 1.0]
GDIM = 1 + NUM_CLASSES + 4 + 1 + 4
HWA = sum(NUMS_CENG) * NUM_ANC
BATCH = 32
NBOX = 8

def _iou_pairwise(a, b):
    lt = jnp.maximum(a[:, None, :2], b[None, :, :2])
    rb = jnp.minimum(a[:, None, 2:], b[None, :, 2:])
    wh = jnp.clip(rb - lt, 0.0, None)
    inter = wh[..., 0] * wh[..., 1]
    area_a = (a[:, 2] - a[:, 0]) * (a[:, 3] - a[:, 1])
    area_b = (b[:, 2] - b[:, 0]) * (b[:, 3] - b[:, 1])
    return inter / (area_a[:, None] + area_b[None, :] - inter + 1e-9)

def _iou_one(a, b):
    lt = jnp.maximum(a[:2], b[:2])
    rb = jnp.minimum(a[2:], b[2:])
    wh = jnp.clip(rb - lt, 0.0, None)
    inter = wh[0] * wh[1]
    aa = (a[2] - a[0]) * (a[3] - a[1])
    ab = (b[2] - b[0]) * (b[3] - b[1])
    return inter / (aa + ab - inter + 1e-9)

def _build_targets(ptxywh, boxes, labels):
    s_ = 1 + NUM_CLASSES
    n_anchors = NUM_ANC * len(NUMS_CENG)
    grid_list = [int(round(np.sqrt(n))) for n in NUMS_CENG]
    offs = [int(np.sum(NUMS_CENG[:c])) if c > 0 else 0 for c in range(len(NUMS_CENG))]
    grid_j = jnp.asarray(np.repeat(np.array(grid_list, dtype=np.int32), NUM_ANC))
    off_j = jnp.asarray(np.repeat(np.array(offs, dtype=np.int32), NUM_ANC))
    grid_jf = grid_j.astype(jnp.float32)
    anc_ltrb = jnp.asarray(np.concatenate([-ANC_SCALE / 2.0, ANC_SCALE / 2.0], axis=1))
    anc_all = jnp.asarray(ANC_SCALE)
    eye = jnp.eye(NUM_CLASSES, dtype=jnp.float32)
    nbox = boxes.shape[1]

    def one(ptx_b, bx, lb):
        g = jnp.zeros((HWA, GDIM), dtype=jnp.float32)
        cxy_all = (bx[:, :2] + bx[:, 2:]) / 2.0
        wh_all = bx[:, 2:] - bx[:, :2]
        g_ltrb = jnp.concatenate([-wh_all / 2.0, wh_all / 2.0], axis=1)
        iou2d = _iou_pairwise(g_ltrb, anc_ltrb)
        mask = iou2d > 0.5
        imax = jnp.argmax(iou2d, axis=1)
        for i in range(nbox):
            cxy = cxy_all[i]
            colrow_all = (cxy[None, :] * grid_jf[:, None]).astype(jnp.int32)
            md_all = (off_j + colrow_all[:, 1] * grid_j + colrow_all[:, 0]) * NUM_ANC
            for j in range(n_anchors):
                g = g.at[md_all[j], 0].set(jnp.where(mask[i, j], -1.0, g[md_all[j], 0]))
                g = g.at[md_all[j], s_ + 4].set(jnp.where(mask[i, j], -1.0, g[md_all[j], s_ + 4]))
            jm = imax[i]
            grid_i = grid_j[jm]
            grid_f = grid_jf[jm]
            off = off_j[jm]
            colrow = (cxy * grid_f).astype(jnp.int32)
            md = (off + colrow[1] * grid_i + colrow[0]) * NUM_ANC
            txy = (cxy - colrow.astype(jnp.float32) / grid_f) * grid_f
            anc = anc_all[jm]
            twh = jnp.log(bx[i, 2:] / anc)
            ptx = ptx_b[jm].astype(jnp.float64)
            pxy = (1.0 / (1.0 + jnp.exp(-ptx[:2])) + colrow) / grid_f
            pwh = jnp.exp(ptx[2:]) * anc
            pltrb = jnp.concatenate([pxy - pwh / 2.0, pxy + pwh / 2.0])
            conf = _iou_one(pltrb, bx[i].astype(jnp.float64))
            weight = 2.0 - bx[i, 2] * bx[i, 3]
            t = jnp.concatenate([conf.reshape(1).astype(jnp.float32), eye[lb[i] - 1], txy.astype(jnp.float32), twh.astype(jnp.float32), weight.reshape(1).astype(jnp.float32), bx[i].astype(jnp.float32)])
            g = g.at[md].set(t)
        return g

    return jax.vmap(one)(ptxywh, boxes, labels)

def _bce_logits(x, t):
    return jnp.maximum(x, 0.0) - x * t + jnp.log1p(jnp.exp(-jnp.abs(x)))

def _loss(pconf, pcls, ptxywh, gy):
    s_ = 1 + NUM_CLASSES
    B = pconf.shape[0]
    pconf_s = jax.nn.sigmoid(pconf).reshape(B, -1)
    weight = gy[:, :, s_ + 4]
    mask_pos = (weight > 0).astype(jnp.float32)
    mask_neg = (weight == 0).astype(jnp.float32)
    gconf = gy[:, :, 0]
    mse = (pconf_s - gconf) ** 2
    loss_conf_pos = (mse * mask_pos).sum(-1).mean() * LOSS_WEIGHT[0]
    loss_conf_neg = (mse * mask_neg).sum(-1).mean() * LOSS_WEIGHT[1]
    gcls = gy[:, :, 1:s_]
    n_pos = jnp.maximum(mask_pos.sum(), 1.0)
    loss_cls = (_bce_logits(pcls, gcls).sum(-1) * mask_pos).sum() / n_pos
    ptxty = ptxywh[:, :, :2]
    ptwth = ptxywh[:, :, 2:4]
    gtxty = gy[:, :, s_:s_ + 2]
    gtwth = gy[:, :, s_ + 2:s_ + 4]
    loss_txty = (_bce_logits(ptxty, gtxty).sum(-1) * mask_pos * weight).sum(-1).mean()
    loss_twth = (((ptwth - gtwth) ** 2).sum(-1) * mask_pos * weight).sum(-1).mean()
    return loss_conf_pos + loss_conf_neg + loss_cls + loss_txty + loss_twth

def setup_inputs(seed: int = 0):
    key = jax.random.key(seed)
    k1, k2, k3, k4, k5, k6 = jax.random.split(key, 6)
    pconf = jax.random.normal(k1, (BATCH, HWA, 1), dtype=jnp.float32)
    pcls = jax.random.normal(k2, (BATCH, HWA, NUM_CLASSES), dtype=jnp.float32)
    ptxywh = 0.5 * jax.random.normal(k3, (BATCH, HWA, 4), dtype=jnp.float32)
    cxy = jax.random.uniform(k4, (BATCH, NBOX, 2), minval=0.25, maxval=0.75)
    wh = jax.random.uniform(k5, (BATCH, NBOX, 2), minval=0.05, maxval=0.4)
    gboxes = jnp.concatenate([cxy - wh / 2.0, cxy + wh / 2.0], axis=-1).astype(jnp.float32)
    glabels = jax.random.randint(k6, (BATCH, NBOX), 1, NUM_CLASSES + 1)
    return {"pconf": pconf, "pcls": pcls, "ptxywh": ptxywh, "gboxes": gboxes, "glabels": glabels}

def reference(pconf, pcls, ptxywh, gboxes, glabels):
    gy = _build_targets(ptxywh, gboxes, glabels)
    return _loss(pconf, pcls, ptxywh, gy)

if __name__ == "__main__":
    import jax
    _d = setup_inputs()
    print(jax.jit(kernel)(*tuple(_d.values())))

</pallas_src>

<mosaic_0001>
#map = affine_map<(d0, d1) -> (0, 0)>
#map1 = affine_map<(d0, d1) -> (0, 0, 0)>
module attributes {stable_mosaic.version = 14 : i64} {
  func.func @_body1(%arg0: i32, %arg1: i32, %arg2: memref<32x10656xf32, #tpu.memory_space<hbm>>, %arg3: memref<32x4x16xf32, #tpu.memory_space<hbm>>, %arg4: memref<32x16xi32, #tpu.memory_space<hbm>>, %arg5: memref<32x4x16xf32, #tpu.memory_space<hbm>>, %arg6: memref<32x16xf32, #tpu.memory_space<hbm>>, %arg7: memref<10656xf32, #tpu.memory_space<vmem>>, %arg8: memref<4x16xf32, #tpu.memory_space<vmem>>, %arg9: memref<4x16xf32, #tpu.memory_space<vmem>>, %arg10: memref<16xi32, #tpu.memory_space<vmem>>, %arg11: memref<16xf32, #tpu.memory_space<vmem>>, %arg12: memref<!tpu.dma_semaphore, #tpu.memory_space<semaphore_mem>>) attributes {dimension_semantics = [#tpu.dimension_semantics<core_parallel>, #tpu.dimension_semantics<subcore_parallel>], iteration_bounds = array<i64: 2, 16>, scalar_prefetch = 0 : i64, scratch_operands = 6 : i64, tpu.core_type = #tpu.core_type<sc_vector_subcore>, window_params = [{transform_indices = #map}, {transform_indices = #map1}, {transform_indices = #map}, {transform_indices = #map1}, {transform_indices = #map}]} {
    %mul3A = arith.constant 2 : i32
    %mul3A_0 = arith.muli %arg1, %mul3A : i32
    %add3A = arith.addi %mul3A_0, %arg0 : i32
    %dma_start3A = arith.constant 0 : i32
    %dma_start3A_1 = tpu.memref_slice %arg2[%add3A, %dma_start3A] : memref<32x10656xf32, #tpu.memory_space<hbm>> -> memref<1x10656xf32, #tpu.memory_space<hbm>>
    %dma_start3A_2 = tpu.memref_squeeze %dma_start3A_1 : memref<1x10656xf32, #tpu.memory_space<hbm>> -> memref<10656xf32, #tpu.memory_space<hbm>>
    %dma_start3A_3 = arith.constant 0 : i32
    %dma_start3A_4 = tpu.memref_slice %arg2[%add3A, %dma_start3A_3] : memref<32x10656xf32, #tpu.memory_space<hbm>> -> memref<1x10656xf32, #tpu.memory_space<hbm>>
    %dma_start3A_5 = tpu.memref_squeeze %dma_start3A_4 : memref<1x10656xf32, #tpu.memory_space<hbm>> -> memref<10656xf32, #tpu.memory_space<hbm>>
    tpu.enqueue_dma source(%dma_start3A_5 : memref<10656xf32, #tpu.memory_space<hbm>>) target(%arg7 : memref<10656xf32, #tpu.memory_space<vmem>>) target_semaphore(%arg12 : memref<!tpu.dma_semaphore, #tpu.memory_space<semaphore_mem>>)
    "tpu.region"() ({
      %run_scoped3A = tpu.sem_alloc : memref<!tpu.dma_semaphore, #tpu.memory_space<semaphore_mem>>
      %dma_start3A_1815 = arith.constant 0 : i32
      %dma_start3A_1816 = arith.constant 0 : i32
      %dma_start3A_1817 = tpu.memref_slice %arg3[%add3A, %dma_start3A_1815, %dma_start3A_1816] : memref<32x4x16xf32, #tpu.memory_space<hbm>> -> memref<1x4x16xf32, #tpu.memory_space<hbm>>
      %dma_start3A_1818 = tpu.memref_squeeze %dma_start3A_1817 : memref<1x4x16xf32, #tpu.memory_space<hbm>> -> memref<4x16xf32, #tpu.memory_space<hbm>>
      %dma_start3A_1819 = arith.constant 0 : i32
      %dma_start3A_1820 = arith.constant 0 : i32
      %dma_start3A_1821 = tpu.memref_slice %arg3[%add3A, %dma_start3A_1819, %dma_start3A_1820] : memref<32x4x16xf32, #tpu.memory_space<hbm>> -> memref<1x4x16xf32, #tpu.memory_space<hbm>>
      %dma_start3A_1822 = tpu.memref_squeeze %dma_start3A_1821 : memref<1x4x16xf32, #tpu.memory_space<hbm>> -> memref<4x16xf32, #tpu.memory_space<hbm>>
      tpu.enqueue_dma source(%dma_start3A_1822 : memref<4x16xf32, #tpu.memory_space<hbm>>) target(%arg9 : memref<4x16xf32, #tpu.memory_space<vmem>>) target_semaphore(%run_scoped3A : memref<!tpu.dma_semaphore, #tpu.memory_space<semaphore_mem>>)
      %dma_wait3A_1823 = arith.constant 0 : i32
      %dma_wait3A_1824 = arith.constant 0 : i32
      %dma_wait3A_1825 = tpu.memref_slice %arg3[%add3A, %dma_wait3A_1823, %dma_wait3A_1824] : memref<32x4x16xf32, #tpu.memory_space<hbm>> -> memref<1x4x16xf32, #tpu.memory_space<hbm>>
      %dma_wait3A_1826 = tpu.memref_squeeze %dma_wait3A_1825 : memref<1x4x16xf32, #tpu.memory_space<hbm>> -> memref<4x16xf32, #tpu.memory_space<hbm>>
      %dma_wait3A_1827 = arith.constant 0 : i32
      %dma_wait3A_1828 = arith.constant 0 : i32
      %dma_wait3A_1829 = tpu.memref_slice %arg3[%add3A, %dma_wait3A_1827, %dma_wait3A_1828] : memref<32x4x16xf32, #tpu.memory_space<hbm>> -> memref<1x4x16xf32, #tpu.memory_space<hbm>>
      %dma_wait3A_1830 = tpu.memref_squeeze %dma_wait3A_1829 : memref<1x4x16xf32, #tpu.memory_space<hbm>> -> memref<4x16xf32, #tpu.memory_space<hbm>>
      tpu.wait_dma2 semaphore(%run_scoped3A : memref<!tpu.dma_semaphore, #tpu.memory_space<semaphore_mem>>) src(%dma_wait3A_1830 : memref<4x16xf32, #tpu.memory_space<hbm>>) dst(%arg9 : memref<4x16xf32, #tpu.memory_space<vmem>>)
      tpu.yield
    }) : () -> ()
    "tpu.region"() ({
      %run_scoped3A = tpu.sem_alloc : memref<!tpu.dma_semaphore, #tpu.memory_space<semaphore_mem>>
      %dma_start3A_1815 = arith.constant 0 : i32
      %dma_start3A_1816 = tpu.memref_slice %arg4[%add3A, %dma_start3A_1815] : memref<32x16xi32, #tpu.memory_space<hbm>> -> memref<1x16xi32, #tpu.memory_space<hbm>>
      %dma_start3A_1817 = tpu.memref_squeeze %dma_start3A_1816 : memref<1x16xi32, #tpu.memory_space<hbm>> -> memref<16xi32, #tpu.memory_space<hbm>>
      %dma_start3A_1818 = arith.constant 0 : i32
      %dma_start3A_1819 = tpu.memref_slice %arg4[%add3A, %dma_start3A_1818] : memref<32x16xi32, #tpu.memory_space<hbm>> -> memref<1x16xi32, #tpu.memory_space<hbm>>
      %dma_start3A_1820 = tpu.memref_squeeze %dma_start3A_1819 : memref<1x16xi32, #tpu.memory_space<hbm>> -> memref<16xi32, #tpu.memory_space<hbm>>
      tpu.enqueue_dma source(%dma_start3A_1820 : memref<16xi32, #tpu.memory_space<hbm>>) target(%arg10 : memref<16xi32, #tpu.memory_space<vmem>>) target_semaphore(%run_scoped3A : memref<!tpu.dma_semaphore, #tpu.memory_space<semaphore_mem>>)
      %dma_wait3A_1821 = arith.constant 0 : i32
      %dma_wait3A_1822 = tpu.memref_slice %arg4[%add3A, %dma_wait3A_1821] : memref<32x16xi32, #tpu.memory_space<hbm>> -> memref<1x16xi32, #tpu.memory_space<hbm>>
      %dma_wait3A_1823 = tpu.memref_squeeze %dma_wait3A_1822 : memref<1x16xi32, #tpu.memory_space<hbm>> -> memref<16xi32, #tpu.memory_space<hbm>>
      %dma_wait3A_1824 = arith.constant 0 : i32
      %dma_wait3A_1825 = tpu.memref_slice %arg4[%add3A, %dma_wait3A_1824] : memref<32x16xi32, #tpu.memory_space<hbm>> -> memref<1x16xi32, #tpu.memory_space<hbm>>
      %dma_wait3A_1826 = tpu.memref_squeeze %dma_wait3A_1825 : memref<1x16xi32, #tpu.memory_space<hbm>> -> memref<16xi32, #tpu.memory_space<hbm>>
      tpu.wait_dma2 semaphore(%run_scoped3A : memref<!tpu.dma_semaphore, #tpu.memory_space<semaphore_mem>>) src(%dma_wait3A_1826 : memref<16xi32, #tpu.memory_space<hbm>>) dst(%arg10 : memref<16xi32, #tpu.memory_space<vmem>>)
      tpu.yield
    }) : () -> ()
    "tpu.region"() ({
      %run_scoped3A = tpu.sem_alloc : memref<!tpu.dma_semaphore, #tpu.memory_space<semaphore_mem>>
      %dma_start3A_1815 = arith.constant 0 : i32
      %dma_start3A_1816 = arith.constant 0 : i32
      %dma_start3A_1817 = tpu.memref_slice %arg5[%add3A, %dma_start3A_1815, %dma_start3A_1816] : memref<32x4x16xf32, #tpu.memory_space<hbm>> -> memref<1x4x16xf32, #tpu.memory_space<hbm>>
      %dma_start3A_1818 = tpu.memref_squeeze %dma_start3A_1817 : memref<1x4x16xf32, #tpu.memory_space<hbm>> -> memref<4x16xf32, #tpu.memory_space<hbm>>
      %dma_start3A_1819 = arith.constant 0 : i32
      %dma_start3A_1820 = arith.constant 0 : i32
      %dma_start3A_1821 = tpu.memref_slice %arg5[%add3A, %dma_start3A_1819, %dma_start3A_1820] : memref<32x4x16xf32, #tpu.memory_space<hbm>> -> memref<1x4x16xf32, #tpu.memory_space<hbm>>
      %dma_start3A_1822 = tpu.memref_squeeze %dma_start3A_1821 : memref<1x4x16xf32, #tpu.memory_space<hbm>> -> memref<4x16xf32, #tpu.memory_space<hbm>>
      tpu.enqueue_dma source(%dma_start3A_1822 : memref<4x16xf32, #tpu.memory_space<hbm>>) target(%arg8 : memref<4x16xf32, #tpu.memory_space<vmem>>) target_semaphore(%run_scoped3A : memref<!tpu.dma_semaphore, #tpu.memory_space<semaphore_mem>>)
      %dma_wait3A_1823 = arith.constant 0 : i32
      %dma_wait3A_1824 = arith.constant 0 : i32
      %dma_wait3A_1825 = tpu.memref_slice %arg5[%add3A, %dma_wait3A_1823, %dma_wait3A_1824] : memref<32x4x16xf32, #tpu.memory_space<hbm>> -> memref<1x4x16xf32, #tpu.memory_space<hbm>>
      %dma_wait3A_1826 = tpu.memref_squeeze %dma_wait3A_1825 : memref<1x4x16xf32, #tpu.memory_space<hbm>> -> memref<4x16xf32, #tpu.memory_space<hbm>>
      %dma_wait3A_1827 = arith.constant 0 : i32
      %dma_wait3A_1828 = arith.constant 0 : i32
      %dma_wait3A_1829 = tpu.memref_slice %arg5[%add3A, %dma_wait3A_1827, %dma_wait3A_1828] : memref<32x4x16xf32, #tpu.memory_space<hbm>> -> memref<1x4x16xf32, #tpu.memory_space<hbm>>
      %dma_wait3A_1830 = tpu.memref_squeeze %dma_wait3A_1829 : memref<1x4x16xf32, #tpu.memory_space<hbm>> -> memref<4x16xf32, #tpu.memory_space<hbm>>
      tpu.wait_dma2 semaphore(%run_scoped3A : memref<!tpu.dma_semaphore, #tpu.memory_space<semaphore_mem>>) src(%dma_wait3A_1830 : memref<4x16xf32, #tpu.memory_space<hbm>>) dst(%arg8 : memref<4x16xf32, #tpu.memory_space<vmem>>)
      tpu.yield
    }) : () -> ()
    %iota3A = tpu.iota {dimensions = array<i32: 0>} : vector<16xi32>
    %get3A = arith.constant 0 : i32
    %get3A_6 = arith.index_cast %get3A : i32 to index
    %get3A_7 = arith.constant 0 : index
    %get3A_8 = tpu.vector_load %arg9[%get3A_6, %get3A_7] {strides = array<i32>} : memref<4x16xf32, #tpu.memory_space<vmem>>, vector<16xf32>,
    %get3A_9 = arith.constant 1 : i32
    %get3A_10 = arith.index_cast %get3A_9 : i32 to index
    %get3A_11 = arith.constant 0 : index
    %get3A_12 = tpu.vector_load %arg9[%get3A_10, %get3A_11] {strides = array<i32>} : memref<4x16xf32, #tpu.memory_space<vmem>>, vector<16xf32>,
    %get3A_13 = arith.constant 2 : i32
    %get3A_14 = arith.index_cast %get3A_13 : i32 to index
    %get3A_15 = arith.constant 0 : index
    %get3A_16 = tpu.vector_load %arg9[%get3A_14, %get3A_15] {strides = array<i32>} : memref<4x16xf32, #tpu.memory_space<vmem>>, vector<16xf32>,
    %get3A_17 = arith.constant 3 : i32
    %get3A_18 = arith.index_cast %get3A_17 : i32 to index
    %get3A_19 = arith.constant 0 : index
    %get3A_20 = tpu.vector_load %arg9[%get3A_18, %get3A_19] {strides = array<i32>} : memref<4x16xf32, #tpu.memory_space<vmem>>, vector<16xf32>,
    %sub3A = arith.subf %get3A_16, %get3A_8 : vector<16xf32>
    %sub3A_21 = arith.subf %get3A_20, %get3A_12 : vector<16xf32>
    %add3A_22 = arith.addf %get3A_8, %get3A_16 : vector<16xf32>
    %mul3A_23 = arith.constant 5.000000e-01 : f32
    %mul3A_24 = vector.broadcast %mul3A_23 : f32 to vector<16xf32>
    %mul3A_25 = arith.mulf %add3A_22, %mul3A_24 : vector<16xf32>
    %add3A_26 = arith.addf %get3A_12, %get3A_20 : vector<16xf32>
    %mul3A_27 = arith.constant 5.000000e-01 : f32
    %mul3A_28 = vector.broadcast %mul3A_27 : f32 to vector<16xf32>
    %mul3A_29 = arith.mulf %add3A_26, %mul3A_28 : vector<16xf32>
    %mul3A_30 = arith.mulf %get3A_16, %get3A_20 : vector<16xf32>
    %sub3A_31 = arith.constant 2.000000e+00 : f32
    %sub3A_32 = vector.broadcast %sub3A_31 : f32 to vector<16xf32>
    %sub3A_33 = arith.subf %sub3A_32, %mul3A_30 : vector<16xf32>
    %mul3A_34 = arith.mulf %sub3A, %sub3A_21 : vector<16xf32>
    %mul3A_35 = arith.constant 5.200000e+01 : f32
    %mul3A_36 = vector.broadcast %mul3A_35 : f32 to vector<16xf32>
    %mul3A_37 = arith.mulf %mul3A_25, %mul3A_36 : vector<16xf32>
    %convert_element_type3A = arith.fptosi %mul3A_37 : vector<16xf32> to vector<16xi32>
    %mul3A_38 = arith.constant 5.200000e+01 : f32
    %mul3A_39 = vector.broadcast %mul3A_38 : f32 to vector<16xf32>
    %mul3A_40 = arith.mulf %mul3A_29, %mul3A_39 : vector<16xf32>
    %convert_element_type3A_41 = arith.fptosi %mul3A_40 : vector<16xf32> to vector<16xi32>
    %mul3A_42 = arith.constant 52 : i32
    %mul3A_43 = vector.broadcast %mul3A_42 : i32 to vector<16xi32>
    %mul3A_44 = arith.muli %convert_element_type3A_41, %mul3A_43 : vector<16xi32>
    %add3A_45 = arith.constant 0 : i32
    %add3A_46 = vector.broadcast %add3A_45 : i32 to vector<16xi32>
    %add3A_47 = arith.addi %add3A_46, %mul3A_44 : vector<16xi32>
    %add3A_48 = arith.addi %add3A_47, %convert_element_type3A : vector<16xi32>
    %mul3A_49 = arith.constant 3 : i32
    %mul3A_50 = vector.broadcast %mul3A_49 : i32 to vector<16xi32>
    %mul3A_51 = arith.muli %add3A_48, %mul3A_50 : vector<16xi32>
    %mul3A_52 = arith.constant 2.600000e+01 : f32
    %mul3A_53 = vector.broadcast %mul3A_52 : f32 to vector<16xf32>
    %mul3A_54 = arith.mulf %mul3A_25, %mul3A_53 : vector<16xf32>
    %convert_element_type3A_55 = arith.fptosi %mul3A_54 : vector<16xf32> to vector<16xi32>
    %mul3A_56 = arith.constant 2.600000e+01 : f32
    %mul3A_57 = vector.broadcast %mul3A_56 : f32 to vector<16xf32>
    %mul3A_58 = arith.mulf %mul3A_29, %mul3A_57 : vector<16xf32>
    %convert_element_type3A_59 = arith.fptosi %mul3A_58 : vector<16xf32> to vector<16xi32>
    %mul3A_60 = arith.constant 26 : i32
    %mul3A_61 = vector.broadcast %mul3A_60 : i32 to vector<16xi32>
    %mul3A_62 = arith.muli %convert_element_type3A_59, %mul3A_61 : vector<16xi32>
    %add3A_63 = arith.constant 2704 : i32
    %add3A_64 = vector.broadcast %add3A_63 : i32 to vector<16xi32>
    %add3A_65 = arith.addi %add3A_64, %mul3A_62 : vector<16xi32>
    %add3A_66 = arith.addi %add3A_65, %convert_element_type3A_55 : vector<16xi32>
    %mul3A_67 = arith.constant 3 : i32
    %mul3A_68 = vector.broadcast %mul3A_67 : i32 to vector<16xi32>
    %mul3A_69 = arith.muli %add3A_66, %mul3A_68 : vector<16xi32>
    %mul3A_70 = arith.constant 1.300000e+01 : f32
    %mul3A_71 = vector.broadcast %mul3A_70 : f32 to vector<16xf32>
    %mul3A_72 = arith.mulf %mul3A_25, %mul3A_71 : vector<16xf32>
    %convert_element_type3A_73 = arith.fptosi %mul3A_72 : vector<16xf32> to vector<16xi32>
    %mul3A_74 = arith.constant 1.300000e+01 : f32
    %mul3A_75 = vector.broadcast %mul3A_74 : f32 to vector<16xf32>
    %mul3A_76 = arith.mulf %mul3A_29, %mul3A_75 : vector<16xf32>
    %convert_element_type3A_77 = arith.fptosi %mul3A_76 : vector<16xf32> to vector<16xi32>
    %mul3A_78 = arith.constant 13 : i32
    %mul3A_79 = vector.broadcast %mul3A_78 : i32 to vector<16xi32>
    %mul3A_80 = arith.muli %convert_element_type3A_77, %mul3A_79 : vector<16xi32>
    %add3A_81 = arith.constant 3380 : i32
    %add3A_82 = vector.broadcast %add3A_81 : i32 to vector<16xi32>
    %add3A_83 = arith.addi %add3A_82, %mul3A_80 : vector<16xi32>
    %add3A_84 = arith.addi %add3A_83, %convert_element_type3A_73 : vector<16xi32>
    %mul3A_85 = arith.constant 3 : i32
    %mul3A_86 = vector.broadcast %mul3A_85 : i32 to vector<16xi32>
    %mul3A_87 = arith.muli %add3A_84, %mul3A_86 : vector<16xi32>
    %broadcast_in_dim3A = arith.constant -1.000000e+00 : f32
    %broadcast_in_dim3A_88 = vector.broadcast %broadcast_in_dim3A : f32 to vector<16xf32>
    %broadcast_in_dim3A_89 = arith.constant 0 : i32
    %broadcast_in_dim3A_90 = vector.broadcast %broadcast_in_dim3A_89 : i32 to vector<16xi32>
    %broadcast_in_dim3A_91 = arith.constant 0 : i32
    %broadcast_in_dim3A_92 = vector.broadcast %broadcast_in_dim3A_91 : i32 to vector<16xi32>
    %broadcast_in_dim3A_93 = arith.constant 0.000000e+00 : f32
    %broadcast_in_dim3A_94 = vector.broadcast %broadcast_in_dim3A_93 : f32 to vector<16xf32>
    %broadcast_in_dim3A_95 = arith.constant 0.000000e+00 : f32
    %broadcast_in_dim3A_96 = vector.broadcast %broadcast_in_dim3A_95 : f32 to vector<16xf32>
    %min3A = arith.constant 0.024038462 : f32
    %min3A_97 = vector.broadcast %min3A : f32 to vector<16xf32>
    %min3A_98 = arith.minimumf %sub3A, %min3A_97 : vector<16xf32>
    %min3A_99 = arith.constant 3.125000e-02 : f32
    %min3A_100 = vector.broadcast %min3A_99 : f32 to vector<16xf32>
    %min3A_101 = arith.minimumf %sub3A_21, %min3A_100 : vector<16xf32>
    %mul3A_102 = arith.mulf %min3A_98, %min3A_101 : vector<16xf32>
    %add3A_103 = arith.constant 7.51201937E-4 : f32
    %add3A_104 = vector.broadcast %add3A_103 : f32 to vector<16xf32>
    %add3A_105 = arith.addf %mul3A_34, %add3A_104 : vector<16xf32>
    %sub3A_106 = arith.subf %add3A_105, %mul3A_102 : vector<16xf32>
    %add3A_107 = arith.constant 9.99999971E-10 : f32
    %add3A_108 = vector.broadcast %add3A_107 : f32 to vector<16xf32>
    %add3A_109 = arith.addf %sub3A_106, %add3A_108 : vector<16xf32>
    %div3A = arith.divf %mul3A_102, %add3A_109 : vector<16xf32>
    %gt3A = arith.constant 5.000000e-01 : f32
    %gt3A_110 = vector.broadcast %gt3A : f32 to vector<16xf32>
    %gt3A_111 = arith.cmpf ogt, %div3A, %gt3A_110 : vector<16xf32>
    %gt3A_112 = arith.cmpf ogt, %div3A, %broadcast_in_dim3A_88 : vector<16xf32>
    %select_n3A = arith.select %gt3A_112, %div3A, %broadcast_in_dim3A_88 : vector<16xi1>, vector<16xf32>
    %jit3A = arith.constant 0 : i32
    %broadcast_in_dim3A_113 = vector.broadcast %jit3A : i32 to vector<16xi32>
    %select_n3A_114 = arith.select %gt3A_112, %broadcast_in_dim3A_113, %broadcast_in_dim3A_90 : vector<16xi1>, vector<16xi32>
    %jit3A_115 = arith.constant 0 : i32
    %broadcast_in_dim3A_116 = vector.broadcast %jit3A_115 : i32 to vector<16xi32>
    %select_n3A_117 = arith.select %gt3A_112, %broadcast_in_dim3A_116, %broadcast_in_dim3A_92 : vector<16xi1>, vector<16xi32>
    %jit3A_118 = arith.constant 0.024038462 : f32
    %broadcast_in_dim3A_119 = vector.broadcast %jit3A_118 : f32 to vector<16xf32>
    %select_n3A_120 = arith.select %gt3A_112, %broadcast_in_dim3A_119, %broadcast_in_dim3A_94 : vector<16xi1>, vector<16xf32>
    %jit3A_121 = arith.constant 3.125000e-02 : f32
    %broadcast_in_dim3A_122 = vector.broadcast %jit3A_121 : f32 to vector<16xf32>
    %select_n3A_123 = arith.select %gt3A_112, %broadcast_in_dim3A_122, %broadcast_in_dim3A_96 : vector<16xi1>, vector<16xf32>
    %min3A_124 = arith.constant 0.0384615399 : f32
    %min3A_125 = vector.broadcast %min3A_124 : f32 to vector<16xf32>
    %min3A_126 = arith.minimumf %sub3A, %min3A_125 : vector<16xf32>
    %min3A_127 = arith.constant 0.072115384 : f32
    %min3A_128 = vector.broadcast %min3A_127 : f32 to vector<16xf32>
    %min3A_129 = arith.minimumf %sub3A_21, %min3A_128 : vector<16xf32>
    %mul3A_130 = arith.mulf %min3A_126, %min3A_129 : vector<16xf32>
    %add3A_131 = arith.constant 0.00277366862 : f32
    %add3A_132 = vector.broadcast %add3A_131 : f32 to vector<16xf32>
    %add3A_133 = arith.addf %mul3A_34, %add3A_132 : vector<16xf32>
    %sub3A_134 = arith.subf %add3A_133, %mul3A_130 : vector<16xf32>
    %add3A_135 = arith.constant 9.99999971E-10 : f32
    %add3A_136 = vector.broadcast %add3A_135 : f32 to vector<16xf32>
    %add3A_137 = arith.addf %sub3A_134, %add3A_136 : vector<16xf32>
    %div3A_138 = arith.divf %mul3A_130, %add3A_137 : vector<16xf32>
    %gt3A_139 = arith.constant 5.000000e-01 : f32
    %gt3A_140 = vector.broadcast %gt3A_139 : f32 to vector<16xf32>
    %gt3A_141 = arith.cmpf ogt, %div3A_138, %gt3A_140 : vector<16xf32>
    %or3A = arith.ori %gt3A_111, %gt3A_141 : vector<16xi1>
    %gt3A_142 = arith.cmpf ogt, %div3A_138, %select_n3A : vector<16xf32>
    %select_n3A_143 = arith.select %gt3A_142, %div3A_138, %select_n3A : vector<16xi1>, vector<16xf32>
    %jit3A_144 = arith.constant 1 : i32
    %broadcast_in_dim3A_145 = vector.broadcast %jit3A_144 : i32 to vector<16xi32>
    %select_n3A_146 = arith.select %gt3A_142, %broadcast_in_dim3A_145, %select_n3A_114 : vector<16xi1>, vector<16xi32>
    %jit3A_147 = arith.constant 0 : i32
    %broadcast_in_dim3A_148 = vector.broadcast %jit3A_147 : i32 to vector<16xi32>
    %select_n3A_149 = arith.select %gt3A_142, %broadcast_in_dim3A_148, %select_n3A_117 : vector<16xi1>, vector<16xi32>
    %jit3A_150 = arith.constant 0.0384615399 : f32
    %broadcast_in_dim3A_151 = vector.broadcast %jit3A_150 : f32 to vector<16xf32>
    %select_n3A_152 = arith.select %gt3A_142, %broadcast_in_dim3A_151, %select_n3A_120 : vector<16xi1>, vector<16xf32>
    %jit3A_153 = arith.constant 0.072115384 : f32
    %broadcast_in_dim3A_154 = vector.broadcast %jit3A_153 : f32 to vector<16xf32>
    %select_n3A_155 = arith.select %gt3A_142, %broadcast_in_dim3A_154, %select_n3A_123 : vector<16xi1>, vector<16xf32>
    %min3A_156 = arith.constant 0.0793269202 : f32
    %min3A_157 = vector.broadcast %min3A_156 : f32 to vector<16xf32>
    %min3A_158 = arith.minimumf %sub3A, %min3A_157 : vector<16xf32>
    %min3A_159 = arith.constant 0.0552884601 : f32
    %min3A_160 = vector.broadcast %min3A_159 : f32 to vector<16xf32>
    %min3A_161 = arith.minimumf %sub3A_21, %min3A_160 : vector<16xf32>
    %mul3A_162 = arith.mulf %min3A_158, %min3A_161 : vector<16xf32>
    %add3A_163 = arith.constant 0.00438586343 : f32
    %add3A_164 = vector.broadcast %add3A_163 : f32 to vector<16xf32>
    %add3A_165 = arith.addf %mul3A_34, %add3A_164 : vector<16xf32>
    %sub3A_166 = arith.subf %add3A_165, %mul3A_162 : vector<16xf32>
    %add3A_167 = arith.constant 9.99999971E-10 : f32
    %add3A_168 = vector.broadcast %add3A_167 : f32 to vector<16xf32>
    %add3A_169 = arith.addf %sub3A_166, %add3A_168 : vector<16xf32>
    %div3A_170 = arith.divf %mul3A_162, %add3A_169 : vector<16xf32>
    %gt3A_171 = arith.constant 5.000000e-01 : f32
    %gt3A_172 = vector.broadcast %gt3A_171 : f32 to vector<16xf32>
    %gt3A_173 = arith.cmpf ogt, %div3A_170, %gt3A_172 : vector<16xf32>
    %or3A_174 = arith.ori %or3A, %gt3A_173 : vector<16xi1>
    %gt3A_175 = arith.cmpf ogt, %div3A_170, %select_n3A_143 : vector<16xf32>
    %select_n3A_176 = arith.select %gt3A_175, %div3A_170, %select_n3A_143 : vector<16xi1>, vector<16xf32>
    %jit3A_177 = arith.constant 2 : i32
    %broadcast_in_dim3A_178 = vector.broadcast %jit3A_177 : i32 to vector<16xi32>
    %select_n3A_179 = arith.select %gt3A_175, %broadcast_in_dim3A_178, %select_n3A_146 : vector<16xi1>, vector<16xi32>
    %jit3A_180 = arith.constant 0 : i32
    %broadcast_in_dim3A_181 = vector.broadcast %jit3A_180 : i32 to vector<16xi32>
    %select_n3A_182 = arith.select %gt3A_175, %broadcast_in_dim3A_181, %select_n3A_149 : vector<16xi1>, vector<16xi32>
    %jit3A_183 = arith.constant 0.0793269202 : f32
    %broadcast_in_dim3A_184 = vector.broadcast %jit3A_183 : f32 to vector<16xf32>
    %select_n3A_185 = arith.select %gt3A_175, %broadcast_in_dim3A_184, %select_n3A_152 : vector<16xi1>, vector<16xf32>
    %jit3A_186 = arith.constant 0.0552884601 : f32
    %broadcast_in_dim3A_187 = vector.broadcast %jit3A_186 : f32 to vector<16xf32>
    %select_n3A_188 = arith.select %gt3A_175, %broadcast_in_dim3A_187, %select_n3A_155 : vector<16xi1>, vector<16xf32>
    %min3A_189 = arith.constant 0.072115384 : f32
    %min3A_190 = vector.broadcast %min3A_189 : f32 to vector<16xf32>
    %min3A_191 = arith.minimumf %sub3A, %min3A_190 : vector<16xf32>
    %min3A_192 = arith.constant 0.146634609 : f32
    %min3A_193 = vector.broadcast %min3A_192 : f32 to vector<16xf32>
    %min3A_194 = arith.minimumf %sub3A_21, %min3A_193 : vector<16xf32>
    %mul3A_195 = arith.mulf %min3A_191, %min3A_194 : vector<16xf32>
    %add3A_196 = arith.constant 0.0105746118 : f32
    %add3A_197 = vector.broadcast %add3A_196 : f32 to vector<16xf32>
    %add3A_198 = arith.addf %mul3A_34, %add3A_197 : vector<16xf32>
    %sub3A_199 = arith.subf %add3A_198, %mul3A_195 : vector<16xf32>
    %add3A_200 = arith.constant 9.99999971E-10 : f32
    %add3A_201 = vector.broadcast %add3A_200 : f32 to vector<16xf32>
    %add3A_202 = arith.addf %sub3A_199, %add3A_201 : vector<16xf32>
    %div3A_203 = arith.divf %mul3A_195, %add3A_202 : vector<16xf32>
    %gt3A_204 = arith.constant 5.000000e-01 : f32
    %gt3A_205 = vector.broadcast %gt3A_204 : f32 to vector<16xf32>
    %gt3A_206 = arith.cmpf ogt, %div3A_203, %gt3A_205 : vector<16xf32>
    %gt3A_207 = arith.cmpf ogt, %div3A_203, %select_n3A_176 : vector<16xf32>
    %select_n3A_208 = arith.select %gt3A_207, %div3A_203, %select_n3A_176 : vector<16xi1>, vector<16xf32>
    %jit3A_209 = arith.constant 3 : i32
    %broadcast_in_dim3A_210 = vector.broadcast %jit3A_209 : i32 to vector<16xi32>
    %select_n3A_211 = arith.select %gt3A_207, %broadcast_in_dim3A_210, %select_n3A_179 : vector<16xi1>, vector<16xi32>
    %jit3A_212 = arith.constant 1 : i32
    %broadcast_in_dim3A_213 = vector.broadcast %jit3A_212 : i32 to vector<16xi32>
    %select_n3A_214 = arith.select %gt3A_207, %broadcast_in_dim3A_213, %select_n3A_182 : vector<16xi1>, vector<16xi32>
    %jit3A_215 = arith.constant 0.072115384 : f32
    %broadcast_in_dim3A_216 = vector.broadcast %jit3A_215 : f32 to vector<16xf32>
    %select_n3A_217 = arith.select %gt3A_207, %broadcast_in_dim3A_216, %select_n3A_185 : vector<16xi1>, vector<16xf32>
    %jit3A_218 = arith.constant 0.146634609 : f32
    %broadcast_in_dim3A_219 = vector.broadcast %jit3A_218 : f32 to vector<16xf32>
    %select_n3A_220 = arith.select %gt3A_207, %broadcast_in_dim3A_219, %select_n3A_188 : vector<16xi1>, vector<16xf32>
    %min3A_221 = arith.constant 0.149038464 : f32
    %min3A_222 = vector.broadcast %min3A_221 : f32 to vector<16xf32>
    %min3A_223 = arith.minimumf %sub3A, %min3A_222 : vector<16xf32>
    %min3A_224 = arith.constant 0.10817308 : f32
    %min3A_225 = vector.broadcast %min3A_224 : f32 to vector<16xf32>
    %min3A_226 = arith.minimumf %sub3A_21, %min3A_225 : vector<16xf32>
    %mul3A_227 = arith.mulf %min3A_223, %min3A_226 : vector<16xf32>
    %add3A_228 = arith.constant 0.0161219481 : f32
    %add3A_229 = vector.broadcast %add3A_228 : f32 to vector<16xf32>
    %add3A_230 = arith.addf %mul3A_34, %add3A_229 : vector<16xf32>
    %sub3A_231 = arith.subf %add3A_230, %mul3A_227 : vector<16xf32>
    %add3A_232 = arith.constant 9.99999971E-10 : f32
    %add3A_233 = vector.broadcast %add3A_232 : f32 to vector<16xf32>
    %add3A_234 = arith.addf %sub3A_231, %add3A_233 : vector<16xf32>
    %div3A_235 = arith.divf %mul3A_227, %add3A_234 : vector<16xf32>
    %gt3A_236 = arith.constant 5.000000e-01 : f32
    %gt3A_237 = vector.broadcast %gt3A_236 : f32 to vector<16xf32>
    %gt3A_238 = arith.cmpf ogt, %div3A_235, %gt3A_237 : vector<16xf32>
    %or3A_239 = arith.ori %gt3A_206, %gt3A_238 : vector<16xi1>
    %gt3A_240 = arith.cmpf ogt, %div3A_235, %select_n3A_208 : vector<16xf32>
    %select_n3A_241 = arith.select %gt3A_240, %div3A_235, %select_n3A_208 : vector<16xi1>, vector<16xf32>
    %jit3A_242 = arith.constant 4 : i32
    %broadcast_in_dim3A_243 = vector.broadcast %jit3A_242 : i32 to vector<16xi32>
    %select_n3A_244 = arith.select %gt3A_240, %broadcast_in_dim3A_243, %select_n3A_211 : vector<16xi1>, vector<16xi32>
    %jit3A_245 = arith.constant 1 : i32
    %broadcast_in_dim3A_246 = vector.broadcast %jit3A_245 : i32 to vector<16xi32>
    %select_n3A_247 = arith.select %gt3A_240, %broadcast_in_dim3A_246, %select_n3A_214 : vector<16xi1>, vector<16xi32>
    %jit3A_248 = arith.constant 0.149038464 : f32
    %broadcast_in_dim3A_249 = vector.broadcast %jit3A_248 : f32 to vector<16xf32>
    %select_n3A_250 = arith.select %gt3A_240, %broadcast_in_dim3A_249, %select_n3A_217 : vector<16xi1>, vector<16xf32>
    %jit3A_251 = arith.constant 0.10817308 : f32
    %broadcast_in_dim3A_252 = vector.broadcast %jit3A_251 : f32 to vector<16xf32>
    %select_n3A_253 = arith.select %gt3A_240, %broadcast_in_dim3A_252, %select_n3A_220 : vector<16xi1>, vector<16xf32>
    %min3A_254 = arith.constant 0.141826928 : f32
    %min3A_255 = vector.broadcast %min3A_254 : f32 to vector<16xf32>
    %min3A_256 = arith.minimumf %sub3A, %min3A_255 : vector<16xf32>
    %min3A_257 = arith.constant 0.286057681 : f32
    %min3A_258 = vector.broadcast %min3A_257 : f32 to vector<16xf32>
    %min3A_259 = arith.minimumf %sub3A_21, %min3A_258 : vector<16xf32>
    %mul3A_260 = arith.mulf %min3A_256, %min3A_259 : vector<16xf32>
    %add3A_261 = arith.constant 0.0405706838 : f32
    %add3A_262 = vector.broadcast %add3A_261 : f32 to vector<16xf32>
    %add3A_263 = arith.addf %mul3A_34, %add3A_262 : vector<16xf32>
    %sub3A_264 = arith.subf %add3A_263, %mul3A_260 : vector<16xf32>
    %add3A_265 = arith.constant 9.99999971E-10 : f32
    %add3A_266 = vector.broadcast %add3A_265 : f32 to vector<16xf32>
    %add3A_267 = arith.addf %sub3A_264, %add3A_266 : vector<16xf32>
    %div3A_268 = arith.divf %mul3A_260, %add3A_267 : vector<16xf32>
    %gt3A_269 = arith.constant 5.000000e-01 : f32
    %gt3A_270 = vector.broadcast %gt3A_269 : f32 to vector<16xf32>
    %gt3A_271 = arith.cmpf ogt, %div3A_268, %gt3A_270 : vector<16xf32>
    %or3A_272 = arith.ori %or3A_239, %gt3A_271 : vector<16xi1>
    %gt3A_273 = arith.cmpf ogt, %div3A_268, %select_n3A_241 : vector<16xf32>
    %select_n3A_274 = arith.select %gt3A_273, %div3A_268, %select_n3A_241 : vector<16xi1>, vector<16xf32>
    %jit3A_275 = arith.constant 5 : i32
    %broadcast_in_dim3A_276 = vector.broadcast %jit3A_275 : i32 to vector<16xi32>
    %select_n3A_277 = arith.select %gt3A_273, %broadcast_in_dim3A_276, %select_n3A_244 : vector<16xi1>, vector<16xi32>
    %jit3A_278 = arith.constant 1 : i32
    %broadcast_in_dim3A_279 = vector.broadcast %jit3A_278 : i32 to vector<16xi32>
    %select_n3A_280 = arith.select %gt3A_273, %broadcast_in_dim3A_279, %select_n3A_247 : vector<16xi1>, vector<16xi32>
    %jit3A_281 = arith.constant 0.141826928 : f32
    %broadcast_in_dim3A_282 = vector.broadcast %jit3A_281 : f32 to vector<16xf32>
    %select_n3A_283 = arith.select %gt3A_273, %broadcast_in_dim3A_282, %select_n3A_250 : vector<16xi1>, vector<16xf32>
    %jit3A_284 = arith.constant 0.286057681 : f32
    %broadcast_in_dim3A_285 = vector.broadcast %jit3A_284 : f32 to vector<16xf32>
    %select_n3A_286 = arith.select %gt3A_273, %broadcast_in_dim3A_285, %select_n3A_253 : vector<16xi1>, vector<16xf32>
    %min3A_287 = arith.constant 0.278846145 : f32
    %min3A_288 = vector.broadcast %min3A_287 : f32 to vector<16xf32>
    %min3A_289 = arith.minimumf %sub3A, %min3A_288 : vector<16xf32>
    %min3A_290 = arith.constant 0.21634616 : f32
    %min3A_291 = vector.broadcast %min3A_290 : f32 to vector<16xf32>
    %min3A_292 = arith.minimumf %sub3A_21, %min3A_291 : vector<16xf32>
    %mul3A_293 = arith.mulf %min3A_289, %min3A_292 : vector<16xf32>
    %add3A_294 = arith.constant 0.0603272914 : f32
    %add3A_295 = vector.broadcast %add3A_294 : f32 to vector<16xf32>
    %add3A_296 = arith.addf %mul3A_34, %add3A_295 : vector<16xf32>
    %sub3A_297 = arith.subf %add3A_296, %mul3A_293 : vector<16xf32>
    %add3A_298 = arith.constant 9.99999971E-10 : f32
    %add3A_299 = vector.broadcast %add3A_298 : f32 to vector<16xf32>
    %add3A_300 = arith.addf %sub3A_297, %add3A_299 : vector<16xf32>
    %div3A_301 = arith.divf %mul3A_293, %add3A_300 : vector<16xf32>
    %gt3A_302 = arith.constant 5.000000e-01 : f32
    %gt3A_303 = vector.broadcast %gt3A_302 : f32 to vector<16xf32>
    %gt3A_304 = arith.cmpf ogt, %div3A_301, %gt3A_303 : vector<16xf32>
    %gt3A_305 = arith.cmpf ogt, %div3A_301, %select_n3A_274 : vector<16xf32>
    %select_n3A_306 = arith.select %gt3A_305, %div3A_301, %select_n3A_274 : vector<16xi1>, vector<16xf32>
    %jit3A_307 = arith.constant 6 : i32
    %broadcast_in_dim3A_308 = vector.broadcast %jit3A_307 : i32 to vector<16xi32>
    %select_n3A_309 = arith.select %gt3A_305, %broadcast_in_dim3A_308, %select_n3A_277 : vector<16xi1>, vector<16xi32>
    %jit3A_310 = arith.constant 2 : i32
    %broadcast_in_dim3A_311 = vector.broadcast %jit3A_310 : i32 to vector<16xi32>
    %select_n3A_312 = arith.select %gt3A_305, %broadcast_in_dim3A_311, %select_n3A_280 : vector<16xi1>, vector<16xi32>
    %jit3A_313 = arith.constant 0.278846145 : f32
    %broadcast_in_dim3A_314 = vector.broadcast %jit3A_313 : f32 to vector<16xf32>
    %select_n3A_315 = arith.select %gt3A_305, %broadcast_in_dim3A_314, %select_n3A_283 : vector<16xi1>, vector<16xf32>
    %jit3A_316 = arith.constant 0.21634616 : f32
    %broadcast_in_dim3A_317 = vector.broadcast %jit3A_316 : f32 to vector<16xf32>
    %select_n3A_318 = arith.select %gt3A_305, %broadcast_in_dim3A_317, %select_n3A_286 : vector<16xi1>, vector<16xf32>
    %min3A_319 = arith.constant 3.750000e-01 : f32
    %min3A_320 = vector.broadcast %min3A_319 : f32 to vector<16xf32>
    %min3A_321 = arith.minimumf %sub3A, %min3A_320 : vector<16xf32>
    %min3A_322 = arith.constant 0.475961536 : f32
    %min3A_323 = vector.broadcast %min3A_322 : f32 to vector<16xf32>
    %min3A_324 = arith.minimumf %sub3A_21, %min3A_323 : vector<16xf32>
    %mul3A_325 = arith.mulf %min3A_321, %min3A_324 : vector<16xf32>
    %add3A_326 = arith.constant 0.178485572 : f32
    %add3A_327 = vector.broadcast %add3A_326 : f32 to vector<16xf32>
    %add3A_328 = arith.addf %mul3A_34, %add3A_327 : vector<16xf32>
    %sub3A_329 = arith.subf %add3A_328, %mul3A_325 : vector<16xf32>
    %add3A_330 = arith.constant 9.99999971E-10 : f32
    %add3A_331 = vector.broadcast %add3A_330 : f32 to vector<16xf32>
    %add3A_332 = arith.addf %sub3A_329, %add3A_331 : vector<16xf32>
    %div3A_333 = arith.divf %mul3A_325, %add3A_332 : vector<16xf32>
    %gt3A_334 = arith.constant 5.000000e-01 : f32
    %gt3A_335 = vector.broadcast %gt3A_334 : f32 to vector<16xf32>
    %gt3A_336 = arith.cmpf ogt, %div3A_333, %gt3A_335 : vector<16xf32>
    %or3A_337 = arith.ori %gt3A_304, %gt3A_336 : vector<16xi1>
    %gt3A_338 = arith.cmpf ogt, %div3A_333, %select_n3A_306 : vector<16xf32>
    %select_n3A_339 = arith.select %gt3A_338, %div3A_333, %select_n3A_306 : vector<16xi1>, vector<16xf32>
    %jit3A_340 = arith.constant 7 : i32
    %broadcast_in_dim3A_341 = vector.broadcast %jit3A_340 : i32 to vector<16xi32>
    %select_n3A_342 = arith.select %gt3A_338, %broadcast_in_dim3A_341, %select_n3A_309 : vector<16xi1>, vector<16xi32>
    %jit3A_343 = arith.constant 2 : i32
    %broadcast_in_dim3A_344 = vector.broadcast %jit3A_343 : i32 to vector<16xi32>
    %select_n3A_345 = arith.select %gt3A_338, %broadcast_in_dim3A_344, %select_n3A_312 : vector<16xi1>, vector<16xi32>
    %jit3A_346 = arith.constant 3.750000e-01 : f32
    %broadcast_in_dim3A_347 = vector.broadcast %jit3A_346 : f32 to vector<16xf32>
    %select_n3A_348 = arith.select %gt3A_338, %broadcast_in_dim3A_347, %select_n3A_315 : vector<16xi1>, vector<16xf32>
    %jit3A_349 = arith.constant 0.475961536 : f32
    %broadcast_in_dim3A_350 = vector.broadcast %jit3A_349 : f32 to vector<16xf32>
    %select_n3A_351 = arith.select %gt3A_338, %broadcast_in_dim3A_350, %select_n3A_318 : vector<16xi1>, vector<16xf32>
    %min3A_352 = arith.constant 0.896634638 : f32
    %min3A_353 = vector.broadcast %min3A_352 : f32 to vector<16xf32>
    %min3A_354 = arith.minimumf %sub3A, %min3A_353 : vector<16xf32>
    %min3A_355 = arith.constant 0.783653855 : f32
    %min3A_356 = vector.broadcast %min3A_355 : f32 to vector<16xf32>
    %min3A_357 = arith.minimumf %sub3A_21, %min3A_356 : vector<16xf32>
    %mul3A_358 = arith.mulf %min3A_354, %min3A_357 : vector<16xf32>
    %add3A_359 = arith.constant 0.702651143 : f32
    %add3A_360 = vector.broadcast %add3A_359 : f32 to vector<16xf32>
    %add3A_361 = arith.addf %mul3A_34, %add3A_360 : vector<16xf32>
    %sub3A_362 = arith.subf %add3A_361, %mul3A_358 : vector<16xf32>
    %add3A_363 = arith.constant 9.99999971E-10 : f32
    %add3A_364 = vector.broadcast %add3A_363 : f32 to vector<16xf32>
    %add3A_365 = arith.addf %sub3A_362, %add3A_364 : vector<16xf32>
    %div3A_366 = arith.divf %mul3A_358, %add3A_365 : vector<16xf32>
    %gt3A_367 = arith.constant 5.000000e-01 : f32
    %gt3A_368 = vector.broadcast %gt3A_367 : f32 to vector<16xf32>
    %gt3A_369 = arith.cmpf ogt, %div3A_366, %gt3A_368 : vector<16xf32>
    %or3A_370 = arith.ori %or3A_337, %gt3A_369 : vector<16xi1>
    %gt3A_371 = arith.cmpf ogt, %div3A_366, %select_n3A_339 : vector<16xf32>
    %select_n3A_372 = arith.select %gt3A_371, %div3A_366, %select_n3A_339 : vector<16xi1>, vector<16xf32>
    %jit3A_373 = arith.constant 8 : i32
    %broadcast_in_dim3A_374 = vector.broadcast %jit3A_373 : i32 to vector<16xi32>
    %select_n3A_375 = arith.select %gt3A_371, %broadcast_in_dim3A_374, %select_n3A_342 : vector<16xi1>, vector<16xi32>
    %jit3A_376 = arith.constant 2 : i32
    %broadcast_in_dim3A_377 = vector.broadcast %jit3A_376 : i32 to vector<16xi32>
    %select_n3A_378 = arith.select %gt3A_371, %broadcast_in_dim3A_377, %select_n3A_345 : vector<16xi1>, vector<16xi32>
    %jit3A_379 = arith.constant 0.896634638 : f32
    %broadcast_in_dim3A_380 = vector.broadcast %jit3A_379 : f32 to vector<16xf32>
    %select_n3A_381 = arith.select %gt3A_371, %broadcast_in_dim3A_380, %select_n3A_348 : vector<16xi1>, vector<16xf32>
    %jit3A_382 = arith.constant 0.783653855 : f32
    %broadcast_in_dim3A_383 = vector.broadcast %jit3A_382 : f32 to vector<16xf32>
    %select_n3A_384 = arith.select %gt3A_371, %broadcast_in_dim3A_383, %select_n3A_351 : vector<16xi1>, vector<16xf32>
    %eq3A = arith.constant 0 : i32
    %eq3A_385 = vector.broadcast %eq3A : i32 to vector<16xi32>
    %eq3A_386 = arith.cmpi eq, %select_n3A_378, %eq3A_385 : vector<16xi32>
    %eq3A_387 = arith.constant 1 : i32
    %eq3A_388 = vector.broadcast %eq3A_387 : i32 to vector<16xi32>
    %eq3A_389 = arith.cmpi eq, %select_n3A_378, %eq3A_388 : vector<16xi32>
    %jit3A_390 = arith.constant 2.600000e+01 : f32
    %jit3A_391 = arith.constant 1.300000e+01 : f32
    %broadcast_in_dim3A_392 = vector.broadcast %jit3A_390 : f32 to vector<16xf32>
    %broadcast_in_dim3A_393 = vector.broadcast %jit3A_391 : f32 to vector<16xf32>
    %select_n3A_394 = arith.select %eq3A_389, %broadcast_in_dim3A_392, %broadcast_in_dim3A_393 : vector<16xi1>, vector<16xf32>
    %jit3A_395 = arith.constant 5.200000e+01 : f32
    %broadcast_in_dim3A_396 = vector.broadcast %jit3A_395 : f32 to vector<16xf32>
    %select_n3A_397 = arith.select %eq3A_386, %broadcast_in_dim3A_396, %select_n3A_394 : vector<16xi1>, vector<16xf32>
    %select_n3A_398 = arith.select %eq3A_389, %convert_element_type3A_55, %convert_element_type3A_73 : vector<16xi1>, vector<16xi32>
    %select_n3A_399 = arith.select %eq3A_386, %convert_element_type3A, %select_n3A_398 : vector<16xi1>, vector<16xi32>
    %convert_element_type3A_400 = arith.sitofp %select_n3A_399 : vector<16xi32> to vector<16xf32>
    %select_n3A_401 = arith.select %eq3A_389, %convert_element_type3A_59, %convert_element_type3A_77 : vector<16xi1>, vector<16xi32>
    %select_n3A_402 = arith.select %eq3A_386, %convert_element_type3A_41, %select_n3A_401 : vector<16xi1>, vector<16xi32>
    %convert_element_type3A_403 = arith.sitofp %select_n3A_402 : vector<16xi32> to vector<16xf32>
    %select_n3A_404 = arith.select %eq3A_389, %mul3A_69, %mul3A_87 : vector<16xi1>, vector<16xi32>
    %select_n3A_405 = arith.select %eq3A_386, %mul3A_51, %select_n3A_404 : vector<16xi1>, vector<16xi32>
    %mul3A_406 = arith.mulf %mul3A_25, %select_n3A_397 : vector<16xf32>
    %sub3A_407 = arith.subf %mul3A_406, %convert_element_type3A_400 : vector<16xf32>
    %mul3A_408 = arith.mulf %mul3A_29, %select_n3A_397 : vector<16xf32>
    %sub3A_409 = arith.subf %mul3A_408, %convert_element_type3A_403 : vector<16xf32>
    %div3A_410 = arith.divf %get3A_16, %select_n3A_381 : vector<16xf32>
    %bitcast3A = vector.bitcast %div3A_410 : vector<16xf32> to vector<16xi32>
    %shift_right_logical3A = arith.constant 23 : i32
    %shift_right_logical3A_411 = vector.broadcast %shift_right_logical3A : i32 to vector<16xi32>
    %shift_right_logical3A_412 = arith.shrui %bitcast3A, %shift_right_logical3A_411 : vector<16xi32>
    %sub3A_413 = arith.constant 127 : i32
    %sub3A_414 = vector.broadcast %sub3A_413 : i32 to vector<16xi32>
    %sub3A_415 = arith.subi %shift_right_logical3A_412, %sub3A_414 : vector<16xi32>
    %and3A = arith.constant 8388607 : i32
    %and3A_416 = vector.broadcast %and3A : i32 to vector<16xi32>
    %and3A_417 = arith.andi %bitcast3A, %and3A_416 : vector<16xi32>
    %or3A_418 = arith.constant 1065353216 : i32
    %or3A_419 = vector.broadcast %or3A_418 : i32 to vector<16xi32>
    %or3A_420 = arith.ori %and3A_417, %or3A_419 : vector<16xi32>
    %bitcast3A_421 = vector.bitcast %or3A_420 : vector<16xi32> to vector<16xf32>
    %gt3A_422 = arith.constant 1.41421354 : f32
    %gt3A_423 = vector.broadcast %gt3A_422 : f32 to vector<16xf32>
    %gt3A_424 = arith.cmpf ogt, %bitcast3A_421, %gt3A_423 : vector<16xf32>
    %mul3A_425 = arith.constant 5.000000e-01 : f32
    %mul3A_426 = vector.broadcast %mul3A_425 : f32 to vector<16xf32>
    %mul3A_427 = arith.mulf %bitcast3A_421, %mul3A_426 : vector<16xf32>
    %select_n3A_428 = arith.select %gt3A_424, %mul3A_427, %bitcast3A_421 : vector<16xi1>, vector<16xf32>
    %convert_element_type3A_429 = arith.extui %gt3A_424 : vector<16xi1> to vector<16xi32>
    %add3A_430 = arith.addi %sub3A_415, %convert_element_type3A_429 : vector<16xi32>
    %sub3A_431 = arith.constant 1.000000e+00 : f32
    %sub3A_432 = vector.broadcast %sub3A_431 : f32 to vector<16xf32>
    %sub3A_433 = arith.subf %select_n3A_428, %sub3A_432 : vector<16xf32>
    %add3A_434 = arith.constant 1.000000e+00 : f32
    %add3A_435 = vector.broadcast %add3A_434 : f32 to vector<16xf32>
    %add3A_436 = arith.addf %select_n3A_428, %add3A_435 : vector<16xf32>
    %div3A_437 = arith.divf %sub3A_433, %add3A_436 : vector<16xf32>
    %mul3A_438 = arith.mulf %div3A_437, %div3A_437 : vector<16xf32>
    %mul3A_439 = arith.constant 0.111111112 : f32
    %mul3A_440 = vector.broadcast %mul3A_439 : f32 to vector<16xf32>
    %mul3A_441 = arith.mulf %mul3A_438, %mul3A_440 : vector<16xf32>
    %add3A_442 = arith.constant 0.142857149 : f32
    %add3A_443 = vector.broadcast %add3A_442 : f32 to vector<16xf32>
    %add3A_444 = arith.addf %add3A_443, %mul3A_441 : vector<16xf32>
    %mul3A_445 = arith.mulf %mul3A_438, %add3A_444 : vector<16xf32>
    %add3A_446 = arith.constant 2.000000e-01 : f32
    %add3A_447 = vector.broadcast %add3A_446 : f32 to vector<16xf32>
    %add3A_448 = arith.addf %add3A_447, %mul3A_445 : vector<16xf32>
    %mul3A_449 = arith.mulf %mul3A_438, %add3A_448 : vector<16xf32>
    %add3A_450 = arith.constant 0.333333343 : f32
    %add3A_451 = vector.broadcast %add3A_450 : f32 to vector<16xf32>
    %add3A_452 = arith.addf %add3A_451, %mul3A_449 : vector<16xf32>
    %mul3A_453 = arith.mulf %mul3A_438, %add3A_452 : vector<16xf32>
    %add3A_454 = arith.constant 1.000000e+00 : f32
    %add3A_455 = vector.broadcast %add3A_454 : f32 to vector<16xf32>
    %add3A_456 = arith.addf %add3A_455, %mul3A_453 : vector<16xf32>
    %convert_element_type3A_457 = arith.sitofp %add3A_430 : vector<16xi32> to vector<16xf32>
    %mul3A_458 = arith.constant 0.693147182 : f32
    %mul3A_459 = vector.broadcast %mul3A_458 : f32 to vector<16xf32>
    %mul3A_460 = arith.mulf %convert_element_type3A_457, %mul3A_459 : vector<16xf32>
    %mul3A_461 = arith.constant 2.000000e+00 : f32
    %mul3A_462 = vector.broadcast %mul3A_461 : f32 to vector<16xf32>
    %mul3A_463 = arith.mulf %mul3A_462, %div3A_437 : vector<16xf32>
    %mul3A_464 = arith.mulf %mul3A_463, %add3A_456 : vector<16xf32>
    %add3A_465 = arith.addf %mul3A_460, %mul3A_464 : vector<16xf32>
    %div3A_466 = arith.divf %get3A_20, %select_n3A_384 : vector<16xf32>
    %bitcast3A_467 = vector.bitcast %div3A_466 : vector<16xf32> to vector<16xi32>
    %shift_right_logical3A_468 = arith.constant 23 : i32
    %shift_right_logical3A_469 = vector.broadcast %shift_right_logical3A_468 : i32 to vector<16xi32>
    %shift_right_logical3A_470 = arith.shrui %bitcast3A_467, %shift_right_logical3A_469 : vector<16xi32>
    %sub3A_471 = arith.constant 127 : i32
    %sub3A_472 = vector.broadcast %sub3A_471 : i32 to vector<16xi32>
    %sub3A_473 = arith.subi %shift_right_logical3A_470, %sub3A_472 : vector<16xi32>
    %and3A_474 = arith.constant 8388607 : i32
    %and3A_475 = vector.broadcast %and3A_474 : i32 to vector<16xi32>
    %and3A_476 = arith.andi %bitcast3A_467, %and3A_475 : vector<16xi32>
    %or3A_477 = arith.constant 1065353216 : i32
    %or3A_478 = vector.broadcast %or3A_477 : i32 to vector<16xi32>
    %or3A_479 = arith.ori %and3A_476, %or3A_478 : vector<16xi32>
    %bitcast3A_480 = vector.bitcast %or3A_479 : vector<16xi32> to vector<16xf32>
    %gt3A_481 = arith.constant 1.41421354 : f32
    %gt3A_482 = vector.broadcast %gt3A_481 : f32 to vector<16xf32>
    %gt3A_483 = arith.cmpf ogt, %bitcast3A_480, %gt3A_482 : vector<16xf32>
    %mul3A_484 = arith.constant 5.000000e-01 : f32
    %mul3A_485 = vector.broadcast %mul3A_484 : f32 to vector<16xf32>
    %mul3A_486 = arith.mulf %bitcast3A_480, %mul3A_485 : vector<16xf32>
    %select_n3A_487 = arith.select %gt3A_483, %mul3A_486, %bitcast3A_480 : vector<16xi1>, vector<16xf32>
    %convert_element_type3A_488 = arith.extui %gt3A_483 : vector<16xi1> to vector<16xi32>
    %add3A_489 = arith.addi %sub3A_473, %convert_element_type3A_488 : vector<16xi32>
    %sub3A_490 = arith.constant 1.000000e+00 : f32
    %sub3A_491 = vector.broadcast %sub3A_490 : f32 to vector<16xf32>
    %sub3A_492 = arith.subf %select_n3A_487, %sub3A_491 : vector<16xf32>
    %add3A_493 = arith.constant 1.000000e+00 : f32
    %add3A_494 = vector.broadcast %add3A_493 : f32 to vector<16xf32>
    %add3A_495 = arith.addf %select_n3A_487, %add3A_494 : vector<16xf32>
    %div3A_496 = arith.divf %sub3A_492, %add3A_495 : vector<16xf32>
    %mul3A_497 = arith.mulf %div3A_496, %div3A_496 : vector<16xf32>
    %mul3A_498 = arith.constant 0.111111112 : f32
    %mul3A_499 = vector.broadcast %mul3A_498 : f32 to vector<16xf32>
    %mul3A_500 = arith.mulf %mul3A_497, %mul3A_499 : vector<16xf32>
    %add3A_501 = arith.constant 0.142857149 : f32
    %add3A_502 = vector.broadcast %add3A_501 : f32 to vector<16xf32>
    %add3A_503 = arith.addf %add3A_502, %mul3A_500 : vector<16xf32>
    %mul3A_504 = arith.mulf %mul3A_497, %add3A_503 : vector<16xf32>
    %add3A_505 = arith.constant 2.000000e-01 : f32
    %add3A_506 = vector.broadcast %add3A_505 : f32 to vector<16xf32>
    %add3A_507 = arith.addf %add3A_506, %mul3A_504 : vector<16xf32>
    %mul3A_508 = arith.mulf %mul3A_497, %add3A_507 : vector<16xf32>
    %add3A_509 = arith.constant 0.333333343 : f32
    %add3A_510 = vector.broadcast %add3A_509 : f32 to vector<16xf32>
    %add3A_511 = arith.addf %add3A_510, %mul3A_508 : vector<16xf32>
    %mul3A_512 = arith.mulf %mul3A_497, %add3A_511 : vector<16xf32>
    %add3A_513 = arith.constant 1.000000e+00 : f32
    %add3A_514 = vector.broadcast %add3A_513 : f32 to vector<16xf32>
    %add3A_515 = arith.addf %add3A_514, %mul3A_512 : vector<16xf32>
    %convert_element_type3A_516 = arith.sitofp %add3A_489 : vector<16xi32> to vector<16xf32>
    %mul3A_517 = arith.constant 0.693147182 : f32
    %mul3A_518 = vector.broadcast %mul3A_517 : f32 to vector<16xf32>
    %mul3A_519 = arith.mulf %convert_element_type3A_516, %mul3A_518 : vector<16xf32>
    %mul3A_520 = arith.constant 2.000000e+00 : f32
    %mul3A_521 = vector.broadcast %mul3A_520 : f32 to vector<16xf32>
    %mul3A_522 = arith.mulf %mul3A_521, %div3A_496 : vector<16xf32>
    %mul3A_523 = arith.mulf %mul3A_522, %add3A_515 : vector<16xf32>
    %add3A_524 = arith.addf %mul3A_519, %mul3A_523 : vector<16xf32>
    %lt3A = arith.constant 8 : i32
    %lt3A_525 = vector.broadcast %lt3A : i32 to vector<16xi32>
    %lt3A_526 = arith.cmpi slt, %iota3A, %lt3A_525 : vector<16xi32>
    %sub3A_527 = arith.constant -1 : i32
    %sub3A_528 = vector.broadcast %sub3A_527 : i32 to vector<16xi32>
    %sub3A_529 = arith.subi %sub3A_528, %iota3A : vector<16xi32>
    %select_n3A_530 = arith.select %lt3A_526, %select_n3A_405, %sub3A_529 : vector<16xi1>, vector<16xi32>
    %and3A_531 = arith.andi %lt3A_526, %or3A_174 : vector<16xi1>
    %sub3A_532 = arith.constant -100 : i32
    %sub3A_533 = vector.broadcast %sub3A_532 : i32 to vector<16xi32>
    %sub3A_534 = arith.subi %sub3A_533, %iota3A : vector<16xi32>
    %select_n3A_535 = arith.select %and3A_531, %mul3A_51, %sub3A_534 : vector<16xi1>, vector<16xi32>
    %and3A_536 = arith.andi %lt3A_526, %or3A_272 : vector<16xi1>
    %sub3A_537 = arith.constant -116 : i32
    %sub3A_538 = vector.broadcast %sub3A_537 : i32 to vector<16xi32>
    %sub3A_539 = arith.subi %sub3A_538, %iota3A : vector<16xi32>
    %select_n3A_540 = arith.select %and3A_536, %mul3A_69, %sub3A_539 : vector<16xi1>, vector<16xi32>
    %and3A_541 = arith.andi %lt3A_526, %or3A_370 : vector<16xi1>
    %sub3A_542 = arith.constant -132 : i32
    %sub3A_543 = vector.broadcast %sub3A_542 : i32 to vector<16xi32>
    %sub3A_544 = arith.subi %sub3A_543, %iota3A : vector<16xi32>
    %select_n3A_545 = arith.select %and3A_541, %mul3A_87, %sub3A_544 : vector<16xi1>, vector<16xi32>
    %max3A = arith.constant 0 : i32
    %max3A_546 = vector.broadcast %max3A : i32 to vector<16xi32>
    %max3A_547 = arith.maxsi %select_n3A_530, %max3A_546 : vector<16xi32>
    %broadcast_in_dim3A_548 = arith.constant -1 : i32
    %broadcast_in_dim3A_549 = vector.broadcast %broadcast_in_dim3A_548 : i32 to vector<16xi32>
    %broadcast_in_dim3A_550 = arith.constant -1 : i32
    %broadcast_in_dim3A_551 = vector.broadcast %broadcast_in_dim3A_550 : i32 to vector<16xi32>
    %broadcast_in_dim3A_552 = arith.constant -1 : i32
    %broadcast_in_dim3A_553 = vector.broadcast %broadcast_in_dim3A_552 : i32 to vector<16xi32>
    %broadcast_in_dim3A_554 = arith.constant -1 : i32
    %broadcast_in_dim3A_555 = vector.broadcast %broadcast_in_dim3A_554 : i32 to vector<16xi32>
    %broadcast_in_dim3A_556 = arith.constant -1 : i32
    %broadcast_in_dim3A_557 = vector.broadcast %broadcast_in_dim3A_556 : i32 to vector<16xi32>
    %broadcast_in_dim3A_558 = arith.constant -1 : i32
    %broadcast_in_dim3A_559 = vector.broadcast %broadcast_in_dim3A_558 : i32 to vector<16xi32>
    %slice3A = vector.extract_strided_slice %select_n3A_530 {offsets = [0], sizes = [1], strides = [1]} : vector<16xi32> to vector<1xi32>
    %squeeze3A = vector.extract %slice3A[0] : i32 from vector<1xi32>
    %eq3A_560 = vector.broadcast %squeeze3A : i32 to vector<16xi32>
    %eq3A_561 = arith.cmpi eq, %select_n3A_530, %eq3A_560 : vector<16xi32>
    %max3A_562 = arith.constant 0 : i32
    %max3A_563 = vector.broadcast %max3A_562 : i32 to vector<16xi32>
    %max3A_564 = arith.maxsi %broadcast_in_dim3A_553, %max3A_563 : vector<16xi32>
    %select_n3A_565 = arith.select %eq3A_561, %max3A_564, %broadcast_in_dim3A_553 : vector<16xi1>, vector<16xi32>
    %eq3A_566 = vector.broadcast %squeeze3A : i32 to vector<16xi32>
    %eq3A_567 = arith.cmpi eq, %select_n3A_535, %eq3A_566 : vector<16xi32>
    %max3A_568 = arith.constant 0 : i32
    %max3A_569 = vector.broadcast %max3A_568 : i32 to vector<16xi32>
    %max3A_570 = arith.maxsi %broadcast_in_dim3A_555, %max3A_569 : vector<16xi32>
    %select_n3A_571 = arith.select %eq3A_567, %max3A_570, %broadcast_in_dim3A_555 : vector<16xi1>, vector<16xi32>
    %eq3A_572 = vector.broadcast %squeeze3A : i32 to vector<16xi32>
    %eq3A_573 = arith.cmpi eq, %select_n3A_540, %eq3A_572 : vector<16xi32>
    %max3A_574 = arith.constant 0 : i32
    %max3A_575 = vector.broadcast %max3A_574 : i32 to vector<16xi32>
    %max3A_576 = arith.maxsi %broadcast_in_dim3A_557, %max3A_575 : vector<16xi32>
    %select_n3A_577 = arith.select %eq3A_573, %max3A_576, %broadcast_in_dim3A_557 : vector<16xi1>, vector<16xi32>
    %eq3A_578 = vector.broadcast %squeeze3A : i32 to vector<16xi32>
    %eq3A_579 = arith.cmpi eq, %select_n3A_545, %eq3A_578 : vector<16xi32>
    %max3A_580 = arith.constant 0 : i32
    %max3A_581 = vector.broadcast %max3A_580 : i32 to vector<16xi32>
    %max3A_582 = arith.maxsi %broadcast_in_dim3A_559, %max3A_581 : vector<16xi32>
    %select_n3A_583 = arith.select %eq3A_579, %max3A_582, %broadcast_in_dim3A_559 : vector<16xi1>, vector<16xi32>
    %eq3A_584 = vector.broadcast %squeeze3A : i32 to vector<16xi32>
    %eq3A_585 = arith.cmpi eq, %select_n3A_530, %eq3A_584 : vector<16xi32>
    %max3A_586 = arith.constant 0 : i32
    %max3A_587 = vector.broadcast %max3A_586 : i32 to vector<16xi32>
    %max3A_588 = arith.maxsi %broadcast_in_dim3A_549, %max3A_587 : vector<16xi32>
    %select_n3A_589 = arith.select %eq3A_585, %max3A_588, %broadcast_in_dim3A_549 : vector<16xi1>, vector<16xi32>
    %slice3A_590 = vector.extract_strided_slice %select_n3A_535 {offsets = [0], sizes = [1], strides = [1]} : vector<16xi32> to vector<1xi32>
    %squeeze3A_591 = vector.extract %slice3A_590[0] : i32 from vector<1xi32>
    %eq3A_592 = vector.broadcast %squeeze3A_591 : i32 to vector<16xi32>
    %eq3A_593 = arith.cmpi eq, %select_n3A_530, %eq3A_592 : vector<16xi32>
    %max3A_594 = arith.constant 8 : i32
    %max3A_595 = vector.broadcast %max3A_594 : i32 to vector<16xi32>
    %max3A_596 = arith.maxsi %select_n3A_565, %max3A_595 : vector<16xi32>
    %select_n3A_597 = arith.select %eq3A_593, %max3A_596, %select_n3A_565 : vector<16xi1>, vector<16xi32>
    %eq3A_598 = vector.broadcast %squeeze3A_591 : i32 to vector<16xi32>
    %eq3A_599 = arith.cmpi eq, %select_n3A_535, %eq3A_598 : vector<16xi32>
    %max3A_600 = arith.constant 8 : i32
    %max3A_601 = vector.broadcast %max3A_600 : i32 to vector<16xi32>
    %max3A_602 = arith.maxsi %select_n3A_571, %max3A_601 : vector<16xi32>
    %select_n3A_603 = arith.select %eq3A_599, %max3A_602, %select_n3A_571 : vector<16xi1>, vector<16xi32>
    %eq3A_604 = vector.broadcast %squeeze3A_591 : i32 to vector<16xi32>
    %eq3A_605 = arith.cmpi eq, %select_n3A_540, %eq3A_604 : vector<16xi32>
    %max3A_606 = arith.constant 8 : i32
    %max3A_607 = vector.broadcast %max3A_606 : i32 to vector<16xi32>
    %max3A_608 = arith.maxsi %select_n3A_577, %max3A_607 : vector<16xi32>
    %select_n3A_609 = arith.select %eq3A_605, %max3A_608, %select_n3A_577 : vector<16xi1>, vector<16xi32>
    %eq3A_610 = vector.broadcast %squeeze3A_591 : i32 to vector<16xi32>
    %eq3A_611 = arith.cmpi eq, %select_n3A_545, %eq3A_610 : vector<16xi32>
    %max3A_612 = arith.constant 8 : i32
    %max3A_613 = vector.broadcast %max3A_612 : i32 to vector<16xi32>
    %max3A_614 = arith.maxsi %select_n3A_583, %max3A_613 : vector<16xi32>
    %select_n3A_615 = arith.select %eq3A_611, %max3A_614, %select_n3A_583 : vector<16xi1>, vector<16xi32>
    %eq3A_616 = vector.broadcast %squeeze3A_591 : i32 to vector<16xi32>
    %eq3A_617 = arith.cmpi eq, %select_n3A_530, %eq3A_616 : vector<16xi32>
    %max3A_618 = arith.constant 0 : i32
    %max3A_619 = vector.broadcast %max3A_618 : i32 to vector<16xi32>
    %max3A_620 = arith.maxsi %broadcast_in_dim3A_551, %max3A_619 : vector<16xi32>
    %select_n3A_621 = arith.select %eq3A_617, %max3A_620, %broadcast_in_dim3A_551 : vector<16xi1>, vector<16xi32>
    %slice3A_622 = vector.extract_strided_slice %select_n3A_540 {offsets = [0], sizes = [1], strides = [1]} : vector<16xi32> to vector<1xi32>
    %squeeze3A_623 = vector.extract %slice3A_622[0] : i32 from vector<1xi32>
    %eq3A_624 = vector.broadcast %squeeze3A_623 : i32 to vector<16xi32>
    %eq3A_625 = arith.cmpi eq, %select_n3A_530, %eq3A_624 : vector<16xi32>
    %max3A_626 = arith.constant 16 : i32
    %max3A_627 = vector.broadcast %max3A_626 : i32 to vector<16xi32>
    %max3A_628 = arith.maxsi %select_n3A_597, %max3A_627 : vector<16xi32>
    %select_n3A_629 = arith.select %eq3A_625, %max3A_628, %select_n3A_597 : vector<16xi1>, vector<16xi32>
    %eq3A_630 = vector.broadcast %squeeze3A_623 : i32 to vector<16xi32>
    %eq3A_631 = arith.cmpi eq, %select_n3A_535, %eq3A_630 : vector<16xi32>
    %max3A_632 = arith.constant 16 : i32
    %max3A_633 = vector.broadcast %max3A_632 : i32 to vector<16xi32>
    %max3A_634 = arith.maxsi %select_n3A_603, %max3A_633 : vector<16xi32>
    %select_n3A_635 = arith.select %eq3A_631, %max3A_634, %select_n3A_603 : vector<16xi1>, vector<16xi32>
    %eq3A_636 = vector.broadcast %squeeze3A_623 : i32 to vector<16xi32>
    %eq3A_637 = arith.cmpi eq, %select_n3A_540, %eq3A_636 : vector<16xi32>
    %max3A_638 = arith.constant 16 : i32
    %max3A_639 = vector.broadcast %max3A_638 : i32 to vector<16xi32>
    %max3A_640 = arith.maxsi %select_n3A_609, %max3A_639 : vector<16xi32>
    %select_n3A_641 = arith.select %eq3A_637, %max3A_640, %select_n3A_609 : vector<16xi1>, vector<16xi32>
    %eq3A_642 = vector.broadcast %squeeze3A_623 : i32 to vector<16xi32>
    %eq3A_643 = arith.cmpi eq, %select_n3A_545, %eq3A_642 : vector<16xi32>
    %max3A_644 = arith.constant 16 : i32
    %max3A_645 = vector.broadcast %max3A_644 : i32 to vector<16xi32>
    %max3A_646 = arith.maxsi %select_n3A_615, %max3A_645 : vector<16xi32>
    %select_n3A_647 = arith.select %eq3A_643, %max3A_646, %select_n3A_615 : vector<16xi1>, vector<16xi32>
    %eq3A_648 = vector.broadcast %squeeze3A_623 : i32 to vector<16xi32>
    %eq3A_649 = arith.cmpi eq, %select_n3A_530, %eq3A_648 : vector<16xi32>
    %max3A_650 = arith.constant 0 : i32
    %max3A_651 = vector.broadcast %max3A_650 : i32 to vector<16xi32>
    %max3A_652 = arith.maxsi %select_n3A_621, %max3A_651 : vector<16xi32>
    %select_n3A_653 = arith.select %eq3A_649, %max3A_652, %select_n3A_621 : vector<16xi1>, vector<16xi32>
    %slice3A_654 = vector.extract_strided_slice %select_n3A_545 {offsets = [0], sizes = [1], strides = [1]} : vector<16xi32> to vector<1xi32>
    %squeeze3A_655 = vector.extract %slice3A_654[0] : i32 from vector<1xi32>
    %eq3A_656 = vector.broadcast %squeeze3A_655 : i32 to vector<16xi32>
    %eq3A_657 = arith.cmpi eq, %select_n3A_530, %eq3A_656 : vector<16xi32>
    %max3A_658 = arith.constant 24 : i32
    %max3A_659 = vector.broadcast %max3A_658 : i32 to vector<16xi32>
    %max3A_660 = arith.maxsi %select_n3A_629, %max3A_659 : vector<16xi32>
    %select_n3A_661 = arith.select %eq3A_657, %max3A_660, %select_n3A_629 : vector<16xi1>, vector<16xi32>
    %eq3A_662 = vector.broadcast %squeeze3A_655 : i32 to vector<16xi32>
    %eq3A_663 = arith.cmpi eq, %select_n3A_535, %eq3A_662 : vector<16xi32>
    %max3A_664 = arith.constant 24 : i32
    %max3A_665 = vector.broadcast %max3A_664 : i32 to vector<16xi32>
    %max3A_666 = arith.maxsi %select_n3A_635, %max3A_665 : vector<16xi32>
    %select_n3A_667 = arith.select %eq3A_663, %max3A_666, %select_n3A_635 : vector<16xi1>, vector<16xi32>
    %eq3A_668 = vector.broadcast %squeeze3A_655 : i32 to vector<16xi32>
    %eq3A_669 = arith.cmpi eq, %select_n3A_540, %eq3A_668 : vector<16xi32>
    %max3A_670 = arith.constant 24 : i32
    %max3A_671 = vector.broadcast %max3A_670 : i32 to vector<16xi32>
    %max3A_672 = arith.maxsi %select_n3A_641, %max3A_671 : vector<16xi32>
    %select_n3A_673 = arith.select %eq3A_669, %max3A_672, %select_n3A_641 : vector<16xi1>, vector<16xi32>
    %eq3A_674 = vector.broadcast %squeeze3A_655 : i32 to vector<16xi32>
    %eq3A_675 = arith.cmpi eq, %select_n3A_545, %eq3A_674 : vector<16xi32>
    %max3A_676 = arith.constant 24 : i32
    %max3A_677 = vector.broadcast %max3A_676 : i32 to vector<16xi32>
    %max3A_678 = arith.maxsi %select_n3A_647, %max3A_677 : vector<16xi32>
    %select_n3A_679 = arith.select %eq3A_675, %max3A_678, %select_n3A_647 : vector<16xi1>, vector<16xi32>
    %eq3A_680 = vector.broadcast %squeeze3A_655 : i32 to vector<16xi32>
    %eq3A_681 = arith.cmpi eq, %select_n3A_530, %eq3A_680 : vector<16xi32>
    %max3A_682 = arith.constant 0 : i32
    %max3A_683 = vector.broadcast %max3A_682 : i32 to vector<16xi32>
    %max3A_684 = arith.maxsi %select_n3A_653, %max3A_683 : vector<16xi32>
    %select_n3A_685 = arith.select %eq3A_681, %max3A_684, %select_n3A_653 : vector<16xi1>, vector<16xi32>
    %slice3A_686 = vector.extract_strided_slice %select_n3A_530 {offsets = [1], sizes = [1], strides = [1]} : vector<16xi32> to vector<1xi32>
    %squeeze3A_687 = vector.extract %slice3A_686[0] : i32 from vector<1xi32>
    %eq3A_688 = vector.broadcast %squeeze3A_687 : i32 to vector<16xi32>
    %eq3A_689 = arith.cmpi eq, %select_n3A_530, %eq3A_688 : vector<16xi32>
    %max3A_690 = arith.constant 1 : i32
    %max3A_691 = vector.broadcast %max3A_690 : i32 to vector<16xi32>
    %max3A_692 = arith.maxsi %select_n3A_661, %max3A_691 : vector<16xi32>
    %select_n3A_693 = arith.select %eq3A_689, %max3A_692, %select_n3A_661 : vector<16xi1>, vector<16xi32>
    %eq3A_694 = vector.broadcast %squeeze3A_687 : i32 to vector<16xi32>
    %eq3A_695 = arith.cmpi eq, %select_n3A_535, %eq3A_694 : vector<16xi32>
    %max3A_696 = arith.constant 1 : i32
    %max3A_697 = vector.broadcast %max3A_696 : i32 to vector<16xi32>
    %max3A_698 = arith.maxsi %select_n3A_667, %max3A_697 : vector<16xi32>
    %select_n3A_699 = arith.select %eq3A_695, %max3A_698, %select_n3A_667 : vector<16xi1>, vector<16xi32>
    %eq3A_700 = vector.broadcast %squeeze3A_687 : i32 to vector<16xi32>
    %eq3A_701 = arith.cmpi eq, %select_n3A_540, %eq3A_700 : vector<16xi32>
    %max3A_702 = arith.constant 1 : i32
    %max3A_703 = vector.broadcast %max3A_702 : i32 to vector<16xi32>
    %max3A_704 = arith.maxsi %select_n3A_673, %max3A_703 : vector<16xi32>
    %select_n3A_705 = arith.select %eq3A_701, %max3A_704, %select_n3A_673 : vector<16xi1>, vector<16xi32>
    %eq3A_706 = vector.broadcast %squeeze3A_687 : i32 to vector<16xi32>
    %eq3A_707 = arith.cmpi eq, %select_n3A_545, %eq3A_706 : vector<16xi32>
    %max3A_708 = arith.constant 1 : i32
    %max3A_709 = vector.broadcast %max3A_708 : i32 to vector<16xi32>
    %max3A_710 = arith.maxsi %select_n3A_679, %max3A_709 : vector<16xi32>
    %select_n3A_711 = arith.select %eq3A_707, %max3A_710, %select_n3A_679 : vector<16xi1>, vector<16xi32>
    %eq3A_712 = vector.broadcast %squeeze3A_687 : i32 to vector<16xi32>
    %eq3A_713 = arith.cmpi eq, %select_n3A_530, %eq3A_712 : vector<16xi32>
    %max3A_714 = arith.constant 1 : i32
    %max3A_715 = vector.broadcast %max3A_714 : i32 to vector<16xi32>
    %max3A_716 = arith.maxsi %select_n3A_589, %max3A_715 : vector<16xi32>
    %select_n3A_717 = arith.select %eq3A_713, %max3A_716, %select_n3A_589 : vector<16xi1>, vector<16xi32>
    %slice3A_718 = vector.extract_strided_slice %select_n3A_535 {offsets = [1], sizes = [1], strides = [1]} : vector<16xi32> to vector<1xi32>
    %squeeze3A_719 = vector.extract %slice3A_718[0] : i32 from vector<1xi32>
    %eq3A_720 = vector.broadcast %squeeze3A_719 : i32 to vector<16xi32>
    %eq3A_721 = arith.cmpi eq, %select_n3A_530, %eq3A_720 : vector<16xi32>
    %max3A_722 = arith.constant 9 : i32
    %max3A_723 = vector.broadcast %max3A_722 : i32 to vector<16xi32>
    %max3A_724 = arith.maxsi %select_n3A_693, %max3A_723 : vector<16xi32>
    %select_n3A_725 = arith.select %eq3A_721, %max3A_724, %select_n3A_693 : vector<16xi1>, vector<16xi32>
    %eq3A_726 = vector.broadcast %squeeze3A_719 : i32 to vector<16xi32>
    %eq3A_727 = arith.cmpi eq, %select_n3A_535, %eq3A_726 : vector<16xi32>
    %max3A_728 = arith.constant 9 : i32
    %max3A_729 = vector.broadcast %max3A_728 : i32 to vector<16xi32>
    %max3A_730 = arith.maxsi %select_n3A_699, %max3A_729 : vector<16xi32>
    %select_n3A_731 = arith.select %eq3A_727, %max3A_730, %select_n3A_699 : vector<16xi1>, vector<16xi32>
    %eq3A_732 = vector.broadcast %squeeze3A_719 : i32 to vector<16xi32>
    %eq3A_733 = arith.cmpi eq, %select_n3A_540, %eq3A_732 : vector<16xi32>
    %max3A_734 = arith.constant 9 : i32
    %max3A_735 = vector.broadcast %max3A_734 : i32 to vector<16xi32>
    %max3A_736 = arith.maxsi %select_n3A_705, %max3A_735 : vector<16xi32>
    %select_n3A_737 = arith.select %eq3A_733, %max3A_736, %select_n3A_705 : vector<16xi1>, vector<16xi32>
    %eq3A_738 = vector.broadcast %squeeze3A_719 : i32 to vector<16xi32>
    %eq3A_739 = arith.cmpi eq, %select_n3A_545, %eq3A_738 : vector<16xi32>
    %max3A_740 = arith.constant 9 : i32
    %max3A_741 = vector.broadcast %max3A_740 : i32 to vector<16xi32>
    %max3A_742 = arith.maxsi %select_n3A_711, %max3A_741 : vector<16xi32>
    %select_n3A_743 = arith.select %eq3A_739, %max3A_742, %select_n3A_711 : vector<16xi1>, vector<16xi32>
    %eq3A_744 = vector.broadcast %squeeze3A_719 : i32 to vector<16xi32>
    %eq3A_745 = arith.cmpi eq, %select_n3A_530, %eq3A_744 : vector<16xi32>
    %max3A_746 = arith.constant 1 : i32
    %max3A_747 = vector.broadcast %max3A_746 : i32 to vector<16xi32>
    %max3A_748 = arith.maxsi %select_n3A_685, %max3A_747 : vector<16xi32>
    %select_n3A_749 = arith.select %eq3A_745, %max3A_748, %select_n3A_685 : vector<16xi1>, vector<16xi32>
    %slice3A_750 = vector.extract_strided_slice %select_n3A_540 {offsets = [1], sizes = [1], strides = [1]} : vector<16xi32> to vector<1xi32>
    %squeeze3A_751 = vector.extract %slice3A_750[0] : i32 from vector<1xi32>
    %eq3A_752 = vector.broadcast %squeeze3A_751 : i32 to vector<16xi32>
    %eq3A_753 = arith.cmpi eq, %select_n3A_530, %eq3A_752 : vector<16xi32>
    %max3A_754 = arith.constant 17 : i32
    %max3A_755 = vector.broadcast %max3A_754 : i32 to vector<16xi32>
    %max3A_756 = arith.maxsi %select_n3A_725, %max3A_755 : vector<16xi32>
    %select_n3A_757 = arith.select %eq3A_753, %max3A_756, %select_n3A_725 : vector<16xi1>, vector<16xi32>
    %eq3A_758 = vector.broadcast %squeeze3A_751 : i32 to vector<16xi32>
    %eq3A_759 = arith.cmpi eq, %select_n3A_535, %eq3A_758 : vector<16xi32>
    %max3A_760 = arith.constant 17 : i32
    %max3A_761 = vector.broadcast %max3A_760 : i32 to vector<16xi32>
    %max3A_762 = arith.maxsi %select_n3A_731, %max3A_761 : vector<16xi32>
    %select_n3A_763 = arith.select %eq3A_759, %max3A_762, %select_n3A_731 : vector<16xi1>, vector<16xi32>
    %eq3A_764 = vector.broadcast %squeeze3A_751 : i32 to vector<16xi32>
    %eq3A_765 = arith.cmpi eq, %select_n3A_540, %eq3A_764 : vector<16xi32>
    %max3A_766 = arith.constant 17 : i32
    %max3A_767 = vector.broadcast %max3A_766 : i32 to vector<16xi32>
    %max3A_768 = arith.maxsi %select_n3A_737, %max3A_767 : vector<16xi32>
    %select_n3A_769 = arith.select %eq3A_765, %max3A_768, %select_n3A_737 : vector<16xi1>, vector<16xi32>
    %eq3A_770 = vector.broadcast %squeeze3A_751 : i32 to vector<16xi32>
    %eq3A_771 = arith.cmpi eq, %select_n3A_545, %eq3A_770 : vector<16xi32>
    %max3A_772 = arith.constant 17 : i32
    %max3A_773 = vector.broadcast %max3A_772 : i32 to vector<16xi32>
    %max3A_774 = arith.maxsi %select_n3A_743, %max3A_773 : vector<16xi32>
    %select_n3A_775 = arith.select %eq3A_771, %max3A_774, %select_n3A_743 : vector<16xi1>, vector<16xi32>
    %eq3A_776 = vector.broadcast %squeeze3A_751 : i32 to vector<16xi32>
    %eq3A_777 = arith.cmpi eq, %select_n3A_530, %eq3A_776 : vector<16xi32>
    %max3A_778 = arith.constant 1 : i32
    %max3A_779 = vector.broadcast %max3A_778 : i32 to vector<16xi32>
    %max3A_780 = arith.maxsi %select_n3A_749, %max3A_779 : vector<16xi32>
    %select_n3A_781 = arith.select %eq3A_777, %max3A_780, %select_n3A_749 : vector<16xi1>, vector<16xi32>
    %slice3A_782 = vector.extract_strided_slice %select_n3A_545 {offsets = [1], sizes = [1], strides = [1]} : vector<16xi32> to vector<1xi32>
    %squeeze3A_783 = vector.extract %slice3A_782[0] : i32 from vector<1xi32>
    %eq3A_784 = vector.broadcast %squeeze3A_783 : i32 to vector<16xi32>
    %eq3A_785 = arith.cmpi eq, %select_n3A_530, %eq3A_784 : vector<16xi32>
    %max3A_786 = arith.constant 25 : i32
    %max3A_787 = vector.broadcast %max3A_786 : i32 to vector<16xi32>
    %max3A_788 = arith.maxsi %select_n3A_757, %max3A_787 : vector<16xi32>
    %select_n3A_789 = arith.select %eq3A_785, %max3A_788, %select_n3A_757 : vector<16xi1>, vector<16xi32>
    %eq3A_790 = vector.broadcast %squeeze3A_783 : i32 to vector<16xi32>
    %eq3A_791 = arith.cmpi eq, %select_n3A_535, %eq3A_790 : vector<16xi32>
    %max3A_792 = arith.constant 25 : i32
    %max3A_793 = vector.broadcast %max3A_792 : i32 to vector<16xi32>
    %max3A_794 = arith.maxsi %select_n3A_763, %max3A_793 : vector<16xi32>
    %select_n3A_795 = arith.select %eq3A_791, %max3A_794, %select_n3A_763 : vector<16xi1>, vector<16xi32>
    %eq3A_796 = vector.broadcast %squeeze3A_783 : i32 to vector<16xi32>
    %eq3A_797 = arith.cmpi eq, %select_n3A_540, %eq3A_796 : vector<16xi32>
    %max3A_798 = arith.constant 25 : i32
    %max3A_799 = vector.broadcast %max3A_798 : i32 to vector<16xi32>
    %max3A_800 = arith.maxsi %select_n3A_769, %max3A_799 : vector<16xi32>
    %select_n3A_801 = arith.select %eq3A_797, %max3A_800, %select_n3A_769 : vector<16xi1>, vector<16xi32>
    %eq3A_802 = vector.broadcast %squeeze3A_783 : i32 to vector<16xi32>
    %eq3A_803 = arith.cmpi eq, %select_n3A_545, %eq3A_802 : vector<16xi32>
    %max3A_804 = arith.constant 25 : i32
    %max3A_805 = vector.broadcast %max3A_804 : i32 to vector<16xi32>
    %max3A_806 = arith.maxsi %select_n3A_775, %max3A_805 : vector<16xi32>
    %select_n3A_807 = arith.select %eq3A_803, %max3A_806, %select_n3A_775 : vector<16xi1>, vector<16xi32>
    %eq3A_808 = vector.broadcast %squeeze3A_783 : i32 to vector<16xi32>
    %eq3A_809 = arith.cmpi eq, %select_n3A_530, %eq3A_808 : vector<16xi32>
    %max3A_810 = arith.constant 1 : i32
    %max3A_811 = vector.broadcast %max3A_810 : i32 to vector<16xi32>
    %max3A_812 = arith.maxsi %select_n3A_781, %max3A_811 : vector<16xi32>
    %select_n3A_813 = arith.select %eq3A_809, %max3A_812, %select_n3A_781 : vector<16xi1>, vector<16xi32>
    %slice3A_814 = vector.extract_strided_slice %select_n3A_530 {offsets = [2], sizes = [1], strides = [1]} : vector<16xi32> to vector<1xi32>
    %squeeze3A_815 = vector.extract %slice3A_814[0] : i32 from vector<1xi32>
    %eq3A_816 = vector.broadcast %squeeze3A_815 : i32 to vector<16xi32>
    %eq3A_817 = arith.cmpi eq, %select_n3A_530, %eq3A_816 : vector<16xi32>
    %max3A_818 = arith.constant 2 : i32
    %max3A_819 = vector.broadcast %max3A_818 : i32 to vector<16xi32>
    %max3A_820 = arith.maxsi %select_n3A_789, %max3A_819 : vector<16xi32>
    %select_n3A_821 = arith.select %eq3A_817, %max3A_820, %select_n3A_789 : vector<16xi1>, vector<16xi32>
    %eq3A_822 = vector.broadcast %squeeze3A_815 : i32 to vector<16xi32>
    %eq3A_823 = arith.cmpi eq, %select_n3A_535, %eq3A_822 : vector<16xi32>
    %max3A_824 = arith.constant 2 : i32
    %max3A_825 = vector.broadcast %max3A_824 : i32 to vector<16xi32>
    %max3A_826 = arith.maxsi %select_n3A_795, %max3A_825 : vector<16xi32>
    %select_n3A_827 = arith.select %eq3A_823, %max3A_826, %select_n3A_795 : vector<16xi1>, vector<16xi32>
    %eq3A_828 = vector.broadcast %squeeze3A_815 : i32 to vector<16xi32>
    %eq3A_829 = arith.cmpi eq, %select_n3A_540, %eq3A_828 : vector<16xi32>
    %max3A_830 = arith.constant 2 : i32
    %max3A_831 = vector.broadcast %max3A_830 : i32 to vector<16xi32>
    %max3A_832 = arith.maxsi %select_n3A_801, %max3A_831 : vector<16xi32>
    %select_n3A_833 = arith.select %eq3A_829, %max3A_832, %select_n3A_801 : vector<16xi1>, vector<16xi32>
    %eq3A_834 = vector.broadcast %squeeze3A_815 : i32 to vector<16xi32>
    %eq3A_835 = arith.cmpi eq, %select_n3A_545, %eq3A_834 : vector<16xi32>
    %max3A_836 = arith.constant 2 : i32
    %max3A_837 = vector.broadcast %max3A_836 : i32 to vector<16xi32>
    %max3A_838 = arith.maxsi %select_n3A_807, %max3A_837 : vector<16xi32>
    %select_n3A_839 = arith.select %eq3A_835, %max3A_838, %select_n3A_807 : vector<16xi1>, vector<16xi32>
    %eq3A_840 = vector.broadcast %squeeze3A_815 : i32 to vector<16xi32>
    %eq3A_841 = arith.cmpi eq, %select_n3A_530, %eq3A_840 : vector<16xi32>
    %max3A_842 = arith.constant 2 : i32
    %max3A_843 = vector.broadcast %max3A_842 : i32 to vector<16xi32>
    %max3A_844 = arith.maxsi %select_n3A_717, %max3A_843 : vector<16xi32>
    %select_n3A_845 = arith.select %eq3A_841, %max3A_844, %select_n3A_717 : vector<16xi1>, vector<16xi32>
    %slice3A_846 = vector.extract_strided_slice %select_n3A_535 {offsets = [2], sizes = [1], strides = [1]} : vector<16xi32> to vector<1xi32>
    %squeeze3A_847 = vector.extract %slice3A_846[0] : i32 from vector<1xi32>
    %eq3A_848 = vector.broadcast %squeeze3A_847 : i32 to vector<16xi32>
    %eq3A_849 = arith.cmpi eq, %select_n3A_530, %eq3A_848 : vector<16xi32>
    %max3A_850 = arith.constant 10 : i32
    %max3A_851 = vector.broadcast %max3A_850 : i32 to vector<16xi32>
    %max3A_852 = arith.maxsi %select_n3A_821, %max3A_851 : vector<16xi32>
    %select_n3A_853 = arith.select %eq3A_849, %max3A_852, %select_n3A_821 : vector<16xi1>, vector<16xi32>
    %eq3A_854 = vector.broadcast %squeeze3A_847 : i32 to vector<16xi32>
    %eq3A_855 = arith.cmpi eq, %select_n3A_535, %eq3A_854 : vector<16xi32>
    %max3A_856 = arith.constant 10 : i32
    %max3A_857 = vector.broadcast %max3A_856 : i32 to vector<16xi32>
    %max3A_858 = arith.maxsi %select_n3A_827, %max3A_857 : vector<16xi32>
    %select_n3A_859 = arith.select %eq3A_855, %max3A_858, %select_n3A_827 : vector<16xi1>, vector<16xi32>
    %eq3A_860 = vector.broadcast %squeeze3A_847 : i32 to vector<16xi32>
    %eq3A_861 = arith.cmpi eq, %select_n3A_540, %eq3A_860 : vector<16xi32>
    %max3A_862 = arith.constant 10 : i32
    %max3A_863 = vector.broadcast %max3A_862 : i32 to vector<16xi32>
    %max3A_864 = arith.maxsi %select_n3A_833, %max3A_863 : vector<16xi32>
    %select_n3A_865 = arith.select %eq3A_861, %max3A_864, %select_n3A_833 : vector<16xi1>, vector<16xi32>
    %eq3A_866 = vector.broadcast %squeeze3A_847 : i32 to vector<16xi32>
    %eq3A_867 = arith.cmpi eq, %select_n3A_545, %eq3A_866 : vector<16xi32>
    %max3A_868 = arith.constant 10 : i32
    %max3A_869 = vector.broadcast %max3A_868 : i32 to vector<16xi32>
    %max3A_870 = arith.maxsi %select_n3A_839, %max3A_869 : vector<16xi32>
    %select_n3A_871 = arith.select %eq3A_867, %max3A_870, %select_n3A_839 : vector<16xi1>, vector<16xi32>
    %eq3A_872 = vector.broadcast %squeeze3A_847 : i32 to vector<16xi32>
    %eq3A_873 = arith.cmpi eq, %select_n3A_530, %eq3A_872 : vector<16xi32>
    %max3A_874 = arith.constant 2 : i32
    %max3A_875 = vector.broadcast %max3A_874 : i32 to vector<16xi32>
    %max3A_876 = arith.maxsi %select_n3A_813, %max3A_875 : vector<16xi32>
    %select_n3A_877 = arith.select %eq3A_873, %max3A_876, %select_n3A_813 : vector<16xi1>, vector<16xi32>
    %slice3A_878 = vector.extract_strided_slice %select_n3A_540 {offsets = [2], sizes = [1], strides = [1]} : vector<16xi32> to vector<1xi32>
    %squeeze3A_879 = vector.extract %slice3A_878[0] : i32 from vector<1xi32>
    %eq3A_880 = vector.broadcast %squeeze3A_879 : i32 to vector<16xi32>
    %eq3A_881 = arith.cmpi eq, %select_n3A_530, %eq3A_880 : vector<16xi32>
    %max3A_882 = arith.constant 18 : i32
    %max3A_883 = vector.broadcast %max3A_882 : i32 to vector<16xi32>
    %max3A_884 = arith.maxsi %select_n3A_853, %max3A_883 : vector<16xi32>
    %select_n3A_885 = arith.select %eq3A_881, %max3A_884, %select_n3A_853 : vector<16xi1>, vector<16xi32>
    %eq3A_886 = vector.broadcast %squeeze3A_879 : i32 to vector<16xi32>
    %eq3A_887 = arith.cmpi eq, %select_n3A_535, %eq3A_886 : vector<16xi32>
    %max3A_888 = arith.constant 18 : i32
    %max3A_889 = vector.broadcast %max3A_888 : i32 to vector<16xi32>
    %max3A_890 = arith.maxsi %select_n3A_859, %max3A_889 : vector<16xi32>
    %select_n3A_891 = arith.select %eq3A_887, %max3A_890, %select_n3A_859 : vector<16xi1>, vector<16xi32>
    %eq3A_892 = vector.broadcast %squeeze3A_879 : i32 to vector<16xi32>
    %eq3A_893 = arith.cmpi eq, %select_n3A_540, %eq3A_892 : vector<16xi32>
    %max3A_894 = arith.constant 18 : i32
    %max3A_895 = vector.broadcast %max3A_894 : i32 to vector<16xi32>
    %max3A_896 = arith.maxsi %select_n3A_865, %max3A_895 : vector<16xi32>
    %select_n3A_897 = arith.select %eq3A_893, %max3A_896, %select_n3A_865 : vector<16xi1>, vector<16xi32>
    %eq3A_898 = vector.broadcast %squeeze3A_879 : i32 to vector<16xi32>
    %eq3A_899 = arith.cmpi eq, %select_n3A_545, %eq3A_898 : vector<16xi32>
    %max3A_900 = arith.constant 18 : i32
    %max3A_901 = vector.broadcast %max3A_900 : i32 to vector<16xi32>
    %max3A_902 = arith.maxsi %select_n3A_871, %max3A_901 : vector<16xi32>
    %select_n3A_903 = arith.select %eq3A_899, %max3A_902, %select_n3A_871 : vector<16xi1>, vector<16xi32>
    %eq3A_904 = vector.broadcast %squeeze3A_879 : i32 to vector<16xi32>
    %eq3A_905 = arith.cmpi eq, %select_n3A_530, %eq3A_904 : vector<16xi32>
    %max3A_906 = arith.constant 2 : i32
    %max3A_907 = vector.broadcast %max3A_906 : i32 to vector<16xi32>
    %max3A_908 = arith.maxsi %select_n3A_877, %max3A_907 : vector<16xi32>
    %select_n3A_909 = arith.select %eq3A_905, %max3A_908, %select_n3A_877 : vector<16xi1>, vector<16xi32>
    %slice3A_910 = vector.extract_strided_slice %select_n3A_545 {offsets = [2], sizes = [1], strides = [1]} : vector<16xi32> to vector<1xi32>
    %squeeze3A_911 = vector.extract %slice3A_910[0] : i32 from vector<1xi32>
    %eq3A_912 = vector.broadcast %squeeze3A_911 : i32 to vector<16xi32>
    %eq3A_913 = arith.cmpi eq, %select_n3A_530, %eq3A_912 : vector<16xi32>
    %max3A_914 = arith.constant 26 : i32
    %max3A_915 = vector.broadcast %max3A_914 : i32 to vector<16xi32>
    %max3A_916 = arith.maxsi %select_n3A_885, %max3A_915 : vector<16xi32>
    %select_n3A_917 = arith.select %eq3A_913, %max3A_916, %select_n3A_885 : vector<16xi1>, vector<16xi32>
    %eq3A_918 = vector.broadcast %squeeze3A_911 : i32 to vector<16xi32>
    %eq3A_919 = arith.cmpi eq, %select_n3A_535, %eq3A_918 : vector<16xi32>
    %max3A_920 = arith.constant 26 : i32
    %max3A_921 = vector.broadcast %max3A_920 : i32 to vector<16xi32>
    %max3A_922 = arith.maxsi %select_n3A_891, %max3A_921 : vector<16xi32>
    %select_n3A_923 = arith.select %eq3A_919, %max3A_922, %select_n3A_891 : vector<16xi1>, vector<16xi32>
    %eq3A_924 = vector.broadcast %squeeze3A_911 : i32 to vector<16xi32>
    %eq3A_925 = arith.cmpi eq, %select_n3A_540, %eq3A_924 : vector<16xi32>
    %max3A_926 = arith.constant 26 : i32
    %max3A_927 = vector.broadcast %max3A_926 : i32 to vector<16xi32>
    %max3A_928 = arith.maxsi %select_n3A_897, %max3A_927 : vector<16xi32>
    %select_n3A_929 = arith.select %eq3A_925, %max3A_928, %select_n3A_897 : vector<16xi1>, vector<16xi32>
    %eq3A_930 = vector.broadcast %squeeze3A_911 : i32 to vector<16xi32>
    %eq3A_931 = arith.cmpi eq, %select_n3A_545, %eq3A_930 : vector<16xi32>
    %max3A_932 = arith.constant 26 : i32
    %max3A_933 = vector.broadcast %max3A_932 : i32 to vector<16xi32>
    %max3A_934 = arith.maxsi %select_n3A_903, %max3A_933 : vector<16xi32>
    %select_n3A_935 = arith.select %eq3A_931, %max3A_934, %select_n3A_903 : vector<16xi1>, vector<16xi32>
    %eq3A_936 = vector.broadcast %squeeze3A_911 : i32 to vector<16xi32>
    %eq3A_937 = arith.cmpi eq, %select_n3A_530, %eq3A_936 : vector<16xi32>
    %max3A_938 = arith.constant 2 : i32
    %max3A_939 = vector.broadcast %max3A_938 : i32 to vector<16xi32>
    %max3A_940 = arith.maxsi %select_n3A_909, %max3A_939 : vector<16xi32>
    %select_n3A_941 = arith.select %eq3A_937, %max3A_940, %select_n3A_909 : vector<16xi1>, vector<16xi32>
    %slice3A_942 = vector.extract_strided_slice %select_n3A_530 {offsets = [3], sizes = [1], strides = [1]} : vector<16xi32> to vector<1xi32>
    %squeeze3A_943 = vector.extract %slice3A_942[0] : i32 from vector<1xi32>
    %eq3A_944 = vector.broadcast %squeeze3A_943 : i32 to vector<16xi32>
    %eq3A_945 = arith.cmpi eq, %select_n3A_530, %eq3A_944 : vector<16xi32>
    %max3A_946 = arith.constant 3 : i32
    %max3A_947 = vector.broadcast %max3A_946 : i32 to vector<16xi32>
    %max3A_948 = arith.maxsi %select_n3A_917, %max3A_947 : vector<16xi32>
    %select_n3A_949 = arith.select %eq3A_945, %max3A_948, %select_n3A_917 : vector<16xi1>, vector<16xi32>
    %eq3A_950 = vector.broadcast %squeeze3A_943 : i32 to vector<16xi32>
    %eq3A_951 = arith.cmpi eq, %select_n3A_535, %eq3A_950 : vector<16xi32>
    %max3A_952 = arith.constant 3 : i32
    %max3A_953 = vector.broadcast %max3A_952 : i32 to vector<16xi32>
    %max3A_954 = arith.maxsi %select_n3A_923, %max3A_953 : vector<16xi32>
    %select_n3A_955 = arith.select %eq3A_951, %max3A_954, %select_n3A_923 : vector<16xi1>, vector<16xi32>
    %eq3A_956 = vector.broadcast %squeeze3A_943 : i32 to vector<16xi32>
    %eq3A_957 = arith.cmpi eq, %select_n3A_540, %eq3A_956 : vector<16xi32>
    %max3A_958 = arith.constant 3 : i32
    %max3A_959 = vector.broadcast %max3A_958 : i32 to vector<16xi32>
    %max3A_960 = arith.maxsi %select_n3A_929, %max3A_959 : vector<16xi32>
    %select_n3A_961 = arith.select %eq3A_957, %max3A_960, %select_n3A_929 : vector<16xi1>, vector<16xi32>
    %eq3A_962 = vector.broadcast %squeeze3A_943 : i32 to vector<16xi32>
    %eq3A_963 = arith.cmpi eq, %select_n3A_545, %eq3A_962 : vector<16xi32>
    %max3A_964 = arith.constant 3 : i32
    %max3A_965 = vector.broadcast %max3A_964 : i32 to vector<16xi32>
    %max3A_966 = arith.maxsi %select_n3A_935, %max3A_965 : vector<16xi32>
    %select_n3A_967 = arith.select %eq3A_963, %max3A_966, %select_n3A_935 : vector<16xi1>, vector<16xi32>
    %eq3A_968 = vector.broadcast %squeeze3A_943 : i32 to vector<16xi32>
    %eq3A_969 = arith.cmpi eq, %select_n3A_530, %eq3A_968 : vector<16xi32>
    %max3A_970 = arith.constant 3 : i32
    %max3A_971 = vector.broadcast %max3A_970 : i32 to vector<16xi32>
    %max3A_972 = arith.maxsi %select_n3A_845, %max3A_971 : vector<16xi32>
    %select_n3A_973 = arith.select %eq3A_969, %max3A_972, %select_n3A_845 : vector<16xi1>, vector<16xi32>
    %slice3A_974 = vector.extract_strided_slice %select_n3A_535 {offsets = [3], sizes = [1], strides = [1]} : vector<16xi32> to vector<1xi32>
    %squeeze3A_975 = vector.extract %slice3A_974[0] : i32 from vector<1xi32>
    %eq3A_976 = vector.broadcast %squeeze3A_975 : i32 to vector<16xi32>
    %eq3A_977 = arith.cmpi eq, %select_n3A_530, %eq3A_976 : vector<16xi32>
    %max3A_978 = arith.constant 11 : i32
    %max3A_979 = vector.broadcast %max3A_978 : i32 to vector<16xi32>
    %max3A_980 = arith.maxsi %select_n3A_949, %max3A_979 : vector<16xi32>
    %select_n3A_981 = arith.select %eq3A_977, %max3A_980, %select_n3A_949 : vector<16xi1>, vector<16xi32>
    %eq3A_982 = vector.broadcast %squeeze3A_975 : i32 to vector<16xi32>
    %eq3A_983 = arith.cmpi eq, %select_n3A_535, %eq3A_982 : vector<16xi32>
    %max3A_984 = arith.constant 11 : i32
    %max3A_985 = vector.broadcast %max3A_984 : i32 to vector<16xi32>
    %max3A_986 = arith.maxsi %select_n3A_955, %max3A_985 : vector<16xi32>
    %select_n3A_987 = arith.select %eq3A_983, %max3A_986, %select_n3A_955 : vector<16xi1>, vector<16xi32>
    %eq3A_988 = vector.broadcast %squeeze3A_975 : i32 to vector<16xi32>
    %eq3A_989 = arith.cmpi eq, %select_n3A_540, %eq3A_988 : vector<16xi32>
    %max3A_990 = arith.constant 11 : i32
    %max3A_991 = vector.broadcast %max3A_990 : i32 to vector<16xi32>
    %max3A_992 = arith.maxsi %select_n3A_961, %max3A_991 : vector<16xi32>
    %select_n3A_993 = arith.select %eq3A_989, %max3A_992, %select_n3A_961 : vector<16xi1>, vector<16xi32>
    %eq3A_994 = vector.broadcast %squeeze3A_975 : i32 to vector<16xi32>
    %eq3A_995 = arith.cmpi eq, %select_n3A_545, %eq3A_994 : vector<16xi32>
    %max3A_996 = arith.constant 11 : i32
    %max3A_997 = vector.broadcast %max3A_996 : i32 to vector<16xi32>
    %max3A_998 = arith.maxsi %select_n3A_967, %max3A_997 : vector<16xi32>
    %select_n3A_999 = arith.select %eq3A_995, %max3A_998, %select_n3A_967 : vector<16xi1>, vector<16xi32>
    %eq3A_1000 = vector.broadcast %squeeze3A_975 : i32 to vector<16xi32>
    %eq3A_1001 = arith.cmpi eq, %select_n3A_530, %eq3A_1000 : vector<16xi32>
    %max3A_1002 = arith.constant 3 : i32
    %max3A_1003 = vector.broadcast %max3A_1002 : i32 to vector<16xi32>
    %max3A_1004 = arith.maxsi %select_n3A_941, %max3A_1003 : vector<16xi32>
    %select_n3A_1005 = arith.select %eq3A_1001, %max3A_1004, %select_n3A_941 : vector<16xi1>, vector<16xi32>
    %slice3A_1006 = vector.extract_strided_slice %select_n3A_540 {offsets = [3], sizes = [1], strides = [1]} : vector<16xi32> to vector<1xi32>
    %squeeze3A_1007 = vector.extract %slice3A_1006[0] : i32 from vector<1xi32>
    %eq3A_1008 = vector.broadcast %squeeze3A_1007 : i32 to vector<16xi32>
    %eq3A_1009 = arith.cmpi eq, %select_n3A_530, %eq3A_1008 : vector<16xi32>
    %max3A_1010 = arith.constant 19 : i32
    %max3A_1011 = vector.broadcast %max3A_1010 : i32 to vector<16xi32>
    %max3A_1012 = arith.maxsi %select_n3A_981, %max3A_1011 : vector<16xi32>
    %select_n3A_1013 = arith.select %eq3A_1009, %max3A_1012, %select_n3A_981 : vector<16xi1>, vector<16xi32>
    %eq3A_1014 = vector.broadcast %squeeze3A_1007 : i32 to vector<16xi32>
    %eq3A_1015 = arith.cmpi eq, %select_n3A_535, %eq3A_1014 : vector<16xi32>
    %max3A_1016 = arith.constant 19 : i32
    %max3A_1017 = vector.broadcast %max3A_1016 : i32 to vector<16xi32>
    %max3A_1018 = arith.maxsi %select_n3A_987, %max3A_1017 : vector<16xi32>
    %select_n3A_1019 = arith.select %eq3A_1015, %max3A_1018, %select_n3A_987 : vector<16xi1>, vector<16xi32>
    %eq3A_1020 = vector.broadcast %squeeze3A_1007 : i32 to vector<16xi32>
    %eq3A_1021 = arith.cmpi eq, %select_n3A_540, %eq3A_1020 : vector<16xi32>
    %max3A_1022 = arith.constant 19 : i32
    %max3A_1023 = vector.broadcast %max3A_1022 : i32 to vector<16xi32>
    %max3A_1024 = arith.maxsi %select_n3A_993, %max3A_1023 : vector<16xi32>
    %select_n3A_1025 = arith.select %eq3A_1021, %max3A_1024, %select_n3A_993 : vector<16xi1>, vector<16xi32>
    %eq3A_1026 = vector.broadcast %squeeze3A_1007 : i32 to vector<16xi32>
    %eq3A_1027 = arith.cmpi eq, %select_n3A_545, %eq3A_1026 : vector<16xi32>
    %max3A_1028 = arith.constant 19 : i32
    %max3A_1029 = vector.broadcast %max3A_1028 : i32 to vector<16xi32>
    %max3A_1030 = arith.maxsi %select_n3A_999, %max3A_1029 : vector<16xi32>
    %select_n3A_1031 = arith.select %eq3A_1027, %max3A_1030, %select_n3A_999 : vector<16xi1>, vector<16xi32>
    %eq3A_1032 = vector.broadcast %squeeze3A_1007 : i32 to vector<16xi32>
    %eq3A_1033 = arith.cmpi eq, %select_n3A_530, %eq3A_1032 : vector<16xi32>
    %max3A_1034 = arith.constant 3 : i32
    %max3A_1035 = vector.broadcast %max3A_1034 : i32 to vector<16xi32>
    %max3A_1036 = arith.maxsi %select_n3A_1005, %max3A_1035 : vector<16xi32>
    %select_n3A_1037 = arith.select %eq3A_1033, %max3A_1036, %select_n3A_1005 : vector<16xi1>, vector<16xi32>
    %slice3A_1038 = vector.extract_strided_slice %select_n3A_545 {offsets = [3], sizes = [1], strides = [1]} : vector<16xi32> to vector<1xi32>
    %squeeze3A_1039 = vector.extract %slice3A_1038[0] : i32 from vector<1xi32>
    %eq3A_1040 = vector.broadcast %squeeze3A_1039 : i32 to vector<16xi32>
    %eq3A_1041 = arith.cmpi eq, %select_n3A_530, %eq3A_1040 : vector<16xi32>
    %max3A_1042 = arith.constant 27 : i32
    %max3A_1043 = vector.broadcast %max3A_1042 : i32 to vector<16xi32>
    %max3A_1044 = arith.maxsi %select_n3A_1013, %max3A_1043 : vector<16xi32>
    %select_n3A_1045 = arith.select %eq3A_1041, %max3A_1044, %select_n3A_1013 : vector<16xi1>, vector<16xi32>
    %eq3A_1046 = vector.broadcast %squeeze3A_1039 : i32 to vector<16xi32>
    %eq3A_1047 = arith.cmpi eq, %select_n3A_535, %eq3A_1046 : vector<16xi32>
    %max3A_1048 = arith.constant 27 : i32
    %max3A_1049 = vector.broadcast %max3A_1048 : i32 to vector<16xi32>
    %max3A_1050 = arith.maxsi %select_n3A_1019, %max3A_1049 : vector<16xi32>
    %select_n3A_1051 = arith.select %eq3A_1047, %max3A_1050, %select_n3A_1019 : vector<16xi1>, vector<16xi32>
    %eq3A_1052 = vector.broadcast %squeeze3A_1039 : i32 to vector<16xi32>
    %eq3A_1053 = arith.cmpi eq, %select_n3A_540, %eq3A_1052 : vector<16xi32>
    %max3A_1054 = arith.constant 27 : i32
    %max3A_1055 = vector.broadcast %max3A_1054 : i32 to vector<16xi32>
    %max3A_1056 = arith.maxsi %select_n3A_1025, %max3A_1055 : vector<16xi32>
    %select_n3A_1057 = arith.select %eq3A_1053, %max3A_1056, %select_n3A_1025 : vector<16xi1>, vector<16xi32>
    %eq3A_1058 = vector.broadcast %squeeze3A_1039 : i32 to vector<16xi32>
    %eq3A_1059 = arith.cmpi eq, %select_n3A_545, %eq3A_1058 : vector<16xi32>
    %max3A_1060 = arith.constant 27 : i32
    %max3A_1061 = vector.broadcast %max3A_1060 : i32 to vector<16xi32>
    %max3A_1062 = arith.maxsi %select_n3A_1031, %max3A_1061 : vector<16xi32>
    %select_n3A_1063 = arith.select %eq3A_1059, %max3A_1062, %select_n3A_1031 : vector<16xi1>, vector<16xi32>
    %eq3A_1064 = vector.broadcast %squeeze3A_1039 : i32 to vector<16xi32>
    %eq3A_1065 = arith.cmpi eq, %select_n3A_530, %eq3A_1064 : vector<16xi32>
    %max3A_1066 = arith.constant 3 : i32
    %max3A_1067 = vector.broadcast %max3A_1066 : i32 to vector<16xi32>
    %max3A_1068 = arith.maxsi %select_n3A_1037, %max3A_1067 : vector<16xi32>
    %select_n3A_1069 = arith.select %eq3A_1065, %max3A_1068, %select_n3A_1037 : vector<16xi1>, vector<16xi32>
    %slice3A_1070 = vector.extract_strided_slice %select_n3A_530 {offsets = [4], sizes = [1], strides = [1]} : vector<16xi32> to vector<1xi32>
    %squeeze3A_1071 = vector.extract %slice3A_1070[0] : i32 from vector<1xi32>
    %eq3A_1072 = vector.broadcast %squeeze3A_1071 : i32 to vector<16xi32>
    %eq3A_1073 = arith.cmpi eq, %select_n3A_530, %eq3A_1072 : vector<16xi32>
    %max3A_1074 = arith.constant 4 : i32
    %max3A_1075 = vector.broadcast %max3A_1074 : i32 to vector<16xi32>
    %max3A_1076 = arith.maxsi %select_n3A_1045, %max3A_1075 : vector<16xi32>
    %select_n3A_1077 = arith.select %eq3A_1073, %max3A_1076, %select_n3A_1045 : vector<16xi1>, vector<16xi32>
    %eq3A_1078 = vector.broadcast %squeeze3A_1071 : i32 to vector<16xi32>
    %eq3A_1079 = arith.cmpi eq, %select_n3A_535, %eq3A_1078 : vector<16xi32>
    %max3A_1080 = arith.constant 4 : i32
    %max3A_1081 = vector.broadcast %max3A_1080 : i32 to vector<16xi32>
    %max3A_1082 = arith.maxsi %select_n3A_1051, %max3A_1081 : vector<16xi32>
    %select_n3A_1083 = arith.select %eq3A_1079, %max3A_1082, %select_n3A_1051 : vector<16xi1>, vector<16xi32>
    %eq3A_1084 = vector.broadcast %squeeze3A_1071 : i32 to vector<16xi32>
    %eq3A_1085 = arith.cmpi eq, %select_n3A_540, %eq3A_1084 : vector<16xi32>
    %max3A_1086 = arith.constant 4 : i32
    %max3A_1087 = vector.broadcast %max3A_1086 : i32 to vector<16xi32>
    %max3A_1088 = arith.maxsi %select_n3A_1057, %max3A_1087 : vector<16xi32>
    %select_n3A_1089 = arith.select %eq3A_1085, %max3A_1088, %select_n3A_1057 : vector<16xi1>, vector<16xi32>
    %eq3A_1090 = vector.broadcast %squeeze3A_1071 : i32 to vector<16xi32>
    %eq3A_1091 = arith.cmpi eq, %select_n3A_545, %eq3A_1090 : vector<16xi32>
    %max3A_1092 = arith.constant 4 : i32
    %max3A_1093 = vector.broadcast %max3A_1092 : i32 to vector<16xi32>
    %max3A_1094 = arith.maxsi %select_n3A_1063, %max3A_1093 : vector<16xi32>
    %select_n3A_1095 = arith.select %eq3A_1091, %max3A_1094, %select_n3A_1063 : vector<16xi1>, vector<16xi32>
    %eq3A_1096 = vector.broadcast %squeeze3A_1071 : i32 to vector<16xi32>
    %eq3A_1097 = arith.cmpi eq, %select_n3A_530, %eq3A_1096 : vector<16xi32>
    %max3A_1098 = arith.constant 4 : i32
    %max3A_1099 = vector.broadcast %max3A_1098 : i32 to vector<16xi32>
    %max3A_1100 = arith.maxsi %select_n3A_973, %max3A_1099 : vector<16xi32>
    %select_n3A_1101 = arith.select %eq3A_1097, %max3A_1100, %select_n3A_973 : vector<16xi1>, vector<16xi32>
    %slice3A_1102 = vector.extract_strided_slice %select_n3A_535 {offsets = [4], sizes = [1], strides = [1]} : vector<16xi32> to vector<1xi32>
    %squeeze3A_1103 = vector.extract %slice3A_1102[0] : i32 from vector<1xi32>
    %eq3A_1104 = vector.broadcast %squeeze3A_1103 : i32 to vector<16xi32>
    %eq3A_1105 = arith.cmpi eq, %select_n3A_530, %eq3A_1104 : vector<16xi32>
    %max3A_1106 = arith.constant 12 : i32
    %max3A_1107 = vector.broadcast %max3A_1106 : i32 to vector<16xi32>
    %max3A_1108 = arith.maxsi %select_n3A_1077, %max3A_1107 : vector<16xi32>
    %select_n3A_1109 = arith.select %eq3A_1105, %max3A_1108, %select_n3A_1077 : vector<16xi1>, vector<16xi32>
    %eq3A_1110 = vector.broadcast %squeeze3A_1103 : i32 to vector<16xi32>
    %eq3A_1111 = arith.cmpi eq, %select_n3A_535, %eq3A_1110 : vector<16xi32>
    %max3A_1112 = arith.constant 12 : i32
    %max3A_1113 = vector.broadcast %max3A_1112 : i32 to vector<16xi32>
    %max3A_1114 = arith.maxsi %select_n3A_1083, %max3A_1113 : vector<16xi32>
    %select_n3A_1115 = arith.select %eq3A_1111, %max3A_1114, %select_n3A_1083 : vector<16xi1>, vector<16xi32>
    %eq3A_1116 = vector.broadcast %squeeze3A_1103 : i32 to vector<16xi32>
    %eq3A_1117 = arith.cmpi eq, %select_n3A_540, %eq3A_1116 : vector<16xi32>
    %max3A_1118 = arith.constant 12 : i32
    %max3A_1119 = vector.broadcast %max3A_1118 : i32 to vector<16xi32>
    %max3A_1120 = arith.maxsi %select_n3A_1089, %max3A_1119 : vector<16xi32>
    %select_n3A_1121 = arith.select %eq3A_1117, %max3A_1120, %select_n3A_1089 : vector<16xi1>, vector<16xi32>
    %eq3A_1122 = vector.broadcast %squeeze3A_1103 : i32 to vector<16xi32>
    %eq3A_1123 = arith.cmpi eq, %select_n3A_545, %eq3A_1122 : vector<16xi32>
    %max3A_1124 = arith.constant 12 : i32
    %max3A_1125 = vector.broadcast %max3A_1124 : i32 to vector<16xi32>
    %max3A_1126 = arith.maxsi %select_n3A_1095, %max3A_1125 : vector<16xi32>
    %select_n3A_1127 = arith.select %eq3A_1123, %max3A_1126, %select_n3A_1095 : vector<16xi1>, vector<16xi32>
    %eq3A_1128 = vector.broadcast %squeeze3A_1103 : i32 to vector<16xi32>
    %eq3A_1129 = arith.cmpi eq, %select_n3A_530, %eq3A_1128 : vector<16xi32>
    %max3A_1130 = arith.constant 4 : i32
    %max3A_1131 = vector.broadcast %max3A_1130 : i32 to vector<16xi32>
    %max3A_1132 = arith.maxsi %select_n3A_1069, %max3A_1131 : vector<16xi32>
    %select_n3A_1133 = arith.select %eq3A_1129, %max3A_1132, %select_n3A_1069 : vector<16xi1>, vector<16xi32>
    %slice3A_1134 = vector.extract_strided_slice %select_n3A_540 {offsets = [4], sizes = [1], strides = [1]} : vector<16xi32> to vector<1xi32>
    %squeeze3A_1135 = vector.extract %slice3A_1134[0] : i32 from vector<1xi32>
    %eq3A_1136 = vector.broadcast %squeeze3A_1135 : i32 to vector<16xi32>
    %eq3A_1137 = arith.cmpi eq, %select_n3A_530, %eq3A_1136 : vector<16xi32>
    %max3A_1138 = arith.constant 20 : i32
    %max3A_1139 = vector.broadcast %max3A_1138 : i32 to vector<16xi32>
    %max3A_1140 = arith.maxsi %select_n3A_1109, %max3A_1139 : vector<16xi32>
    %select_n3A_1141 = arith.select %eq3A_1137, %max3A_1140, %select_n3A_1109 : vector<16xi1>, vector<16xi32>
    %eq3A_1142 = vector.broadcast %squeeze3A_1135 : i32 to vector<16xi32>
    %eq3A_1143 = arith.cmpi eq, %select_n3A_535, %eq3A_1142 : vector<16xi32>
    %max3A_1144 = arith.constant 20 : i32
    %max3A_1145 = vector.broadcast %max3A_1144 : i32 to vector<16xi32>
    %max3A_1146 = arith.maxsi %select_n3A_1115, %max3A_1145 : vector<16xi32>
    %select_n3A_1147 = arith.select %eq3A_1143, %max3A_1146, %select_n3A_1115 : vector<16xi1>, vector<16xi32>
    %eq3A_1148 = vector.broadcast %squeeze3A_1135 : i32 to vector<16xi32>
    %eq3A_1149 = arith.cmpi eq, %select_n3A_540, %eq3A_1148 : vector<16xi32>
    %max3A_1150 = arith.constant 20 : i32
    %max3A_1151 = vector.broadcast %max3A_1150 : i32 to vector<16xi32>
    %max3A_1152 = arith.maxsi %select_n3A_1121, %max3A_1151 : vector<16xi32>
    %select_n3A_1153 = arith.select %eq3A_1149, %max3A_1152, %select_n3A_1121 : vector<16xi1>, vector<16xi32>
    %eq3A_1154 = vector.broadcast %squeeze3A_1135 : i32 to vector<16xi32>
    %eq3A_1155 = arith.cmpi eq, %select_n3A_545, %eq3A_1154 : vector<16xi32>
    %max3A_1156 = arith.constant 20 : i32
    %max3A_1157 = vector.broadcast %max3A_1156 : i32 to vector<16xi32>
    %max3A_1158 = arith.maxsi %select_n3A_1127, %max3A_1157 : vector<16xi32>
    %select_n3A_1159 = arith.select %eq3A_1155, %max3A_1158, %select_n3A_1127 : vector<16xi1>, vector<16xi32>
    %eq3A_1160 = vector.broadcast %squeeze3A_1135 : i32 to vector<16xi32>
    %eq3A_1161 = arith.cmpi eq, %select_n3A_530, %eq3A_1160 : vector<16xi32>
    %max3A_1162 = arith.constant 4 : i32
    %max3A_1163 = vector.broadcast %max3A_1162 : i32 to vector<16xi32>
    %max3A_1164 = arith.maxsi %select_n3A_1133, %max3A_1163 : vector<16xi32>
    %select_n3A_1165 = arith.select %eq3A_1161, %max3A_1164, %select_n3A_1133 : vector<16xi1>, vector<16xi32>
    %slice3A_1166 = vector.extract_strided_slice %select_n3A_545 {offsets = [4], sizes = [1], strides = [1]} : vector<16xi32> to vector<1xi32>
    %squeeze3A_1167 = vector.extract %slice3A_1166[0] : i32 from vector<1xi32>
    %eq3A_1168 = vector.broadcast %squeeze3A_1167 : i32 to vector<16xi32>
    %eq3A_1169 = arith.cmpi eq, %select_n3A_530, %eq3A_1168 : vector<16xi32>
    %max3A_1170 = arith.constant 28 : i32
    %max3A_1171 = vector.broadcast %max3A_1170 : i32 to vector<16xi32>
    %max3A_1172 = arith.maxsi %select_n3A_1141, %max3A_1171 : vector<16xi32>
    %select_n3A_1173 = arith.select %eq3A_1169, %max3A_1172, %select_n3A_1141 : vector<16xi1>, vector<16xi32>
    %eq3A_1174 = vector.broadcast %squeeze3A_1167 : i32 to vector<16xi32>
    %eq3A_1175 = arith.cmpi eq, %select_n3A_535, %eq3A_1174 : vector<16xi32>
    %max3A_1176 = arith.constant 28 : i32
    %max3A_1177 = vector.broadcast %max3A_1176 : i32 to vector<16xi32>
    %max3A_1178 = arith.maxsi %select_n3A_1147, %max3A_1177 : vector<16xi32>
    %select_n3A_1179 = arith.select %eq3A_1175, %max3A_1178, %select_n3A_1147 : vector<16xi1>, vector<16xi32>
    %eq3A_1180 = vector.broadcast %squeeze3A_1167 : i32 to vector<16xi32>
    %eq3A_1181 = arith.cmpi eq, %select_n3A_540, %eq3A_1180 : vector<16xi32>
    %max3A_1182 = arith.constant 28 : i32
    %max3A_1183 = vector.broadcast %max3A_1182 : i32 to vector<16xi32>
    %max3A_1184 = arith.maxsi %select_n3A_1153, %max3A_1183 : vector<16xi32>
    %select_n3A_1185 = arith.select %eq3A_1181, %max3A_1184, %select_n3A_1153 : vector<16xi1>, vector<16xi32>
    %eq3A_1186 = vector.broadcast %squeeze3A_1167 : i32 to vector<16xi32>
    %eq3A_1187 = arith.cmpi eq, %select_n3A_545, %eq3A_1186 : vector<16xi32>
    %max3A_1188 = arith.constant 28 : i32
    %max3A_1189 = vector.broadcast %max3A_1188 : i32 to vector<16xi32>
    %max3A_1190 = arith.maxsi %select_n3A_1159, %max3A_1189 : vector<16xi32>
    %select_n3A_1191 = arith.select %eq3A_1187, %max3A_1190, %select_n3A_1159 : vector<16xi1>, vector<16xi32>
    %eq3A_1192 = vector.broadcast %squeeze3A_1167 : i32 to vector<16xi32>
    %eq3A_1193 = arith.cmpi eq, %select_n3A_530, %eq3A_1192 : vector<16xi32>
    %max3A_1194 = arith.constant 4 : i32
    %max3A_1195 = vector.broadcast %max3A_1194 : i32 to vector<16xi32>
    %max3A_1196 = arith.maxsi %select_n3A_1165, %max3A_1195 : vector<16xi32>
    %select_n3A_1197 = arith.select %eq3A_1193, %max3A_1196, %select_n3A_1165 : vector<16xi1>, vector<16xi32>
    %slice3A_1198 = vector.extract_strided_slice %select_n3A_530 {offsets = [5], sizes = [1], strides = [1]} : vector<16xi32> to vector<1xi32>
    %squeeze3A_1199 = vector.extract %slice3A_1198[0] : i32 from vector<1xi32>
    %eq3A_1200 = vector.broadcast %squeeze3A_1199 : i32 to vector<16xi32>
    %eq3A_1201 = arith.cmpi eq, %select_n3A_530, %eq3A_1200 : vector<16xi32>
    %max3A_1202 = arith.constant 5 : i32
    %max3A_1203 = vector.broadcast %max3A_1202 : i32 to vector<16xi32>
    %max3A_1204 = arith.maxsi %select_n3A_1173, %max3A_1203 : vector<16xi32>
    %select_n3A_1205 = arith.select %eq3A_1201, %max3A_1204, %select_n3A_1173 : vector<16xi1>, vector<16xi32>
    %eq3A_1206 = vector.broadcast %squeeze3A_1199 : i32 to vector<16xi32>
    %eq3A_1207 = arith.cmpi eq, %select_n3A_535, %eq3A_1206 : vector<16xi32>
    %max3A_1208 = arith.constant 5 : i32
    %max3A_1209 = vector.broadcast %max3A_1208 : i32 to vector<16xi32>
    %max3A_1210 = arith.maxsi %select_n3A_1179, %max3A_1209 : vector<16xi32>
    %select_n3A_1211 = arith.select %eq3A_1207, %max3A_1210, %select_n3A_1179 : vector<16xi1>, vector<16xi32>
    %eq3A_1212 = vector.broadcast %squeeze3A_1199 : i32 to vector<16xi32>
    %eq3A_1213 = arith.cmpi eq, %select_n3A_540, %eq3A_1212 : vector<16xi32>
    %max3A_1214 = arith.constant 5 : i32
    %max3A_1215 = vector.broadcast %max3A_1214 : i32 to vector<16xi32>
    %max3A_1216 = arith.maxsi %select_n3A_1185, %max3A_1215 : vector<16xi32>
    %select_n3A_1217 = arith.select %eq3A_1213, %max3A_1216, %select_n3A_1185 : vector<16xi1>, vector<16xi32>
    %eq3A_1218 = vector.broadcast %squeeze3A_1199 : i32 to vector<16xi32>
    %eq3A_1219 = arith.cmpi eq, %select_n3A_545, %eq3A_1218 : vector<16xi32>
    %max3A_1220 = arith.constant 5 : i32
    %max3A_1221 = vector.broadcast %max3A_1220 : i32 to vector<16xi32>
    %max3A_1222 = arith.maxsi %select_n3A_1191, %max3A_1221 : vector<16xi32>
    %select_n3A_1223 = arith.select %eq3A_1219, %max3A_1222, %select_n3A_1191 : vector<16xi1>, vector<16xi32>
    %eq3A_1224 = vector.broadcast %squeeze3A_1199 : i32 to vector<16xi32>
    %eq3A_1225 = arith.cmpi eq, %select_n3A_530, %eq3A_1224 : vector<16xi32>
    %max3A_1226 = arith.constant 5 : i32
    %max3A_1227 = vector.broadcast %max3A_1226 : i32 to vector<16xi32>
    %max3A_1228 = arith.maxsi %select_n3A_1101, %max3A_1227 : vector<16xi32>
    %select_n3A_1229 = arith.select %eq3A_1225, %max3A_1228, %select_n3A_1101 : vector<16xi1>, vector<16xi32>
    %slice3A_1230 = vector.extract_strided_slice %select_n3A_535 {offsets = [5], sizes = [1], strides = [1]} : vector<16xi32> to vector<1xi32>
    %squeeze3A_1231 = vector.extract %slice3A_1230[0] : i32 from vector<1xi32>
    %eq3A_1232 = vector.broadcast %squeeze3A_1231 : i32 to vector<16xi32>
    %eq3A_1233 = arith.cmpi eq, %select_n3A_530, %eq3A_1232 : vector<16xi32>
    %max3A_1234 = arith.constant 13 : i32
    %max3A_1235 = vector.broadcast %max3A_1234 : i32 to vector<16xi32>
    %max3A_1236 = arith.maxsi %select_n3A_1205, %max3A_1235 : vector<16xi32>
    %select_n3A_1237 = arith.select %eq3A_1233, %max3A_1236, %select_n3A_1205 : vector<16xi1>, vector<16xi32>
    %eq3A_1238 = vector.broadcast %squeeze3A_1231 : i32 to vector<16xi32>
    %eq3A_1239 = arith.cmpi eq, %select_n3A_535, %eq3A_1238 : vector<16xi32>
    %max3A_1240 = arith.constant 13 : i32
    %max3A_1241 = vector.broadcast %max3A_1240 : i32 to vector<16xi32>
    %max3A_1242 = arith.maxsi %select_n3A_1211, %max3A_1241 : vector<16xi32>
    %select_n3A_1243 = arith.select %eq3A_1239, %max3A_1242, %select_n3A_1211 : vector<16xi1>, vector<16xi32>
    %eq3A_1244 = vector.broadcast %squeeze3A_1231 : i32 to vector<16xi32>
    %eq3A_1245 = arith.cmpi eq, %select_n3A_540, %eq3A_1244 : vector<16xi32>
    %max3A_1246 = arith.constant 13 : i32
    %max3A_1247 = vector.broadcast %max3A_1246 : i32 to vector<16xi32>
    %max3A_1248 = arith.maxsi %select_n3A_1217, %max3A_1247 : vector<16xi32>
    %select_n3A_1249 = arith.select %eq3A_1245, %max3A_1248, %select_n3A_1217 : vector<16xi1>, vector<16xi32>
    %eq3A_1250 = vector.broadcast %squeeze3A_1231 : i32 to vector<16xi32>
    %eq3A_1251 = arith.cmpi eq, %select_n3A_545, %eq3A_1250 : vector<16xi32>
    %max3A_1252 = arith.constant 13 : i32
    %max3A_1253 = vector.broadcast %max3A_1252 : i32 to vector<16xi32>
    %max3A_1254 = arith.maxsi %select_n3A_1223, %max3A_1253 : vector<16xi32>
    %select_n3A_1255 = arith.select %eq3A_1251, %max3A_1254, %select_n3A_1223 : vector<16xi1>, vector<16xi32>
    %eq3A_1256 = vector.broadcast %squeeze3A_1231 : i32 to vector<16xi32>
    %eq3A_1257 = arith.cmpi eq, %select_n3A_530, %eq3A_1256 : vector<16xi32>
    %max3A_1258 = arith.constant 5 : i32
    %max3A_1259 = vector.broadcast %max3A_1258 : i32 to vector<16xi32>
    %max3A_1260 = arith.maxsi %select_n3A_1197, %max3A_1259 : vector<16xi32>
    %select_n3A_1261 = arith.select %eq3A_1257, %max3A_1260, %select_n3A_1197 : vector<16xi1>, vector<16xi32>
    %slice3A_1262 = vector.extract_strided_slice %select_n3A_540 {offsets = [5], sizes = [1], strides = [1]} : vector<16xi32> to vector<1xi32>
    %squeeze3A_1263 = vector.extract %slice3A_1262[0] : i32 from vector<1xi32>
    %eq3A_1264 = vector.broadcast %squeeze3A_1263 : i32 to vector<16xi32>
    %eq3A_1265 = arith.cmpi eq, %select_n3A_530, %eq3A_1264 : vector<16xi32>
    %max3A_1266 = arith.constant 21 : i32
    %max3A_1267 = vector.broadcast %max3A_1266 : i32 to vector<16xi32>
    %max3A_1268 = arith.maxsi %select_n3A_1237, %max3A_1267 : vector<16xi32>
    %select_n3A_1269 = arith.select %eq3A_1265, %max3A_1268, %select_n3A_1237 : vector<16xi1>, vector<16xi32>
    %eq3A_1270 = vector.broadcast %squeeze3A_1263 : i32 to vector<16xi32>
    %eq3A_1271 = arith.cmpi eq, %select_n3A_535, %eq3A_1270 : vector<16xi32>
    %max3A_1272 = arith.constant 21 : i32
    %max3A_1273 = vector.broadcast %max3A_1272 : i32 to vector<16xi32>
    %max3A_1274 = arith.maxsi %select_n3A_1243, %max3A_1273 : vector<16xi32>
    %select_n3A_1275 = arith.select %eq3A_1271, %max3A_1274, %select_n3A_1243 : vector<16xi1>, vector<16xi32>
    %eq3A_1276 = vector.broadcast %squeeze3A_1263 : i32 to vector<16xi32>
    %eq3A_1277 = arith.cmpi eq, %select_n3A_540, %eq3A_1276 : vector<16xi32>
    %max3A_1278 = arith.constant 21 : i32
    %max3A_1279 = vector.broadcast %max3A_1278 : i32 to vector<16xi32>
    %max3A_1280 = arith.maxsi %select_n3A_1249, %max3A_1279 : vector<16xi32>
    %select_n3A_1281 = arith.select %eq3A_1277, %max3A_1280, %select_n3A_1249 : vector<16xi1>, vector<16xi32>
    %eq3A_1282 = vector.broadcast %squeeze3A_1263 : i32 to vector<16xi32>
    %eq3A_1283 = arith.cmpi eq, %select_n3A_545, %eq3A_1282 : vector<16xi32>
    %max3A_1284 = arith.constant 21 : i32
    %max3A_1285 = vector.broadcast %max3A_1284 : i32 to vector<16xi32>
    %max3A_1286 = arith.maxsi %select_n3A_1255, %max3A_1285 : vector<16xi32>
    %select_n3A_1287 = arith.select %eq3A_1283, %max3A_1286, %select_n3A_1255 : vector<16xi1>, vector<16xi32>
    %eq3A_1288 = vector.broadcast %squeeze3A_1263 : i32 to vector<16xi32>
    %eq3A_1289 = arith.cmpi eq, %select_n3A_530, %eq3A_1288 : vector<16xi32>
    %max3A_1290 = arith.constant 5 : i32
    %max3A_1291 = vector.broadcast %max3A_1290 : i32 to vector<16xi32>
    %max3A_1292 = arith.maxsi %select_n3A_1261, %max3A_1291 : vector<16xi32>
    %select_n3A_1293 = arith.select %eq3A_1289, %max3A_1292, %select_n3A_1261 : vector<16xi1>, vector<16xi32>
    %slice3A_1294 = vector.extract_strided_slice %select_n3A_545 {offsets = [5], sizes = [1], strides = [1]} : vector<16xi32> to vector<1xi32>
    %squeeze3A_1295 = vector.extract %slice3A_1294[0] : i32 from vector<1xi32>
    %eq3A_1296 = vector.broadcast %squeeze3A_1295 : i32 to vector<16xi32>
    %eq3A_1297 = arith.cmpi eq, %select_n3A_530, %eq3A_1296 : vector<16xi32>
    %max3A_1298 = arith.constant 29 : i32
    %max3A_1299 = vector.broadcast %max3A_1298 : i32 to vector<16xi32>
    %max3A_1300 = arith.maxsi %select_n3A_1269, %max3A_1299 : vector<16xi32>
    %select_n3A_1301 = arith.select %eq3A_1297, %max3A_1300, %select_n3A_1269 : vector<16xi1>, vector<16xi32>
    %eq3A_1302 = vector.broadcast %squeeze3A_1295 : i32 to vector<16xi32>
    %eq3A_1303 = arith.cmpi eq, %select_n3A_535, %eq3A_1302 : vector<16xi32>
    %max3A_1304 = arith.constant 29 : i32
    %max3A_1305 = vector.broadcast %max3A_1304 : i32 to vector<16xi32>
    %max3A_1306 = arith.maxsi %select_n3A_1275, %max3A_1305 : vector<16xi32>
    %select_n3A_1307 = arith.select %eq3A_1303, %max3A_1306, %select_n3A_1275 : vector<16xi1>, vector<16xi32>
    %eq3A_1308 = vector.broadcast %squeeze3A_1295 : i32 to vector<16xi32>
    %eq3A_1309 = arith.cmpi eq, %select_n3A_540, %eq3A_1308 : vector<16xi32>
    %max3A_1310 = arith.constant 29 : i32
    %max3A_1311 = vector.broadcast %max3A_1310 : i32 to vector<16xi32>
    %max3A_1312 = arith.maxsi %select_n3A_1281, %max3A_1311 : vector<16xi32>
    %select_n3A_1313 = arith.select %eq3A_1309, %max3A_1312, %select_n3A_1281 : vector<16xi1>, vector<16xi32>
    %eq3A_1314 = vector.broadcast %squeeze3A_1295 : i32 to vector<16xi32>
    %eq3A_1315 = arith.cmpi eq, %select_n3A_545, %eq3A_1314 : vector<16xi32>
    %max3A_1316 = arith.constant 29 : i32
    %max3A_1317 = vector.broadcast %max3A_1316 : i32 to vector<16xi32>
    %max3A_1318 = arith.maxsi %select_n3A_1287, %max3A_1317 : vector<16xi32>
    %select_n3A_1319 = arith.select %eq3A_1315, %max3A_1318, %select_n3A_1287 : vector<16xi1>, vector<16xi32>
    %eq3A_1320 = vector.broadcast %squeeze3A_1295 : i32 to vector<16xi32>
    %eq3A_1321 = arith.cmpi eq, %select_n3A_530, %eq3A_1320 : vector<16xi32>
    %max3A_1322 = arith.constant 5 : i32
    %max3A_1323 = vector.broadcast %max3A_1322 : i32 to vector<16xi32>
    %max3A_1324 = arith.maxsi %select_n3A_1293, %max3A_1323 : vector<16xi32>
    %select_n3A_1325 = arith.select %eq3A_1321, %max3A_1324, %select_n3A_1293 : vector<16xi1>, vector<16xi32>
    %slice3A_1326 = vector.extract_strided_slice %select_n3A_530 {offsets = [6], sizes = [1], strides = [1]} : vector<16xi32> to vector<1xi32>
    %squeeze3A_1327 = vector.extract %slice3A_1326[0] : i32 from vector<1xi32>
    %eq3A_1328 = vector.broadcast %squeeze3A_1327 : i32 to vector<16xi32>
    %eq3A_1329 = arith.cmpi eq, %select_n3A_530, %eq3A_1328 : vector<16xi32>
    %max3A_1330 = arith.constant 6 : i32
    %max3A_1331 = vector.broadcast %max3A_1330 : i32 to vector<16xi32>
    %max3A_1332 = arith.maxsi %select_n3A_1301, %max3A_1331 : vector<16xi32>
    %select_n3A_1333 = arith.select %eq3A_1329, %max3A_1332, %select_n3A_1301 : vector<16xi1>, vector<16xi32>
    %eq3A_1334 = vector.broadcast %squeeze3A_1327 : i32 to vector<16xi32>
    %eq3A_1335 = arith.cmpi eq, %select_n3A_535, %eq3A_1334 : vector<16xi32>
    %max3A_1336 = arith.constant 6 : i32
    %max3A_1337 = vector.broadcast %max3A_1336 : i32 to vector<16xi32>
    %max3A_1338 = arith.maxsi %select_n3A_1307, %max3A_1337 : vector<16xi32>
    %select_n3A_1339 = arith.select %eq3A_1335, %max3A_1338, %select_n3A_1307 : vector<16xi1>, vector<16xi32>
    %eq3A_1340 = vector.broadcast %squeeze3A_1327 : i32 to vector<16xi32>
    %eq3A_1341 = arith.cmpi eq, %select_n3A_540, %eq3A_1340 : vector<16xi32>
    %max3A_1342 = arith.constant 6 : i32
    %max3A_1343 = vector.broadcast %max3A_1342 : i32 to vector<16xi32>
    %max3A_1344 = arith.maxsi %select_n3A_1313, %max3A_1343 : vector<16xi32>
    %select_n3A_1345 = arith.select %eq3A_1341, %max3A_1344, %select_n3A_1313 : vector<16xi1>, vector<16xi32>
    %eq3A_1346 = vector.broadcast %squeeze3A_1327 : i32 to vector<16xi32>
    %eq3A_1347 = arith.cmpi eq, %select_n3A_545, %eq3A_1346 : vector<16xi32>
    %max3A_1348 = arith.constant 6 : i32
    %max3A_1349 = vector.broadcast %max3A_1348 : i32 to vector<16xi32>
    %max3A_1350 = arith.maxsi %select_n3A_1319, %max3A_1349 : vector<16xi32>
    %select_n3A_1351 = arith.select %eq3A_1347, %max3A_1350, %select_n3A_1319 : vector<16xi1>, vector<16xi32>
    %eq3A_1352 = vector.broadcast %squeeze3A_1327 : i32 to vector<16xi32>
    %eq3A_1353 = arith.cmpi eq, %select_n3A_530, %eq3A_1352 : vector<16xi32>
    %max3A_1354 = arith.constant 6 : i32
    %max3A_1355 = vector.broadcast %max3A_1354 : i32 to vector<16xi32>
    %max3A_1356 = arith.maxsi %select_n3A_1229, %max3A_1355 : vector<16xi32>
    %select_n3A_1357 = arith.select %eq3A_1353, %max3A_1356, %select_n3A_1229 : vector<16xi1>, vector<16xi32>
    %slice3A_1358 = vector.extract_strided_slice %select_n3A_535 {offsets = [6], sizes = [1], strides = [1]} : vector<16xi32> to vector<1xi32>
    %squeeze3A_1359 = vector.extract %slice3A_1358[0] : i32 from vector<1xi32>
    %eq3A_1360 = vector.broadcast %squeeze3A_1359 : i32 to vector<16xi32>
    %eq3A_1361 = arith.cmpi eq, %select_n3A_530, %eq3A_1360 : vector<16xi32>
    %max3A_1362 = arith.constant 14 : i32
    %max3A_1363 = vector.broadcast %max3A_1362 : i32 to vector<16xi32>
    %max3A_1364 = arith.maxsi %select_n3A_1333, %max3A_1363 : vector<16xi32>
    %select_n3A_1365 = arith.select %eq3A_1361, %max3A_1364, %select_n3A_1333 : vector<16xi1>, vector<16xi32>
    %eq3A_1366 = vector.broadcast %squeeze3A_1359 : i32 to vector<16xi32>
    %eq3A_1367 = arith.cmpi eq, %select_n3A_535, %eq3A_1366 : vector<16xi32>
    %max3A_1368 = arith.constant 14 : i32
    %max3A_1369 = vector.broadcast %max3A_1368 : i32 to vector<16xi32>
    %max3A_1370 = arith.maxsi %select_n3A_1339, %max3A_1369 : vector<16xi32>
    %select_n3A_1371 = arith.select %eq3A_1367, %max3A_1370, %select_n3A_1339 : vector<16xi1>, vector<16xi32>
    %eq3A_1372 = vector.broadcast %squeeze3A_1359 : i32 to vector<16xi32>
    %eq3A_1373 = arith.cmpi eq, %select_n3A_540, %eq3A_1372 : vector<16xi32>
    %max3A_1374 = arith.constant 14 : i32
    %max3A_1375 = vector.broadcast %max3A_1374 : i32 to vector<16xi32>
    %max3A_1376 = arith.maxsi %select_n3A_1345, %max3A_1375 : vector<16xi32>
    %select_n3A_1377 = arith.select %eq3A_1373, %max3A_1376, %select_n3A_1345 : vector<16xi1>, vector<16xi32>
    %eq3A_1378 = vector.broadcast %squeeze3A_1359 : i32 to vector<16xi32>
    %eq3A_1379 = arith.cmpi eq, %select_n3A_545, %eq3A_1378 : vector<16xi32>
    %max3A_1380 = arith.constant 14 : i32
    %max3A_1381 = vector.broadcast %max3A_1380 : i32 to vector<16xi32>
    %max3A_1382 = arith.maxsi %select_n3A_1351, %max3A_1381 : vector<16xi32>
    %select_n3A_1383 = arith.select %eq3A_1379, %max3A_1382, %select_n3A_1351 : vector<16xi1>, vector<16xi32>
    %eq3A_1384 = vector.broadcast %squeeze3A_1359 : i32 to vector<16xi32>
    %eq3A_1385 = arith.cmpi eq, %select_n3A_530, %eq3A_1384 : vector<16xi32>
    %max3A_1386 = arith.constant 6 : i32
    %max3A_1387 = vector.broadcast %max3A_1386 : i32 to vector<16xi32>
    %max3A_1388 = arith.maxsi %select_n3A_1325, %max3A_1387 : vector<16xi32>
    %select_n3A_1389 = arith.select %eq3A_1385, %max3A_1388, %select_n3A_1325 : vector<16xi1>, vector<16xi32>
    %slice3A_1390 = vector.extract_strided_slice %select_n3A_540 {offsets = [6], sizes = [1], strides = [1]} : vector<16xi32> to vector<1xi32>
    %squeeze3A_1391 = vector.extract %slice3A_1390[0] : i32 from vector<1xi32>
    %eq3A_1392 = vector.broadcast %squeeze3A_1391 : i32 to vector<16xi32>
    %eq3A_1393 = arith.cmpi eq, %select_n3A_530, %eq3A_1392 : vector<16xi32>
    %max3A_1394 = arith.constant 22 : i32
    %max3A_1395 = vector.broadcast %max3A_1394 : i32 to vector<16xi32>
    %max3A_1396 = arith.maxsi %select_n3A_1365, %max3A_1395 : vector<16xi32>
    %select_n3A_1397 = arith.select %eq3A_1393, %max3A_1396, %select_n3A_1365 : vector<16xi1>, vector<16xi32>
    %eq3A_1398 = vector.broadcast %squeeze3A_1391 : i32 to vector<16xi32>
    %eq3A_1399 = arith.cmpi eq, %select_n3A_535, %eq3A_1398 : vector<16xi32>
    %max3A_1400 = arith.constant 22 : i32
    %max3A_1401 = vector.broadcast %max3A_1400 : i32 to vector<16xi32>
    %max3A_1402 = arith.maxsi %select_n3A_1371, %max3A_1401 : vector<16xi32>
    %select_n3A_1403 = arith.select %eq3A_1399, %max3A_1402, %select_n3A_1371 : vector<16xi1>, vector<16xi32>
    %eq3A_1404 = vector.broadcast %squeeze3A_1391 : i32 to vector<16xi32>
    %eq3A_1405 = arith.cmpi eq, %select_n3A_540, %eq3A_1404 : vector<16xi32>
    %max3A_1406 = arith.constant 22 : i32
    %max3A_1407 = vector.broadcast %max3A_1406 : i32 to vector<16xi32>
    %max3A_1408 = arith.maxsi %select_n3A_1377, %max3A_1407 : vector<16xi32>
    %select_n3A_1409 = arith.select %eq3A_1405, %max3A_1408, %select_n3A_1377 : vector<16xi1>, vector<16xi32>
    %eq3A_1410 = vector.broadcast %squeeze3A_1391 : i32 to vector<16xi32>
    %eq3A_1411 = arith.cmpi eq, %select_n3A_545, %eq3A_1410 : vector<16xi32>
    %max3A_1412 = arith.constant 22 : i32
    %max3A_1413 = vector.broadcast %max3A_1412 : i32 to vector<16xi32>
    %max3A_1414 = arith.maxsi %select_n3A_1383, %max3A_1413 : vector<16xi32>
    %select_n3A_1415 = arith.select %eq3A_1411, %max3A_1414, %select_n3A_1383 : vector<16xi1>, vector<16xi32>
    %eq3A_1416 = vector.broadcast %squeeze3A_1391 : i32 to vector<16xi32>
    %eq3A_1417 = arith.cmpi eq, %select_n3A_530, %eq3A_1416 : vector<16xi32>
    %max3A_1418 = arith.constant 6 : i32
    %max3A_1419 = vector.broadcast %max3A_1418 : i32 to vector<16xi32>
    %max3A_1420 = arith.maxsi %select_n3A_1389, %max3A_1419 : vector<16xi32>
    %select_n3A_1421 = arith.select %eq3A_1417, %max3A_1420, %select_n3A_1389 : vector<16xi1>, vector<16xi32>
    %slice3A_1422 = vector.extract_strided_slice %select_n3A_545 {offsets = [6], sizes = [1], strides = [1]} : vector<16xi32> to vector<1xi32>
    %squeeze3A_1423 = vector.extract %slice3A_1422[0] : i32 from vector<1xi32>
    %eq3A_1424 = vector.broadcast %squeeze3A_1423 : i32 to vector<16xi32>
    %eq3A_1425 = arith.cmpi eq, %select_n3A_530, %eq3A_1424 : vector<16xi32>
    %max3A_1426 = arith.constant 30 : i32
    %max3A_1427 = vector.broadcast %max3A_1426 : i32 to vector<16xi32>
    %max3A_1428 = arith.maxsi %select_n3A_1397, %max3A_1427 : vector<16xi32>
    %select_n3A_1429 = arith.select %eq3A_1425, %max3A_1428, %select_n3A_1397 : vector<16xi1>, vector<16xi32>
    %eq3A_1430 = vector.broadcast %squeeze3A_1423 : i32 to vector<16xi32>
    %eq3A_1431 = arith.cmpi eq, %select_n3A_535, %eq3A_1430 : vector<16xi32>
    %max3A_1432 = arith.constant 30 : i32
    %max3A_1433 = vector.broadcast %max3A_1432 : i32 to vector<16xi32>
    %max3A_1434 = arith.maxsi %select_n3A_1403, %max3A_1433 : vector<16xi32>
    %select_n3A_1435 = arith.select %eq3A_1431, %max3A_1434, %select_n3A_1403 : vector<16xi1>, vector<16xi32>
    %eq3A_1436 = vector.broadcast %squeeze3A_1423 : i32 to vector<16xi32>
    %eq3A_1437 = arith.cmpi eq, %select_n3A_540, %eq3A_1436 : vector<16xi32>
    %max3A_1438 = arith.constant 30 : i32
    %max3A_1439 = vector.broadcast %max3A_1438 : i32 to vector<16xi32>
    %max3A_1440 = arith.maxsi %select_n3A_1409, %max3A_1439 : vector<16xi32>
    %select_n3A_1441 = arith.select %eq3A_1437, %max3A_1440, %select_n3A_1409 : vector<16xi1>, vector<16xi32>
    %eq3A_1442 = vector.broadcast %squeeze3A_1423 : i32 to vector<16xi32>
    %eq3A_1443 = arith.cmpi eq, %select_n3A_545, %eq3A_1442 : vector<16xi32>
    %max3A_1444 = arith.constant 30 : i32
    %max3A_1445 = vector.broadcast %max3A_1444 : i32 to vector<16xi32>
    %max3A_1446 = arith.maxsi %select_n3A_1415, %max3A_1445 : vector<16xi32>
    %select_n3A_1447 = arith.select %eq3A_1443, %max3A_1446, %select_n3A_1415 : vector<16xi1>, vector<16xi32>
    %eq3A_1448 = vector.broadcast %squeeze3A_1423 : i32 to vector<16xi32>
    %eq3A_1449 = arith.cmpi eq, %select_n3A_530, %eq3A_1448 : vector<16xi32>
    %max3A_1450 = arith.constant 6 : i32
    %max3A_1451 = vector.broadcast %max3A_1450 : i32 to vector<16xi32>
    %max3A_1452 = arith.maxsi %select_n3A_1421, %max3A_1451 : vector<16xi32>
    %select_n3A_1453 = arith.select %eq3A_1449, %max3A_1452, %select_n3A_1421 : vector<16xi1>, vector<16xi32>
    %slice3A_1454 = vector.extract_strided_slice %select_n3A_530 {offsets = [7], sizes = [1], strides = [1]} : vector<16xi32> to vector<1xi32>
    %squeeze3A_1455 = vector.extract %slice3A_1454[0] : i32 from vector<1xi32>
    %eq3A_1456 = vector.broadcast %squeeze3A_1455 : i32 to vector<16xi32>
    %eq3A_1457 = arith.cmpi eq, %select_n3A_530, %eq3A_1456 : vector<16xi32>
    %max3A_1458 = arith.constant 7 : i32
    %max3A_1459 = vector.broadcast %max3A_1458 : i32 to vector<16xi32>
    %max3A_1460 = arith.maxsi %select_n3A_1429, %max3A_1459 : vector<16xi32>
    %select_n3A_1461 = arith.select %eq3A_1457, %max3A_1460, %select_n3A_1429 : vector<16xi1>, vector<16xi32>
    %eq3A_1462 = vector.broadcast %squeeze3A_1455 : i32 to vector<16xi32>
    %eq3A_1463 = arith.cmpi eq, %select_n3A_535, %eq3A_1462 : vector<16xi32>
    %max3A_1464 = arith.constant 7 : i32
    %max3A_1465 = vector.broadcast %max3A_1464 : i32 to vector<16xi32>
    %max3A_1466 = arith.maxsi %select_n3A_1435, %max3A_1465 : vector<16xi32>
    %select_n3A_1467 = arith.select %eq3A_1463, %max3A_1466, %select_n3A_1435 : vector<16xi1>, vector<16xi32>
    %eq3A_1468 = vector.broadcast %squeeze3A_1455 : i32 to vector<16xi32>
    %eq3A_1469 = arith.cmpi eq, %select_n3A_540, %eq3A_1468 : vector<16xi32>
    %max3A_1470 = arith.constant 7 : i32
    %max3A_1471 = vector.broadcast %max3A_1470 : i32 to vector<16xi32>
    %max3A_1472 = arith.maxsi %select_n3A_1441, %max3A_1471 : vector<16xi32>
    %select_n3A_1473 = arith.select %eq3A_1469, %max3A_1472, %select_n3A_1441 : vector<16xi1>, vector<16xi32>
    %eq3A_1474 = vector.broadcast %squeeze3A_1455 : i32 to vector<16xi32>
    %eq3A_1475 = arith.cmpi eq, %select_n3A_545, %eq3A_1474 : vector<16xi32>
    %max3A_1476 = arith.constant 7 : i32
    %max3A_1477 = vector.broadcast %max3A_1476 : i32 to vector<16xi32>
    %max3A_1478 = arith.maxsi %select_n3A_1447, %max3A_1477 : vector<16xi32>
    %select_n3A_1479 = arith.select %eq3A_1475, %max3A_1478, %select_n3A_1447 : vector<16xi1>, vector<16xi32>
    %eq3A_1480 = vector.broadcast %squeeze3A_1455 : i32 to vector<16xi32>
    %eq3A_1481 = arith.cmpi eq, %select_n3A_530, %eq3A_1480 : vector<16xi32>
    %max3A_1482 = arith.constant 7 : i32
    %max3A_1483 = vector.broadcast %max3A_1482 : i32 to vector<16xi32>
    %max3A_1484 = arith.maxsi %select_n3A_1357, %max3A_1483 : vector<16xi32>
    %select_n3A_1485 = arith.select %eq3A_1481, %max3A_1484, %select_n3A_1357 : vector<16xi1>, vector<16xi32>
    %slice3A_1486 = vector.extract_strided_slice %select_n3A_535 {offsets = [7], sizes = [1], strides = [1]} : vector<16xi32> to vector<1xi32>
    %squeeze3A_1487 = vector.extract %slice3A_1486[0] : i32 from vector<1xi32>
    %eq3A_1488 = vector.broadcast %squeeze3A_1487 : i32 to vector<16xi32>
    %eq3A_1489 = arith.cmpi eq, %select_n3A_530, %eq3A_1488 : vector<16xi32>
    %max3A_1490 = arith.constant 15 : i32
    %max3A_1491 = vector.broadcast %max3A_1490 : i32 to vector<16xi32>
    %max3A_1492 = arith.maxsi %select_n3A_1461, %max3A_1491 : vector<16xi32>
    %select_n3A_1493 = arith.select %eq3A_1489, %max3A_1492, %select_n3A_1461 : vector<16xi1>, vector<16xi32>
    %eq3A_1494 = vector.broadcast %squeeze3A_1487 : i32 to vector<16xi32>
    %eq3A_1495 = arith.cmpi eq, %select_n3A_535, %eq3A_1494 : vector<16xi32>
    %max3A_1496 = arith.constant 15 : i32
    %max3A_1497 = vector.broadcast %max3A_1496 : i32 to vector<16xi32>
    %max3A_1498 = arith.maxsi %select_n3A_1467, %max3A_1497 : vector<16xi32>
    %select_n3A_1499 = arith.select %eq3A_1495, %max3A_1498, %select_n3A_1467 : vector<16xi1>, vector<16xi32>
    %eq3A_1500 = vector.broadcast %squeeze3A_1487 : i32 to vector<16xi32>
    %eq3A_1501 = arith.cmpi eq, %select_n3A_540, %eq3A_1500 : vector<16xi32>
    %max3A_1502 = arith.constant 15 : i32
    %max3A_1503 = vector.broadcast %max3A_1502 : i32 to vector<16xi32>
    %max3A_1504 = arith.maxsi %select_n3A_1473, %max3A_1503 : vector<16xi32>
    %select_n3A_1505 = arith.select %eq3A_1501, %max3A_1504, %select_n3A_1473 : vector<16xi1>, vector<16xi32>
    %eq3A_1506 = vector.broadcast %squeeze3A_1487 : i32 to vector<16xi32>
    %eq3A_1507 = arith.cmpi eq, %select_n3A_545, %eq3A_1506 : vector<16xi32>
    %max3A_1508 = arith.constant 15 : i32
    %max3A_1509 = vector.broadcast %max3A_1508 : i32 to vector<16xi32>
    %max3A_1510 = arith.maxsi %select_n3A_1479, %max3A_1509 : vector<16xi32>
    %select_n3A_1511 = arith.select %eq3A_1507, %max3A_1510, %select_n3A_1479 : vector<16xi1>, vector<16xi32>
    %eq3A_1512 = vector.broadcast %squeeze3A_1487 : i32 to vector<16xi32>
    %eq3A_1513 = arith.cmpi eq, %select_n3A_530, %eq3A_1512 : vector<16xi32>
    %max3A_1514 = arith.constant 7 : i32
    %max3A_1515 = vector.broadcast %max3A_1514 : i32 to vector<16xi32>
    %max3A_1516 = arith.maxsi %select_n3A_1453, %max3A_1515 : vector<16xi32>
    %select_n3A_1517 = arith.select %eq3A_1513, %max3A_1516, %select_n3A_1453 : vector<16xi1>, vector<16xi32>
    %slice3A_1518 = vector.extract_strided_slice %select_n3A_540 {offsets = [7], sizes = [1], strides = [1]} : vector<16xi32> to vector<1xi32>
    %squeeze3A_1519 = vector.extract %slice3A_1518[0] : i32 from vector<1xi32>
    %eq3A_1520 = vector.broadcast %squeeze3A_1519 : i32 to vector<16xi32>
    %eq3A_1521 = arith.cmpi eq, %select_n3A_530, %eq3A_1520 : vector<16xi32>
    %max3A_1522 = arith.constant 23 : i32
    %max3A_1523 = vector.broadcast %max3A_1522 : i32 to vector<16xi32>
    %max3A_1524 = arith.maxsi %select_n3A_1493, %max3A_1523 : vector<16xi32>
    %select_n3A_1525 = arith.select %eq3A_1521, %max3A_1524, %select_n3A_1493 : vector<16xi1>, vector<16xi32>
    %eq3A_1526 = vector.broadcast %squeeze3A_1519 : i32 to vector<16xi32>
    %eq3A_1527 = arith.cmpi eq, %select_n3A_535, %eq3A_1526 : vector<16xi32>
    %max3A_1528 = arith.constant 23 : i32
    %max3A_1529 = vector.broadcast %max3A_1528 : i32 to vector<16xi32>
    %max3A_1530 = arith.maxsi %select_n3A_1499, %max3A_1529 : vector<16xi32>
    %select_n3A_1531 = arith.select %eq3A_1527, %max3A_1530, %select_n3A_1499 : vector<16xi1>, vector<16xi32>
    %eq3A_1532 = vector.broadcast %squeeze3A_1519 : i32 to vector<16xi32>
    %eq3A_1533 = arith.cmpi eq, %select_n3A_540, %eq3A_1532 : vector<16xi32>
    %max3A_1534 = arith.constant 23 : i32
    %max3A_1535 = vector.broadcast %max3A_1534 : i32 to vector<16xi32>
    %max3A_1536 = arith.maxsi %select_n3A_1505, %max3A_1535 : vector<16xi32>
    %select_n3A_1537 = arith.select %eq3A_1533, %max3A_1536, %select_n3A_1505 : vector<16xi1>, vector<16xi32>
    %eq3A_1538 = vector.broadcast %squeeze3A_1519 : i32 to vector<16xi32>
    %eq3A_1539 = arith.cmpi eq, %select_n3A_545, %eq3A_1538 : vector<16xi32>
    %max3A_1540 = arith.constant 23 : i32
    %max3A_1541 = vector.broadcast %max3A_1540 : i32 to vector<16xi32>
    %max3A_1542 = arith.maxsi %select_n3A_1511, %max3A_1541 : vector<16xi32>
    %select_n3A_1543 = arith.select %eq3A_1539, %max3A_1542, %select_n3A_1511 : vector<16xi1>, vector<16xi32>
    %eq3A_1544 = vector.broadcast %squeeze3A_1519 : i32 to vector<16xi32>
    %eq3A_1545 = arith.cmpi eq, %select_n3A_530, %eq3A_1544 : vector<16xi32>
    %max3A_1546 = arith.constant 7 : i32
    %max3A_1547 = vector.broadcast %max3A_1546 : i32 to vector<16xi32>
    %max3A_1548 = arith.maxsi %select_n3A_1517, %max3A_1547 : vector<16xi32>
    %select_n3A_1549 = arith.select %eq3A_1545, %max3A_1548, %select_n3A_1517 : vector<16xi1>, vector<16xi32>
    %slice3A_1550 = vector.extract_strided_slice %select_n3A_545 {offsets = [7], sizes = [1], strides = [1]} : vector<16xi32> to vector<1xi32>
    %squeeze3A_1551 = vector.extract %slice3A_1550[0] : i32 from vector<1xi32>
    %eq3A_1552 = vector.broadcast %squeeze3A_1551 : i32 to vector<16xi32>
    %eq3A_1553 = arith.cmpi eq, %select_n3A_530, %eq3A_1552 : vector<16xi32>
    %max3A_1554 = arith.constant 31 : i32
    %max3A_1555 = vector.broadcast %max3A_1554 : i32 to vector<16xi32>
    %max3A_1556 = arith.maxsi %select_n3A_1525, %max3A_1555 : vector<16xi32>
    %select_n3A_1557 = arith.select %eq3A_1553, %max3A_1556, %select_n3A_1525 : vector<16xi1>, vector<16xi32>
    %eq3A_1558 = vector.broadcast %squeeze3A_1551 : i32 to vector<16xi32>
    %eq3A_1559 = arith.cmpi eq, %select_n3A_535, %eq3A_1558 : vector<16xi32>
    %max3A_1560 = arith.constant 31 : i32
    %max3A_1561 = vector.broadcast %max3A_1560 : i32 to vector<16xi32>
    %max3A_1562 = arith.maxsi %select_n3A_1531, %max3A_1561 : vector<16xi32>
    %select_n3A_1563 = arith.select %eq3A_1559, %max3A_1562, %select_n3A_1531 : vector<16xi1>, vector<16xi32>
    %eq3A_1564 = vector.broadcast %squeeze3A_1551 : i32 to vector<16xi32>
    %eq3A_1565 = arith.cmpi eq, %select_n3A_540, %eq3A_1564 : vector<16xi32>
    %max3A_1566 = arith.constant 31 : i32
    %max3A_1567 = vector.broadcast %max3A_1566 : i32 to vector<16xi32>
    %max3A_1568 = arith.maxsi %select_n3A_1537, %max3A_1567 : vector<16xi32>
    %select_n3A_1569 = arith.select %eq3A_1565, %max3A_1568, %select_n3A_1537 : vector<16xi1>, vector<16xi32>
    %eq3A_1570 = vector.broadcast %squeeze3A_1551 : i32 to vector<16xi32>
    %eq3A_1571 = arith.cmpi eq, %select_n3A_545, %eq3A_1570 : vector<16xi32>
    %max3A_1572 = arith.constant 31 : i32
    %max3A_1573 = vector.broadcast %max3A_1572 : i32 to vector<16xi32>
    %max3A_1574 = arith.maxsi %select_n3A_1543, %max3A_1573 : vector<16xi32>
    %select_n3A_1575 = arith.select %eq3A_1571, %max3A_1574, %select_n3A_1543 : vector<16xi1>, vector<16xi32>
    %eq3A_1576 = vector.broadcast %squeeze3A_1551 : i32 to vector<16xi32>
    %eq3A_1577 = arith.cmpi eq, %select_n3A_530, %eq3A_1576 : vector<16xi32>
    %max3A_1578 = arith.constant 7 : i32
    %max3A_1579 = vector.broadcast %max3A_1578 : i32 to vector<16xi32>
    %max3A_1580 = arith.maxsi %select_n3A_1549, %max3A_1579 : vector<16xi32>
    %select_n3A_1581 = arith.select %eq3A_1577, %max3A_1580, %select_n3A_1549 : vector<16xi1>, vector<16xi32>
    %eq3A_1582 = arith.cmpi eq, %select_n3A_1485, %iota3A : vector<16xi32>
    %le3A = arith.cmpi sle, %select_n3A_1581, %iota3A : vector<16xi32>
    %and3A_1583 = arith.andi %eq3A_1582, %le3A : vector<16xi1>
    %jit3A_1584 = arith.constant 1.000000e+00 : f32
    %jit3A_1585 = arith.constant 0.000000e+00 : f32
    %broadcast_in_dim3A_1586 = vector.broadcast %jit3A_1584 : f32 to vector<16xf32>
    %broadcast_in_dim3A_1587 = vector.broadcast %jit3A_1585 : f32 to vector<16xf32>
    %select_n3A_1588 = arith.select %and3A_1583, %broadcast_in_dim3A_1586, %broadcast_in_dim3A_1587 : vector<16xi1>, vector<16xf32>
    %dma_wait3A = arith.constant 0 : i32
    %dma_wait3A_1589 = tpu.memref_slice %arg2[%add3A, %dma_wait3A] : memref<32x10656xf32, #tpu.memory_space<hbm>> -> memref<1x10656xf32, #tpu.memory_space<hbm>>
    %dma_wait3A_1590 = tpu.memref_squeeze %dma_wait3A_1589 : memref<1x10656xf32, #tpu.memory_space<hbm>> -> memref<10656xf32, #tpu.memory_space<hbm>>
    %dma_wait3A_1591 = arith.constant 0 : i32
    %dma_wait3A_1592 = tpu.memref_slice %arg2[%add3A, %dma_wait3A_1591] : memref<32x10656xf32, #tpu.memory_space<hbm>> -> memref<1x10656xf32, #tpu.memory_space<hbm>>
    %dma_wait3A_1593 = tpu.memref_squeeze %dma_wait3A_1592 : memref<1x10656xf32, #tpu.memory_space<hbm>> -> memref<10656xf32, #tpu.memory_space<hbm>>
    tpu.wait_dma2 semaphore(%arg12 : memref<!tpu.dma_semaphore, #tpu.memory_space<semaphore_mem>>) src(%dma_wait3A_1593 : memref<10656xf32, #tpu.memory_space<hbm>>) dst(%arg7 : memref<10656xf32, #tpu.memory_space<vmem>>)
    %broadcast_in_dim3A_1594 = arith.constant 0.000000e+00 : f32
    %broadcast_in_dim3A_1595 = vector.broadcast %broadcast_in_dim3A_1594 : f32 to vector<16xf32>
    %scan3A = arith.constant 0 : i32
    %scan3A_1596 = arith.constant 666 : i32
    %scan3A_1597 = arith.addi %scan3A, %scan3A_1596 : i32
    %scan3A_1598 = arith.constant 1 : i32
    %scan3A_1599 = scf.for %scan3A_1815 = %scan3A to %scan3A_1597 step %scan3A_1598 iter_args(%scan3A_1816 = %broadcast_in_dim3A_1595) -> (vector<16xf32>)  : i32 {
      %mul3A_1817 = arith.constant 16 : i32
      %mul3A_1818 = arith.muli %scan3A_1815, %mul3A_1817 : i32
      %multiple_of3A = tpu.assume_multiple %mul3A_1818, 16 : i32
      %get3A_1819 = arith.index_cast %multiple_of3A : i32 to index
      %get3A_1820 = tpu.vector_load %arg7[%get3A_1819] {strides = array<i32>} : memref<10656xf32, #tpu.memory_space<vmem>>, vector<16xf32>,
      %neg3A_1821 = arith.constant 0.000000e+00 : f32
      %neg3A_1822 = vector.broadcast %neg3A_1821 : f32 to vector<16xf32>
      %neg3A_1823 = arith.subf %neg3A_1822, %get3A_1820 : vector<16xf32>
      %exp3A_1824 = math.exp %neg3A_1823 : vector<16xf32>
      %add3A_1825 = arith.constant 1.000000e+00 : f32
      %add3A_1826 = vector.broadcast %add3A_1825 : f32 to vector<16xf32>
      %add3A_1827 = arith.addf %add3A_1826, %exp3A_1824 : vector<16xf32>
      %div3A_1828 = arith.constant 1.000000e+00 : f32
      %div3A_1829 = vector.broadcast %div3A_1828 : f32 to vector<16xf32>
      %div3A_1830 = arith.divf %div3A_1829, %add3A_1827 : vector<16xf32>
      %mul3A_1831 = arith.mulf %div3A_1830, %div3A_1830 : vector<16xf32>
      %add3A_1832 = arith.addf %scan3A_1816, %mul3A_1831 : vector<16xf32>
      scf.yield %add3A_1832 : vector<16xf32>
    }
    %scan3A_1600 = arith.constant 666 : i32
    %max3A_1601 = arith.constant 0 : i32
    %max3A_1602 = vector.broadcast %max3A_1601 : i32 to vector<16xi32>
    %max3A_1603 = arith.maxsi %select_n3A_530, %max3A_1602 : vector<16xi32>
    %gather3A = tpu.vector_load_idx %arg7[%max3A_1603] : memref<10656xf32, #tpu.memory_space<vmem>>[vector<16xi32>], vector<16xf32>,
    %neg3A = arith.constant 0.000000e+00 : f32
    %neg3A_1604 = vector.broadcast %neg3A : f32 to vector<16xf32>
    %neg3A_1605 = arith.subf %neg3A_1604, %gather3A : vector<16xf32>
    %exp3A = math.exp %neg3A_1605 : vector<16xf32>
    %add3A_1606 = arith.constant 1.000000e+00 : f32
    %add3A_1607 = vector.broadcast %add3A_1606 : f32 to vector<16xf32>
    %add3A_1608 = arith.addf %add3A_1607, %exp3A : vector<16xf32>
    %div3A_1609 = arith.constant 1.000000e+00 : f32
    %div3A_1610 = vector.broadcast %div3A_1609 : f32 to vector<16xf32>
    %div3A_1611 = arith.divf %div3A_1610, %add3A_1608 : vector<16xf32>
    %add3A_1612 = arith.constant 0 : i32
    %add3A_1613 = vector.broadcast %add3A_1612 : i32 to vector<16xi32>
    %add3A_1614 = arith.addi %add3A_1613, %iota3A : vector<16xi32>
    %eq3A_1615 = arith.cmpi eq, %select_n3A_1557, %add3A_1614 : vector<16xi32>
    %ge3A = arith.constant 0 : i32
    %ge3A_1616 = vector.broadcast %ge3A : i32 to vector<16xi32>
    %ge3A_1617 = arith.cmpi sge, %select_n3A_530, %ge3A_1616 : vector<16xi32>
    %and3A_1618 = arith.andi %eq3A_1615, %ge3A_1617 : vector<16xi1>
    %mul3A_1619 = arith.mulf %div3A_1611, %div3A_1611 : vector<16xf32>
    %jit3A_1620 = arith.constant 0.000000e+00 : f32
    %broadcast_in_dim3A_1621 = vector.broadcast %jit3A_1620 : f32 to vector<16xf32>
    %select_n3A_1622 = arith.select %and3A_1618, %mul3A_1619, %broadcast_in_dim3A_1621 : vector<16xi1>, vector<16xf32>
    %sub3A_1623 = arith.subf %scan3A_1599, %select_n3A_1622 : vector<16xf32>
    %max3A_1624 = arith.constant 0 : i32
    %max3A_1625 = vector.broadcast %max3A_1624 : i32 to vector<16xi32>
    %max3A_1626 = arith.maxsi %select_n3A_535, %max3A_1625 : vector<16xi32>
    %gather3A_1627 = tpu.vector_load_idx %arg7[%max3A_1626] : memref<10656xf32, #tpu.memory_space<vmem>>[vector<16xi32>], vector<16xf32>,
    %neg3A_1628 = arith.constant 0.000000e+00 : f32
    %neg3A_1629 = vector.broadcast %neg3A_1628 : f32 to vector<16xf32>
    %neg3A_1630 = arith.subf %neg3A_1629, %gather3A_1627 : vector<16xf32>
    %exp3A_1631 = math.exp %neg3A_1630 : vector<16xf32>
    %add3A_1632 = arith.constant 1.000000e+00 : f32
    %add3A_1633 = vector.broadcast %add3A_1632 : f32 to vector<16xf32>
    %add3A_1634 = arith.addf %add3A_1633, %exp3A_1631 : vector<16xf32>
    %div3A_1635 = arith.constant 1.000000e+00 : f32
    %div3A_1636 = vector.broadcast %div3A_1635 : f32 to vector<16xf32>
    %div3A_1637 = arith.divf %div3A_1636, %add3A_1634 : vector<16xf32>
    %add3A_1638 = arith.constant 8 : i32
    %add3A_1639 = vector.broadcast %add3A_1638 : i32 to vector<16xi32>
    %add3A_1640 = arith.addi %add3A_1639, %iota3A : vector<16xi32>
    %eq3A_1641 = arith.cmpi eq, %select_n3A_1563, %add3A_1640 : vector<16xi32>
    %ge3A_1642 = arith.constant 0 : i32
    %ge3A_1643 = vector.broadcast %ge3A_1642 : i32 to vector<16xi32>
    %ge3A_1644 = arith.cmpi sge, %select_n3A_535, %ge3A_1643 : vector<16xi32>
    %and3A_1645 = arith.andi %eq3A_1641, %ge3A_1644 : vector<16xi1>
    %mul3A_1646 = arith.mulf %div3A_1637, %div3A_1637 : vector<16xf32>
    %jit3A_1647 = arith.constant 0.000000e+00 : f32
    %broadcast_in_dim3A_1648 = vector.broadcast %jit3A_1647 : f32 to vector<16xf32>
    %select_n3A_1649 = arith.select %and3A_1645, %mul3A_1646, %broadcast_in_dim3A_1648 : vector<16xi1>, vector<16xf32>
    %sub3A_1650 = arith.subf %sub3A_1623, %select_n3A_1649 : vector<16xf32>
    %max3A_1651 = arith.constant 0 : i32
    %max3A_1652 = vector.broadcast %max3A_1651 : i32 to vector<16xi32>
    %max3A_1653 = arith.maxsi %select_n3A_540, %max3A_1652 : vector<16xi32>
    %gather3A_1654 = tpu.vector_load_idx %arg7[%max3A_1653] : memref<10656xf32, #tpu.memory_space<vmem>>[vector<16xi32>], vector<16xf32>,
    %neg3A_1655 = arith.constant 0.000000e+00 : f32
    %neg3A_1656 = vector.broadcast %neg3A_1655 : f32 to vector<16xf32>
    %neg3A_1657 = arith.subf %neg3A_1656, %gather3A_1654 : vector<16xf32>
    %exp3A_1658 = math.exp %neg3A_1657 : vector<16xf32>
    %add3A_1659 = arith.constant 1.000000e+00 : f32
    %add3A_1660 = vector.broadcast %add3A_1659 : f32 to vector<16xf32>
    %add3A_1661 = arith.addf %add3A_1660, %exp3A_1658 : vector<16xf32>
    %div3A_1662 = arith.constant 1.000000e+00 : f32
    %div3A_1663 = vector.broadcast %div3A_1662 : f32 to vector<16xf32>
    %div3A_1664 = arith.divf %div3A_1663, %add3A_1661 : vector<16xf32>
    %add3A_1665 = arith.constant 16 : i32
    %add3A_1666 = vector.broadcast %add3A_1665 : i32 to vector<16xi32>
    %add3A_1667 = arith.addi %add3A_1666, %iota3A : vector<16xi32>
    %eq3A_1668 = arith.cmpi eq, %select_n3A_1569, %add3A_1667 : vector<16xi32>
    %ge3A_1669 = arith.constant 0 : i32
    %ge3A_1670 = vector.broadcast %ge3A_1669 : i32 to vector<16xi32>
    %ge3A_1671 = arith.cmpi sge, %select_n3A_540, %ge3A_1670 : vector<16xi32>
    %and3A_1672 = arith.andi %eq3A_1668, %ge3A_1671 : vector<16xi1>
    %mul3A_1673 = arith.mulf %div3A_1664, %div3A_1664 : vector<16xf32>
    %jit3A_1674 = arith.constant 0.000000e+00 : f32
    %broadcast_in_dim3A_1675 = vector.broadcast %jit3A_1674 : f32 to vector<16xf32>
    %select_n3A_1676 = arith.select %and3A_1672, %mul3A_1673, %broadcast_in_dim3A_1675 : vector<16xi1>, vector<16xf32>
    %sub3A_1677 = arith.subf %sub3A_1650, %select_n3A_1676 : vector<16xf32>
    %max3A_1678 = arith.constant 0 : i32
    %max3A_1679 = vector.broadcast %max3A_1678 : i32 to vector<16xi32>
    %max3A_1680 = arith.maxsi %select_n3A_545, %max3A_1679 : vector<16xi32>
    %gather3A_1681 = tpu.vector_load_idx %arg7[%max3A_1680] : memref<10656xf32, #tpu.memory_space<vmem>>[vector<16xi32>], vector<16xf32>,
    %neg3A_1682 = arith.constant 0.000000e+00 : f32
    %neg3A_1683 = vector.broadcast %neg3A_1682 : f32 to vector<16xf32>
    %neg3A_1684 = arith.subf %neg3A_1683, %gather3A_1681 : vector<16xf32>
    %exp3A_1685 = math.exp %neg3A_1684 : vector<16xf32>
    %add3A_1686 = arith.constant 1.000000e+00 : f32
    %add3A_1687 = vector.broadcast %add3A_1686 : f32 to vector<16xf32>
    %add3A_1688 = arith.addf %add3A_1687, %exp3A_1685 : vector<16xf32>
    %div3A_1689 = arith.constant 1.000000e+00 : f32
    %div3A_1690 = vector.broadcast %div3A_1689 : f32 to vector<16xf32>
    %div3A_1691 = arith.divf %div3A_1690, %add3A_1688 : vector<16xf32>
    %add3A_1692 = arith.constant 24 : i32
    %add3A_1693 = vector.broadcast %add3A_1692 : i32 to vector<16xi32>
    %add3A_1694 = arith.addi %add3A_1693, %iota3A : vector<16xi32>
    %eq3A_1695 = arith.cmpi eq, %select_n3A_1575, %add3A_1694 : vector<16xi32>
    %ge3A_1696 = arith.constant 0 : i32
    %ge3A_1697 = vector.broadcast %ge3A_1696 : i32 to vector<16xi32>
    %ge3A_1698 = arith.cmpi sge, %select_n3A_545, %ge3A_1697 : vector<16xi32>
    %and3A_1699 = arith.andi %eq3A_1695, %ge3A_1698 : vector<16xi1>
    %mul3A_1700 = arith.mulf %div3A_1691, %div3A_1691 : vector<16xf32>
    %jit3A_1701 = arith.constant 0.000000e+00 : f32
    %broadcast_in_dim3A_1702 = vector.broadcast %jit3A_1701 : f32 to vector<16xf32>
    %select_n3A_1703 = arith.select %and3A_1699, %mul3A_1700, %broadcast_in_dim3A_1702 : vector<16xi1>, vector<16xf32>
    %sub3A_1704 = arith.subf %sub3A_1677, %select_n3A_1703 : vector<16xf32>
    %jit3A_1705 = arith.constant 0 : i32
    %broadcast_in_dim3A_1706 = vector.broadcast %jit3A_1705 : i32 to vector<16xi32>
    %select_n3A_1707 = arith.select %lt3A_526, %select_n3A_375, %broadcast_in_dim3A_1706 : vector<16xi1>, vector<16xi32>
    %broadcast_in_dim3A_1708 = arith.constant 0 : i32
    %broadcast_in_dim3A_1709 = vector.broadcast %broadcast_in_dim3A_1708 : i32 to vector<16xi32>
    %gather3A_1710 = tpu.vector_load_idx %arg8[%broadcast_in_dim3A_1709, %select_n3A_1707] : memref<4x16xf32, #tpu.memory_space<vmem>>[vector<16xi32>, vector<16xi32>], vector<16xf32>,
    %add3A_1711 = arith.constant 1 : i32
    %add3A_1712 = vector.broadcast %add3A_1711 : i32 to vector<16xi32>
    %add3A_1713 = arith.addi %broadcast_in_dim3A_1709, %add3A_1712 : vector<16xi32>
    %gather3A_1714 = tpu.vector_load_idx %arg8[%add3A_1713, %select_n3A_1707] : memref<4x16xf32, #tpu.memory_space<vmem>>[vector<16xi32>, vector<16xi32>], vector<16xf32>,
    %add3A_1715 = arith.constant 2 : i32
    %add3A_1716 = vector.broadcast %add3A_1715 : i32 to vector<16xi32>
    %add3A_1717 = arith.addi %broadcast_in_dim3A_1709, %add3A_1716 : vector<16xi32>
    %gather3A_1718 = tpu.vector_load_idx %arg8[%add3A_1717, %select_n3A_1707] : memref<4x16xf32, #tpu.memory_space<vmem>>[vector<16xi32>, vector<16xi32>], vector<16xf32>,
    %add3A_1719 = arith.constant 3 : i32
    %add3A_1720 = vector.broadcast %add3A_1719 : i32 to vector<16xi32>
    %add3A_1721 = arith.addi %broadcast_in_dim3A_1709, %add3A_1720 : vector<16xi32>
    %gather3A_1722 = tpu.vector_load_idx %arg8[%add3A_1721, %select_n3A_1707] : memref<4x16xf32, #tpu.memory_space<vmem>>[vector<16xi32>, vector<16xi32>], vector<16xf32>,
    %neg3A_1723 = arith.constant 0.000000e+00 : f32
    %neg3A_1724 = vector.broadcast %neg3A_1723 : f32 to vector<16xf32>
    %neg3A_1725 = arith.subf %neg3A_1724, %gather3A_1710 : vector<16xf32>
    %exp3A_1726 = math.exp %neg3A_1725 : vector<16xf32>
    %add3A_1727 = arith.constant 1.000000e+00 : f32
    %add3A_1728 = vector.broadcast %add3A_1727 : f32 to vector<16xf32>
    %add3A_1729 = arith.addf %add3A_1728, %exp3A_1726 : vector<16xf32>
    %div3A_1730 = arith.constant 1.000000e+00 : f32
    %div3A_1731 = vector.broadcast %div3A_1730 : f32 to vector<16xf32>
    %div3A_1732 = arith.divf %div3A_1731, %add3A_1729 : vector<16xf32>
    %add3A_1733 = arith.addf %div3A_1732, %convert_element_type3A_400 : vector<16xf32>
    %div3A_1734 = arith.divf %add3A_1733, %select_n3A_397 : vector<16xf32>
    %neg3A_1735 = arith.constant 0.000000e+00 : f32
    %neg3A_1736 = vector.broadcast %neg3A_1735 : f32 to vector<16xf32>
    %neg3A_1737 = arith.subf %neg3A_1736, %gather3A_1714 : vector<16xf32>
    %exp3A_1738 = math.exp %neg3A_1737 : vector<16xf32>
    %add3A_1739 = arith.constant 1.000000e+00 : f32
    %add3A_1740 = vector.broadcast %add3A_1739 : f32 to vector<16xf32>
    %add3A_1741 = arith.addf %add3A_1740, %exp3A_1738 : vector<16xf32>
    %div3A_1742 = arith.constant 1.000000e+00 : f32
    %div3A_1743 = vector.broadcast %div3A_1742 : f32 to vector<16xf32>
    %div3A_1744 = arith.divf %div3A_1743, %add3A_1741 : vector<16xf32>
    %add3A_1745 = arith.addf %div3A_1744, %convert_element_type3A_403 : vector<16xf32>
    %div3A_1746 = arith.divf %add3A_1745, %select_n3A_397 : vector<16xf32>
    %exp3A_1747 = math.exp %gather3A_1718 : vector<16xf32>
    %mul3A_1748 = arith.mulf %exp3A_1747, %select_n3A_381 : vector<16xf32>
    %exp3A_1749 = math.exp %gather3A_1722 : vector<16xf32>
    %mul3A_1750 = arith.mulf %exp3A_1749, %select_n3A_384 : vector<16xf32>
    %mul3A_1751 = arith.constant 5.000000e-01 : f32
    %mul3A_1752 = vector.broadcast %mul3A_1751 : f32 to vector<16xf32>
    %mul3A_1753 = arith.mulf %mul3A_1748, %mul3A_1752 : vector<16xf32>
    %sub3A_1754 = arith.subf %div3A_1734, %mul3A_1753 : vector<16xf32>
    %mul3A_1755 = arith.constant 5.000000e-01 : f32
    %mul3A_1756 = vector.broadcast %mul3A_1755 : f32 to vector<16xf32>
    %mul3A_1757 = arith.mulf %mul3A_1750, %mul3A_1756 : vector<16xf32>
    %sub3A_1758 = arith.subf %div3A_1746, %mul3A_1757 : vector<16xf32>
    %mul3A_1759 = arith.constant 5.000000e-01 : f32
    %mul3A_1760 = vector.broadcast %mul3A_1759 : f32 to vector<16xf32>
    %mul3A_1761 = arith.mulf %mul3A_1748, %mul3A_1760 : vector<16xf32>
    %add3A_1762 = arith.addf %div3A_1734, %mul3A_1761 : vector<16xf32>
    %mul3A_1763 = arith.constant 5.000000e-01 : f32
    %mul3A_1764 = vector.broadcast %mul3A_1763 : f32 to vector<16xf32>
    %mul3A_1765 = arith.mulf %mul3A_1750, %mul3A_1764 : vector<16xf32>
    %add3A_1766 = arith.addf %div3A_1746, %mul3A_1765 : vector<16xf32>
    %max3A_1767 = arith.maximumf %sub3A_1754, %get3A_8 : vector<16xf32>
    %max3A_1768 = arith.maximumf %sub3A_1758, %get3A_12 : vector<16xf32>
    %min3A_1769 = arith.minimumf %add3A_1762, %get3A_16 : vector<16xf32>
    %min3A_1770 = arith.minimumf %add3A_1766, %get3A_20 : vector<16xf32>
    %sub3A_1771 = arith.subf %min3A_1769, %max3A_1767 : vector<16xf32>
    %max3A_1772 = arith.constant 0.000000e+00 : f32
    %max3A_1773 = vector.broadcast %max3A_1772 : f32 to vector<16xf32>
    %max3A_1774 = arith.maximumf %sub3A_1771, %max3A_1773 : vector<16xf32>
    %sub3A_1775 = arith.subf %min3A_1770, %max3A_1768 : vector<16xf32>
    %max3A_1776 = arith.constant 0.000000e+00 : f32
    %max3A_1777 = vector.broadcast %max3A_1776 : f32 to vector<16xf32>
    %max3A_1778 = arith.maximumf %sub3A_1775, %max3A_1777 : vector<16xf32>
    %mul3A_1779 = arith.mulf %max3A_1774, %max3A_1778 : vector<16xf32>
    %sub3A_1780 = arith.subf %add3A_1762, %sub3A_1754 : vector<16xf32>
    %sub3A_1781 = arith.subf %add3A_1766, %sub3A_1758 : vector<16xf32>
    %mul3A_1782 = arith.mulf %sub3A_1780, %sub3A_1781 : vector<16xf32>
    %add3A_1783 = arith.addf %mul3A_1782, %mul3A_34 : vector<16xf32>
    %sub3A_1784 = arith.subf %add3A_1783, %mul3A_1779 : vector<16xf32>
    %add3A_1785 = arith.constant 9.99999971E-10 : f32
    %add3A_1786 = vector.broadcast %add3A_1785 : f32 to vector<16xf32>
    %add3A_1787 = arith.addf %sub3A_1784, %add3A_1786 : vector<16xf32>
    %div3A_1788 = arith.divf %mul3A_1779, %add3A_1787 : vector<16xf32>
    %sub3A_1789 = arith.subf %div3A_1611, %div3A_1788 : vector<16xf32>
    %mul3A_1790 = arith.mulf %select_n3A_1588, %sub3A_1789 : vector<16xf32>
    %mul3A_1791 = arith.mulf %mul3A_1790, %sub3A_1789 : vector<16xf32>
    %add3A_1792 = arith.addf %sub3A_1704, %mul3A_1791 : vector<16xf32>
    %reduce_sum3A = arith.constant true
    %reduce_sum3A_1793 = vector.broadcast %reduce_sum3A : i1 to vector<16xi1>
    %reduce_sum3A_1794 = tpu.scan <sum>, %add3A_1792 masked %reduce_sum3A_1793 : vector<16xf32>, vector<16xi1> -> vector<16xf32>
    %reduce_sum3A_1795 = vector.extract %reduce_sum3A_1794[15] : f32 from vector<16xf32>
    %sub3A_1796 = arith.constant 2.250000e+00 : f32
    %sub3A_1797 = arith.subf %reduce_sum3A_1795, %sub3A_1796 : f32
    %reduce_sum3A_1798 = arith.constant true
    %reduce_sum3A_1799 = vector.broadcast %reduce_sum3A_1798 : i1 to vector<16xi1>
    %reduce_sum3A_1800 = tpu.scan <sum>, %select_n3A_1588 masked %reduce_sum3A_1799 : vector<16xf32>, vector<16xi1> -> vector<16xf32>
    %reduce_sum3A_1801 = vector.extract %reduce_sum3A_1800[15] : f32 from vector<16xf32>
    %eq3A_1802 = arith.constant 0 : i32
    %eq3A_1803 = vector.broadcast %eq3A_1802 : i32 to vector<16xi32>
    %eq3A_1804 = arith.cmpi eq, %iota3A, %eq3A_1803 : vector<16xi32>
    %eq3A_1805 = arith.constant 1 : i32
    %eq3A_1806 = vector.broadcast %eq3A_1805 : i32 to vector<16xi32>
    %eq3A_1807 = arith.cmpi eq, %iota3A, %eq3A_1806 : vector<16xi32>
    %jit3A_1808 = arith.constant 0.000000e+00 : f32
    %broadcast_in_dim3A_1809 = vector.broadcast %reduce_sum3A_1801 : f32 to vector<16xf32>
    %broadcast_in_dim3A_1810 = vector.broadcast %jit3A_1808 : f32 to vector<16xf32>
    %select_n3A_1811 = arith.select %eq3A_1807, %broadcast_in_dim3A_1809, %broadcast_in_dim3A_1810 : vector<16xi1>, vector<16xf32>
    %broadcast_in_dim3A_1812 = vector.broadcast %sub3A_1797 : f32 to vector<16xf32>
    %select_n3A_1813 = arith.select %eq3A_1804, %broadcast_in_dim3A_1812, %select_n3A_1811 : vector<16xi1>, vector<16xf32>
    %swap3A = arith.constant 0 : index
    %swap3A_1814 = tpu.vector_load %arg11[%swap3A] {strides = array<i32>} : memref<16xf32, #tpu.memory_space<vmem>>, vector<16xf32>,
    tpu.vector_store %arg11[%swap3A], %select_n3A_1813 {strides = array<i32>} : memref<16xf32, #tpu.memory_space<vmem>>, vector<16xf32>,
    "tpu.region"() ({
      %run_scoped3A = tpu.sem_alloc : memref<!tpu.dma_semaphore, #tpu.memory_space<semaphore_mem>>
      %dma_start3A_1815 = arith.constant 0 : i32
      %dma_start3A_1816 = tpu.memref_slice %arg6[%add3A, %dma_start3A_1815] : memref<32x16xf32, #tpu.memory_space<hbm>> -> memref<1x16xf32, #tpu.memory_space<hbm>>
      %dma_start3A_1817 = tpu.memref_squeeze %dma_start3A_1816 : memref<1x16xf32, #tpu.memory_space<hbm>> -> memref<16xf32, #tpu.memory_space<hbm>>
      %dma_start3A_1818 = arith.constant 0 : i32
      %dma_start3A_1819 = tpu.memref_slice %arg6[%add3A, %dma_start3A_1818] : memref<32x16xf32, #tpu.memory_space<hbm>> -> memref<1x16xf32, #tpu.memory_space<hbm>>
      %dma_start3A_1820 = tpu.memref_squeeze %dma_start3A_1819 : memref<1x16xf32, #tpu.memory_space<hbm>> -> memref<16xf32, #tpu.memory_space<hbm>>
      tpu.enqueue_dma source(%arg11 : memref<16xf32, #tpu.memory_space<vmem>>) target(%dma_start3A_1820 : memref<16xf32, #tpu.memory_space<hbm>>) target_semaphore(%run_scoped3A : memref<!tpu.dma_semaphore, #tpu.memory_space<semaphore_mem>>)
      %dma_wait3A_1821 = arith.constant 0 : i32
      %dma_wait3A_1822 = tpu.memref_slice %arg6[%add3A, %dma_wait3A_1821] : memref<32x16xf32, #tpu.memory_space<hbm>> -> memref<1x16xf32, #tpu.memory_space<hbm>>
      %dma_wait3A_1823 = tpu.memref_squeeze %dma_wait3A_1822 : memref<1x16xf32, #tpu.memory_space<hbm>> -> memref<16xf32, #tpu.memory_space<hbm>>
      %dma_wait3A_1824 = arith.constant 0 : i32
      %dma_wait3A_1825 = tpu.memref_slice %arg6[%add3A, %dma_wait3A_1824] : memref<32x16xf32, #tpu.memory_space<hbm>> -> memref<1x16xf32, #tpu.memory_space<hbm>>
      %dma_wait3A_1826 = tpu.memref_squeeze %dma_wait3A_1825 : memref<1x16xf32, #tpu.memory_space<hbm>> -> memref<16xf32, #tpu.memory_space<hbm>>
      tpu.wait_dma2 semaphore(%run_scoped3A : memref<!tpu.dma_semaphore, #tpu.memory_space<semaphore_mem>>) src(%arg11 : memref<16xf32, #tpu.memory_space<vmem>>) dst(%dma_wait3A_1826 : memref<16xf32, #tpu.memory_space<hbm>>)
      tpu.yield
    }) : () -> ()
    return
  }
}

</mosaic_0001>

<sc_bundles>
// kernel: _sc_call.3.cloned.1.call-start
scs
__scs_entry_jumppad:
0x0: {  	(pc) =	sbr.rel $0x88, $3  }
0x1: {  	(tag) =	ssettag $0x0;
	lr =	simm.s32 $0x1  }
0x2: {  	[smem:$0x3F9D] =	sst lr;
	_ =	strace $0xD0000000  }
0x3: {  	_ = 	snop  }
0x4: {  	_ = 	snop  }
0x5: {  	_ = 	snop  }
0x6: {  	_ = 	snop  }
0x7: {  	_ = 	snop  }
__scs_overlays_trampoline_lowered:
0x8: {  	[smem:$0x3FAC] =	sst s0  }
0x9: {  	[smem:$0x3FAD] =	sst s1  }
0xa: {  	[smem:$0x3FAE] =	sst s2  }
0xb: {  	[smem:$0x3FAF] =	sst s3  }
0xc: {  	[smem:$0x3FB0] =	sst s4  }
0xd: {  	[smem:$0x3FB1] =	sst s5  }
0xe: {  	[smem:$0x3FB2] =	sst s6  }
0xf: {  	[smem:$0x3FB3] =	sst s7  }
0x10: {  	[smem:$0x3FB4] =	sst s8  }
0x11: {  	[smem:$0x3FB5] =	sst s9;
	s0 =	simm.s32 @!p0 $0x0  }
0x12: {  	s1 =	sld [smem:$0x3F9B];
	s0 =	simm.s32 @p0 $0x1  }
0x13: {  	[smem:$0x3FB6] =	sst s0;
	s0 =	simm.s32 @!p1 $0x0  }
0x14: {  	s2 =	sld [smem:$0x3F9A];
	s0 =	simm.s32 @p1 $0x1  }
0x15: {  	[smem:$0x3FB7] =	sst s0;
	s0 =	simm.s32 @!p2 $0x0  }
0x16: {  	s3 =	sld [smem:$0x3FDB];
	s0 =	simm.s32 @p2 $0x1  }
0x17: {  	s4 =	simm.s32 $0x1BF5;
	[smem:$0x3FB9] =	sst s0  }
0x18: {  	s0 =	sld [smem:$0x3F9C];
	_ =	swait.ge [sflag:s4], $0x0  }
0x19: {  	s7 =	sld [smem:$0x3F9D]  }
0x1a: {  	s8 =	sadd.s32 $0xFFFFE003, lr  }
0x1b: {  	s9 =	sadd.s32 $0xFFFFFEF7, lr;
	s5 =	simm.s32 $0xFFFFFFFF;
	p2 =	slt.u32 s8, $0xFFFFF086  }
0x1c: {  	p1 =	slt.u32 s9, $0xF7A;
	s5 =	simm.s32 @!p2 $0x0  }
0x1d: {  	s5 =	simm.s32 @p1 $0x1;
	p0 =	seq.s32 s7, s2  }
0x1e: {  	s7 =	smul.u32 @!p0 $0xF7A, s2;
	p2 =	seq.s32 @!p0 s5, $0x0  }
0x1f: {  	s9 =	smul.u32 $0xF7A, s1;
	s8 =	simm.s32 @!p0 $0x1BF5;
	p2 =	por !p2, p0  }
0x20: {  	[sflag:s8] =	ssyncset.s32 @!p0 $0xFFFFF086;
	s6 =	sadd.s32 @!p0 s3, s7;
	s7 =	simm.s32 @!p0 $0x108  }
0x21: {  	s3 =	sadd.s32 s3, s9;
	s6 =	sadd.s32 @!p0 $0x88, s6;
	s7 =	simm.s32 @p2 $0x1082  }
0x22: {  	[simem:s7], [sflag:s8] =	dma.local @!p0 [hbm:s6], $0xF7A  }
0x23: {  	s9 =	sor.u32 $0xD0000000, s2;
	s6 =	simm.s32 $0x108;
	_ =	swait.ge @!p0 [sflag:s8], $0x0  }
0x24: {  	s3 =	sadd.s32 $0x88, s3;
	s6 =	simm.s32 @!p1 $0x1082;
	[sflag:s4] =	ssyncset.s32 $0xFFFFF086  }
0x25: {  	[simem:s6], [sflag:s4] =	dma.local [hbm:s3], $0xF7A  }
0x26: {  	[smem:$0x3F9D] =	sst s1;
	(tag) =	ssettag s2;
	_ =	strace s9  }
0x27: {  	s1 =	sld [smem:$0x3FAD]  }
0x28: {  	s2 =	sld [smem:$0x3FAE]  }
0x29: {  	s4 =	sld [smem:$0x3FB0]  }
0x2a: {  	p0 =	seq.s32 s5, $0x0;
	s5 =	sld [smem:$0x3FB1]  }
0x2b: {  	s6 =	sld [smem:$0x3FB2]  }
0x2c: {  	s7 =	sld [smem:$0x3FB3]  }
0x2d: {  	s3 =	simm.s32 $0x108;
	s8 =	sld [smem:$0x3FB4]  }
0x2e: {  	s3 =	simm.s32 @!p0 $0x1082;
	s9 =	sld [smem:$0x3FB5]  }
0x2f: {  	lr =	sadd.s32 s0, s3;
	s0 =	sld [smem:$0x3FAC]  }
0x30: {  	s3 =	sld [smem:$0x3FAF]  }
0x31: {  	[smem:$0x3FB8] =	sst s10  }
0x32: {  	s10 =	sld [smem:$0x3FB6];
	_ =	sdelay $0x3  }
0x33: {  	p0 =	seq.s32 s10, $0x1;
	s10 =	sld [smem:$0x3FB8];
	_ =	sdelay $0x3  }
0x34: {  	[smem:$0x3FB8] =	sst s10  }
0x35: {  	s10 =	sld [smem:$0x3FB7];
	_ =	sdelay $0x3  }
0x36: {  	p1 =	seq.s32 s10, $0x1;
	s10 =	sld [smem:$0x3FB8];
	_ =	sdelay $0x3  }
0x37: {  	[smem:$0x3FB8] =	sst s10  }
0x38: {  	s10 =	sld [smem:$0x3FB9]  }
0x39: {  	_ = 	snop;
	(pc) =	sbr.ind lr, $3  }
0x3a: {  	_ = 	snop  }
0x3b: {  	_ = 	snop  }
0x3c: {  	p2 =	seq.s32 s10, $0x1;
	s10 =	sld [smem:$0x3FB8]  }
0x3d: {  	_ =	shalt  }
0x3e: {  	_ =	shalt  }
0x3f: {  	_ =	shalt  }
0x40: {  	_ =	shalt  }
0x41: {  	_ =	shalt  }
0x42: {  	_ =	shalt  }
0x43: {  	_ =	shalt  }
0x44: {  	_ =	shalt  }
0x45: {  	_ =	shalt  }
0x46: {  	_ =	shalt  }
0x47: {  	_ =	shalt  }
0x48: {  	_ =	shalt  }
0x49: {  	_ =	shalt  }
0x4a: {  	_ =	shalt  }
0x4b: {  	_ =	shalt  }
0x4c: {  	_ =	shalt  }
0x4d: {  	_ =	shalt  }
0x4e: {  	_ =	shalt  }
0x4f: {  	_ =	shalt  }
0x50: {  	_ =	shalt  }
0x51: {  	_ =	shalt  }
0x52: {  	_ =	shalt  }
0x53: {  	_ =	shalt  }
0x54: {  	_ =	shalt  }
0x55: {  	_ =	shalt  }
0x56: {  	_ =	shalt  }
0x57: {  	_ =	shalt  }
0x58: {  	_ =	shalt  }
0x59: {  	_ =	shalt  }
0x5a: {  	_ =	shalt  }
0x5b: {  	_ =	shalt  }
0x5c: {  	_ =	shalt  }
0x5d: {  	_ =	shalt  }
0x5e: {  	_ =	shalt  }
0x5f: {  	_ =	shalt  }
0x60: {  	_ =	shalt  }
0x61: {  	_ =	shalt  }
0x62: {  	_ =	shalt  }
0x63: {  	_ =	shalt  }
0x64: {  	_ =	shalt  }
0x65: {  	_ =	shalt  }
0x66: {  	_ =	shalt  }
0x67: {  	_ =	shalt  }
0x68: {  	_ =	shalt  }
0x69: {  	_ =	shalt  }
0x6a: {  	_ =	shalt  }
0x6b: {  	_ =	shalt  }
0x6c: {  	_ =	shalt  }
0x6d: {  	_ =	shalt  }
0x6e: {  	_ =	shalt  }
0x6f: {  	_ =	shalt  }
0x70: {  	_ =	shalt  }
0x71: {  	_ =	shalt  }
0x72: {  	_ =	shalt  }
0x73: {  	_ =	shalt  }
0x74: {  	_ =	shalt  }
0x75: {  	_ =	shalt  }
0x76: {  	_ =	shalt  }
0x77: {  	_ =	shalt  }
0x78: {  	_ =	shalt  }
0x79: {  	_ =	shalt  }
0x7a: {  	_ =	shalt  }
0x7b: {  	_ =	shalt  }
0x7c: {  	_ =	shalt  }
0x7d: {  	_ =	shalt  }
0x7e: {  	_ =	shalt  }
0x7f: {  	_ =	shalt  }
0x80: {  	_ =	shalt  }
0x81: {  	_ =	shalt  }
0x82: {  	_ =	shalt  }
0x83: {  	_ =	shalt  }
0x84: {  	_ =	shalt  }
0x85: {  	_ =	shalt  }
0x86: {  	_ =	shalt  }
0x87: {  	_ =	shalt  }
.Lfunc_end0:
.L_simem_size_0:
called_computation_lowered:
.L_overlay_start_0:
0x88: {  	s2 =	sld [smem:$0x3FD9]  }
0x89: {  	s3 =	sld [smem:$0x3FFE];
	_ =	sdelay $0x1  }
0x8a: {  	s1 =	srdreg.scid  }
0x8b: {  	s0 =	sand.u32 $0x1, s1  }
0x8c: {  	s17 =	sshll.u32 s0, $0xA;
	s2 =	sadd.s32 s3, s2  }
0x8d: {  	s2 =	sadd.s32 s2, s17  }
0x8e: {  	[smem:$0x3FC4] =	sst s2  }
0x8f: {  	_ = 	snop  }
0x90: {  	s2 =	sld [smem:$0x3FD0];
	(tm) =	ssettm $0x1  }
0x91: {  	s18 =	sld [smem:$0x3FFB];
	_ =	sdelay $0x3  }
0x92: {  	_ =	strace s18  }
0x93: {  	s3 =	sld [smem:$0x3FFC];
	_ =	sdelay $0x3  }
0x94: {  	_ =	strace s3  }
0x95: {  	s3 =	sld [smem:$0x3FFD];
	_ =	sdelay $0x3  }
0x96: {  	_ =	strace s3  }
0x97: {  	_ =	strace $0x8FFFFFFF  }
0x98: {  	s19 =	sld [smem:$0x3FDB];
	_ =	sdelay $0x1  }
0x99: {  	s4 =	simm.s32 $_scs_section_size  }
0x9a: {  	s5 =	simm.s32 $_size__tile_overlayer_lowered;
	s6 =	simm.s32 $_tile_overlayer_lowered  }
0x9b: {  	s22 =	simm.s32 $0x1BFF;
	s21 =	sshll.u32 s6, $0x1;
	s3 =	sadd.s32 s4, s19  }
0x9c: {  	s7 =	simm.s32 $0x0;
	s20 =	sshll.u32 s5, $0x1;
	s5 =	sadd.s32 s21, s3  }
0x9d: {  	[timem:s7], [sflag:s22] =	dma.local [hbm:s5], s20  }
0x9e: {  	_ =	swait.ge [sflag:s22], s20  }
0x9f: {  	s4 =	ssub.s32 $0x0, s20;
	[sflag:s22] =	ssyncset.done $0x0  }
0xa0: {  	[sflag:s22] =	ssyncadd.s32 s4;
	_ =	sdelay $0x1  }
0xa1: {  	s23 =	simm.s32 $0x1B8B  }
0xa2: {  	_ =	swait.ge [sflag:s23], $0x1  }
0xa3: {  	[sflag:s23] =	ssyncset.done $0x0  }
0xa4: {  	s25 =	simm.s32 $0x1B8E;
	s24 =	sld [smem:$0x3FFE];
	[sflag:s23] =	ssyncadd.s32 $0xFFFFFFFF  }
0xa5: {  	s26 =	simm.s32 $execute0_lowered;
	[smem:$0x3FD2] =	sst s25  }
0xa6: {  	s5 =	sshll.u32 s26, $0x1;
	_ =	strace $0x80000046;
	[dreg:$0x1] =	wrdreg $0xFFFFFFFF  }
0xa7: {  	s28 =	simm.s32 $_size_execute0_lowered;
	s3 =	sadd.s32 s3, s5;
	[dreg:$0x0] =	wrdreg $0x0  }
0xa8: {  	s5 =	sshll.u32 s28, $0x1;
	[dreg:$0x2] =	wrdreg s3  }
0xa9: {  	[dreg:$0x3] =	wrdreg s5  }
0xaa: {  	[dreg:$0x4] =	wrdreg $0xC0  }
0xab: {  	_ =	task [dreg:s7], $0x5FFFF  }
0xac: {  	[dreg:$0x1] =	wrdreg $0xFFFFFFFF  }
0xad: {  	[dreg:$0x0] =	wrdreg $0x60  }
0xae: {  	[dreg:$0x2] =	wrdreg s24  }
0xaf: {  	[dreg:$0x3] =	wrdreg s2  }
0xb0: {  	[dreg:$0x4] =	wrdreg $0x9  }
0xb1: {  	_ =	task.clear_ibuf [dreg:s7], $0x5FFFF;
	_ =	strace $0x90000046  }
0xb2: {  	s29 =	simm.s32 $0x9;
	_ =	strace $0x80000048  }
0xb3: {  	_ =	swait.ge [sflag:s29], $0x1  }
0xb4: {  	[sflag:s29] =	ssyncadd.s32 $0xFFFFFFFF  }
0xb5: {  	_ =	strace $0x90000048  }
0xb6: {  	_ =	sfence  }
0xb7: {  	s30 =	sld [smem:$0x0];
	_ =	sdelay $0x2  }
0xb8: {  	s31 =	sshll.u32 s1, $0xD;
	s1 =	sshrl.u32 s1, $0x2  }
0xb9: {  	s3 =	sand.u32 $0x4000, s31;
	s1 =	sadd.s32 s1, s30  }
0xba: {  	s0 =	sor.u32 s3, s0;
	s1 =	sshll.u32 s1, $0x11  }
0xbb: {  	s0 =	sor.u32 s1, s0  }
0xbc: {  	s0 =	sadd.s32 $0x8F2B, s0  }
0xbd: {  	[sflag:s0] =	ssyncadd.remote.s32 $0x1  }
0xbe: {  	_ =	sfence.sel $0xFFFF  }
0xbf: {  	[dreg:$0x0] =	wrdreg $0xFFFFFFFF;
	(pc) =	sbr.abs _section_cstart, $3  }
0xc0: {  	[dreg:$0x1] =	wrdreg $0xFFFFFFFF  }
0xc1: {  	_ =	task.clear_ibuf [dreg:s7], $0x2FFFF;
	_ =	strace $0x9FFFFFFF  }
0xc2: {  	(tm) =	ssettm $0x7FFFFFFF  }
0xc3: {  	_ =	shalt  }
tec
execute0_lowered:
.L_overlay_start_1:
0x0: {  	(tag) =	ssettag $0x1  }
0x1: {  	s3 =	rddreg [dreg:$0x0]  }
0x2: {  	s1 =	srdreg.scid;
	s0 =	stileid.u32  }
0x3: {  	s4 =	rddreg [dreg:$0x1];
	s2 =	simm.s32 $0x0;
	s12 =	simm.s32 $0x29A0  }
0x4: {  	s13 =	simm.s32 $0x1;
	s14 =	simm.s32 $0x2A30;
	s15 =	simm.s32 $0x0  }
0x5: {  	s5 =	sand.u32 $0x1, s1;
	s6 =	sshll.u32 s0, $0x1;
	[smem:$0x7FF] =	sst s2  }
0x6: {  	v0 =	vimm.f32 $1.300000000e+01;
	v1 =	vimm.s32 $0xF4F5F6F7;
	s1 =	rddreg [dreg:$0x2];
	s6 =	sor.u32 s5, s6;
	_ =	strace $0x80000047  }
0x7: {  	v2 =	vimm.s32 $0xF0F1F2F3;
	vm0 =	vcmask $0x3F30;
	v3 =	vimm.s32 $0x0;
	s5 =	ssub.s32 $0x2, s5;
	s7 =	smul.u32 $0x534, s6;
	s8 =	sshll.u32 s6, $0x3  }
0x8: {  	v4 =	vunpack.c.0.s8.s32 v1;
	v5 =	vunpack.c.0.s8.s32 v2;
	v1 =	vlaneseq.u32;
	s6 =	sshll.u32 s6, $0x1;
	s10 =	sshrl.u32 s5, $0x1;
	s9 =	sadd.s32 s8, s3  }
0x9: {  	vm15 =	vmmov $0xff;
	v2 =	vimm.f32 $0.0e+00;
	v7 =	vmul.u32 $0xFFFFFFFF, v1;
	s11 =	sadd.s32 s6, s3;
	s10 =	ssub.s32 s5, s10;
	s4 =	sadd.s32 s4, s8  }
0xa: {  	v9 =	vor.u32 $0x10, v1;
	v4 =	vsel vm0, v5, v4;
	v5 =	vimm.s32 $0x0;
	s7 =	sadd.s32 s7, s3;
	s5 =	sadd.s32 $0x400, s11;
	s6 =	sadd.s32 $0x600, s9  }
0xb: {  	v10 =	vadd.s32 $0x18, v1;
	v5 =	vsel vm15, $0xFFFFFFFF, v5;
	v6 =	vadd.s32 $0xFFFFFF8C, v7;
	s8 =	smax.u32 s10, $0x1;
	s9 =	simm.s32 $0x29E0;
	s10 =	simm.s32 $0x2  }
0xc: {  	v8 =	vadd.s32 $0x8, v1;
	[tilespmem:$0x1FFF0] =	vst v5;
	v5 =	vadd.s32 $0xFFFFFF9C, v7;
	v7 =	vadd.s32 $0xFFFFFF7C, v7;
	s3 =	sadd.s32 $0x800, s7;
	s7 =	sadd.s32 $0xB000, s11;
	s11 =	simm.s32 $0x2A20  }
.LBB2_1:
0xd: {  	[tilespmem:s2], [sflag:$0x1] =	stream.linear.gather [hbm4b:s3+s2], $0x29A0, $0x38;
	[tilespmem:$0x2A40] =	vst v63  }
0xe: {  	_ = 	snop  }
0xf: {  	[tilespmem:s9], [sflag:$0x2] =	stream.linear.gather [hbm4b:s4+s2], $0x40, $0x38;
	[tilespmem:$0x2A40] =	vst v63  }
0x10: {  	_ =	swait.ge [sflag:s10], $0x40  }
0x11: {  	[sflag:s10] =	ssyncset.done $0x0  }
0x12: {  	[sflag:s10] =	ssyncadd.s32 $0xFFFFFFC0  }
0x13: {  	[tilespmem:s11], [sflag:$0x2] =	stream.linear.gather [hbm4b:s5+s2], $0x10, $0x38;
	[tilespmem:$0x2A40] =	vst v63  }
0x14: {  	_ =	swait.ge [sflag:s10], $0x10  }
0x15: {  	[sflag:s10] =	ssyncset.done $0x0  }
0x16: {  	[sflag:s10] =	ssyncadd.s32 $0xFFFFFFF0  }
0x17: {  	[tilespmem:s12], [sflag:$0x2] =	stream.linear.gather [hbm4b:s6+s2], $0x40, $0x38;
	[tilespmem:$0x2A40] =	vst v63  }
0x18: {  	_ =	swait.ge [sflag:s10], $0x40  }
0x19: {  	[sflag:s10] =	ssyncset.done $0x0  }
0x1a: {  	[sflag:s10] =	ssyncadd.s32 $0xFFFFFFC0  }
0x1b: {  	v13 =	vld [tilespmem:$0x29E0]  }
0x1c: {  	v11 =	vld [tilespmem:$0x29F0]  }
0x1d: {  	v14 =	vld [tilespmem:$0x2A00]  }
0x1e: {  	v12 =	vld [tilespmem:$0x2A10];
	_ =	swait.ge [sflag:s13], $0x29A0  }
0x1f: {  	[sflag:s13] =	ssyncset.done $0x0  }
0x20: {  	s16 =	simm.s32 $0x0;
	[sflag:s13] =	ssyncadd.s32 $0xFFFFD660  }
0x21: {  	v15 =	vld [tilespmem:s16+$0x0];
	_ =	sdelay $0x1  }
0x22: {  	s28 =	simm.s32 $0x10  }
0x23: {  	v16 =	vld [tilespmem:s28+$0x0];
	_ =	sdelay $0x1  }
0x24: {  	v15 =	vsub.f32 $0.0e+00, v15;
	_ =	sdelay $0x1  }
0x25: {  	v15 =	vmul.f32 $1.442695020e+00, v15  }
0x26: {  	v16 =	vsub.f32 $0.0e+00, v16  }
0x27: {  	s29 =	simm.s32 $0x20;
	(erf) = vpow2.f32 v15  }
0x28: {  	v15 =	vmul.f32 $1.442695020e+00, v16;
	v16 =	vld [tilespmem:s29+$0x0];
	_ =	sdelay $0x1  }
0x29: {  	(erf) = vpow2.f32 v15  }
0x2a: {  	s30 =	simm.s32 $0x30  }
0x2b: {  	v15 =	vld [tilespmem:s30+$0x0]  }
0x2c: {  	v16 =	vsub.f32 $0.0e+00, v16;
	_ =	sdelay $0x1  }
0x2d: {  	v16 =	vmul.f32 $1.442695020e+00, v16  }
0x2e: {  	v17 =	vpop (erf)  }
0x2f: {  	v15 =	vsub.f32 $0.0e+00, v15;
	v17 =	vadd.f32 $1.000000000e+00, v17  }
0x30: {  	(erf) = vpow2.f32 v16  }
0x31: {  	v15 =	vmul.f32 $1.442695020e+00, v15;
	v16 =	vpop (erf);
	(erf) = vrcp.f32 v17  }
0x32: {  	s31 =	simm.s32 $0x40;
	v16 =	vadd.f32 $1.000000000e+00, v16  }
0x33: {  	(erf) = vpow2.f32 v15;
	v15 =	vld [tilespmem:s31+$0x0]  }
0x34: {  	(erf) = vrcp.f32 v16;
	_ =	sdelay $0x2  }
0x35: {  	s16 =	simm.s32 $0x140;
	v16 =	vimm.f32 $0.0e+00  }
.LBB2_2:
0x36: {  	s17 =	sshra.s32 s16, $0x2;
	v17 =	vsub.f32 $0.0e+00, v15;
	p0 =	sne.s32 s16, $0xA640  }
.Ltmp0:
0x37: {  	s16 =	sadd.s32 $0x40, s16;
	v15 =	vld [tilespmem:s17+$0x0];
	v18 =	vpop (erf);
	(pc) =	sbr.rel @p0 .LBB2_2-.Ltmp0, $4  }
0x38: {  	v17 =	vmul.f32 $1.442695020e+00, v17;
	v19 =	vpop (erf)  }
0x39: {  	v18 =	vadd.f32 $1.000000000e+00, v18;
	v19 =	vmul.f32 v19, v19  }
0x3a: {  	(erf) = vpow2.f32 v17  }
0x3b: {  	(erf) = vrcp.f32 v18;
	v16 =	vadd.f32 v19, v16  }
0x3c: {  	v15 =	vsub.f32 $0.0e+00, v15  }
0x3d: {  	v26 =	vsub.f32 v14, v13;
	v17 =	vadd.f32 v14, v13  }
0x3e: {  	v27 =	vsub.f32 v12, v11;
	v21 =	vadd.f32 v12, v11  }
0x3f: {  	v15 =	vmul.f32 $1.442695020e+00, v15;
	v17 =	vmul.f32 $5.000000000e-01, v17  }
0x40: {  	v32 =	vpop (erf);
	v22 =	vmin.f32 v26, $2.403846200e-02;
	v23 =	vmin.f32 v27, $3.125000000e-02;
	v21 =	vmul.f32 $5.000000000e-01, v21  }
0x41: {  	v19 =	vpop (erf);
	v41 =	vmin.f32 v26, $3.846153990e-02;
	v28 =	vmin.f32 v27, $7.211538400e-02;
	(erf) = vpow2.f32 v15  }
0x42: {  	v48 =	vmin.f32 v26, $7.932692020e-02;
	v19 =	vmul.f32 v19, v19;
	v30 =	vmul.f32 v23, v22  }
0x43: {  	v56 =	vmin.f32 v26, $1.418269280e-01;
	v31 =	vmul.f32 v28, v41;
	v36 =	vmul.f32 $5.200000000e+01, v17  }
0x44: {  	v15 =	vadd.f32 $1.000000000e+00, v32;
	v37 =	vmul.f32 $5.200000000e+01, v21;
	v25 =	vmul.f32 $2.600000000e+01, v21  }
0x45: {  	v61 =	vmin.f32 v26, $2.788461450e-01;
	v21 =	vmul.f32 $1.300000000e+01, v21;
	v45 =	vmul.f32 $2.600000000e+01, v17;
	v33 =	vpop (erf)  }
0x46: {  	(erf) = vrcp.f32 v15;
	v15 =	vmul.f32 v27, v26;
	v20 =	vadd.f32 $1.000000000e+00, v33  }
0x47: {  	v41 =	vmin.f32 v26, $1.490384640e-01;
	v17 =	vmul.f32 $1.300000000e+01, v17;
	v38 =	vtrunc.f32 v36  }
0x48: {  	v39 =	vtrunc.f32 v37;
	v34 =	vadd.f32 $7.512019370e-04, v15;
	(erf) = vrcp.f32 v20  }
0x49: {  	v16 =	vadd.f32 v19, v16;
	v44 =	vtrunc.f32 v25;
	v21 =	vtrunc.f32 v21;
	v18 =	vpop (erf)  }
0x4a: {  	v46 =	vtrunc.f32 v45;
	v17 =	vtrunc.f32 v17;
	v22 =	vsub.f32 v34, v30;
	v24 =	vpop (erf)  }
0x4b: {  	v36 =	vmin.f32 v27, $5.528846010e-02;
	v42 =	vadd.f32 $2.773668620e-03, v15;
	v35 =	vadd.f32 $1.000000000e+00, v24  }
0x4c: {  	v23 =	vcvt.f32.s32 v38;
	v25 =	vcvt.f32.s32 v21;
	v40 =	vadd.f32 $9.999999710e-10, v22  }
0x4d: {  	v28 =	vcvt.f32.s32 v46;
	v20 =	vsub.f32 v42, v31;
	(erf) = vrcp.f32 v35  }
0x4e: {  	v29 =	vcvt.f32.s32 v17;
	v49 =	vadd.f32 $4.385863430e-03, v15;
	(erf) = vrcp.f32 v40  }
0x4f: {  	v36 =	vmul.f32 v36, v48;
	v53 =	vadd.f32 $1.057461180e-02, v15;
	v33 =	vadd.f32 $9.999999710e-10, v20  }
0x50: {  	v38 =	vmin.f32 v26, $7.211538400e-02;
	v55 =	vadd.f32 $1.612194810e-02, v15;
	v57 =	vadd.f32 $4.057068380e-02, v15;
	v21 =	vpop (erf)  }
0x51: {  	v63 =	vadd.f32 $6.032729140e-02, v15;
	v18 =	vmul.f32 v18, v18;
	v20 =	vpop (erf);
	(erf) = vrcp.f32 v33  }
0x52: {  	v50 =	vsub.f32 v49, v36;
	v22 =	vcvt.f32.s32 v39;
	v24 =	vcvt.f32.s32 v44  }
0x53: {  	v42 =	vmin.f32 v27, $1.081730800e-01;
	v49 =	vmin.f32 v26, $3.750000000e-01;
	v26 =	vmin.f32 v26, $8.966346380e-01  }
0x54: {  	v16 =	vadd.f32 v18, v16;
	v43 =	vmul.u32 $0x34, v22;
	v34 =	vmul.u32 $0x1A, v24  }
0x55: {  	v39 =	vmin.f32 v27, $1.466346090e-01;
	v44 =	vmin.f32 v27, $2.163461600e-01;
	v35 =	vmul.u32 $0xD, v25  }
0x56: {  	v32 =	vadd.s32 v23, v43;
	v43 =	vmin.f32 v27, $2.860576810e-01;
	v47 =	vadd.s32 v34, v28;
	v17 =	vpop (erf)  }
0x57: {  	v21 =	vmul.f32 v21, v21;
	v35 =	vadd.s32 v35, v29;
	v33 =	vmul.u32 $0x3, v47;
	v37 =	vpop (erf)  }
0x58: {  	v37 =	vmul.f32 v37, v30;
	v30 =	vmul.u32 $0x3, v32;
	v32 =	vadd.f32 $9.999999710e-10, v50  }
0x59: {  	v16 =	vadd.f32 v21, v16;
	v35 =	vmul.u32 $0x3, v35;
	v20 =	vmul.f32 v20, v20  }
0x5a: {  	v34 =	vadd.s32 $0x1FB0, v33;
	v40 =	vpop (erf);
	(erf) = vrcp.f32 v32;
	v32 =	vmul.f32 v39, v38  }
0x5b: {  	v50 =	vmin.f32 v27, $4.759615360e-01;
	v31 =	vmul.f32 v40, v31;
	v40 =	vmul.f32 v42, v41  }
0x5c: {  	v27 =	vmin.f32 v27, $7.836538550e-01;
	v42 =	vmul.f32 v43, v56;
	v38 =	vsub.f32 v53, v32  }
0x5d: {  	v35 =	vadd.s32 $0x279C, v35;
	v26 =	vmul.f32 v27, v26;
	v41 =	vsub.f32 v55, v40  }
0x5e: {  	vm1 =	vgt.f32 v37, $-1.000000000e+00;
	v58 =	vsub.f32 v57, v42;
	v38 =	vadd.f32 $9.999999710e-10, v38  }
0x5f: {  	vm2 =	vgt.f32 v37, $5.000000000e-01;
	v60 =	vadd.f32 $9.999999710e-10, v41;
	v41 =	vmul.f32 v44, v61  }
0x60: {  	v51 =	vnsel vm1, $0xBF800000, v37;
	v33 =	vadd.f32 $9.999999710e-10, v58;
	(erf) = vrcp.f32 v38  }
0x61: {  	v52 =	vsel vm1, $0x3CC4EC4F, v2;
	v48 =	vsub.f32 v63, v41;
	(erf) = vrcp.f32 v60  }
0x62: {  	vm6 =	vgt.f32 v31, $5.000000000e-01;
	vm3 =	vgt.f32 v31, v51;
	(erf) = vrcp.f32 v33  }
0x63: {  	v37 =	vsel vm3, $0x3D1D89D9, v52;
	v52 =	vadd.f32 $7.026511430e-01, v15;
	v33 =	vadd.f32 $9.999999710e-10, v48  }
0x64: {  	v31 =	vsel vm3, v31, v51;
	v51 =	vadd.f32 $1.784855720e-01, v15;
	v38 =	vmul.f32 v50, v49  }
0x65: {  	v54 =	vsel vm1, $0x3D000000, v2;
	v27 =	vsub.f32 v52, v26;
	v62 =	vpop (erf);
	(erf) = vrcp.f32 v33  }
0x66: {  	vm1 =	vmor vm2, vm6;
	v44 =	vsub.f32 v51, v38;
	v36 =	vmul.f32 v62, v36  }
0x67: {  	v59 =	vsel vm3, $0x1, v3;
	v39 =	vsel vm3, $0x3D93B13B, v54;
	v27 =	vadd.f32 $9.999999710e-10, v27  }
0x68: {  	v44 =	vadd.f32 $9.999999710e-10, v44;
	vm7 =	vgt.f32 v36, $5.000000000e-01;
	vm8 =	vgt.f32 v36, v31  }
0x69: {  	vm1 =	vmor vm7, vm1;
	v31 =	vsel vm8, v36, v31;
	v54 =	vsel vm8, $0x2, v59;
	v53 =	vpop (erf)  }
0x6a: {  	v55 =	vsel vm8, $0x3DA27627, v37;
	(erf) = vrcp.f32 v44;
	v32 =	vmul.f32 v53, v32;
	v57 =	vpop (erf)  }
0x6b: {  	v56 =	vsel vm8, $0x3D627627, v39;
	(erf) = vrcp.f32 v27;
	v58 =	vmul.f32 v57, v40;
	v61 =	vpop (erf)  }
0x6c: {  	vm9 =	vgt.f32 v32, $5.000000000e-01;
	vm10 =	vgt.f32 v32, v31;
	v37 =	vmul.f32 v61, v42  }
0x6d: {  	v31 =	vsel vm10, v32, v31;
	v59 =	vsel vm10, $0x3, v54;
	v33 =	vsel vm10, $0x3D93B13B, v55  }
0x6e: {  	v60 =	vsel vm10, $0x3E162762, v56;
	vm4 =	vgt.f32 v58, $5.000000000e-01;
	v40 =	vpop (erf);
	vm5 =	vgt.f32 v58, v31  }
0x6f: {  	vm2 =	vmor vm9, vm4;
	vm11 =	vgt.f32 v37, $5.000000000e-01;
	v36 =	vmul.f32 v40, v41  }
0x70: {  	v31 =	vsel vm5, v58, v31;
	v27 =	vsel vm5, $0x4, v59;
	vm3 =	vmor vm10, vm5  }
0x71: {  	v62 =	vsel vm5, $0x3E189D8A, v33;
	v63 =	vsel vm5, $0x3DDD89D9, v60;
	vm2 =	vmor vm11, vm2  }
0x72: {  	v58 =	vimm.s32 $0x0;
	vm12 =	vgt.f32 v37, v31;
	vm13 =	vgt.f32 v36, $5.000000000e-01  }
0x73: {  	v31 =	vsel vm12, v37, v31;
	v27 =	vsel vm12, $0x5, v27;
	vm3 =	vmor vm12, vm3;
	v41 =	vpop (erf)  }
0x74: {  	v32 =	vsel vm12, $0x3E113B14, v62;
	vm14 =	vgt.f32 v36, v31;
	v37 =	vmul.f32 v41, v38  }
0x75: {  	v33 =	vsel vm12, $0x3E927627, v63;
	v31 =	vsel vm14, v36, v31;
	v27 =	vsel vm14, $0x6, v27  }
0x76: {  	v32 =	vsel vm14, $0x3E8EC4EC, v32;
	v42 =	vpop (erf);
	v33 =	vsel vm14, $0x3E5D89D9, v33;
	vm6 =	vgt.f32 v37, $5.000000000e-01  }
0x77: {  	v26 =	vmul.f32 v42, v26;
	vm7 =	vgt.f32 v37, v31;
	vm4 =	vmor vm13, vm6  }
0x78: {  	v48 =	vld [tilespmem:$0x1FFF0];
	v31 =	vsel vm7, v37, v31;
	v27 =	vsel vm7, $0x7, v27;
	vm5 =	vmor vm14, vm7  }
0x79: {  	v43 =	vsel vm7, $0x3EC00000, v32;
	vm8 =	vgt.f32 v26, $5.000000000e-01;
	vm15 =	vgt.f32 v26, v31  }
0x7a: {  	v44 =	vsel vm7, $0x3EF3B13B, v33;
	vm4 =	vmor vm8, vm4;
	vm5 =	vmor vm15, vm5  }
0x7b: {  	v33 =	vsel vm15, $0x8, v27;
	v27 =	vsel vm15, $0x3F6589D9, v43;
	vm0 =	vmneg vm5  }
0x7c: {  	v26 =	vsel vm15, $0x3F489D8A, v44;
	vm7 =	vmand vm0, vm3;
	vm3 =	vmor vm5, vm3  }
0x7d: {  	vm0 =	vnez.u8 v48;
	v28 =	vsel vm7, v28, v29;
	v46 =	vsel vm7, v34, v35  }
0x7e: {  	v47 =	vsel vm7, v24, v25;
	vm1 =	vmand vm1, vm0;
	vm2 =	vmand vm2, vm0  }
0x7f: {  	vm8 =	vmand vm4, vm0;
	v28 =	vsel vm3, v28, v23;
	v32 =	vsel vm3, v46, v30  }
0x80: {  	v29 =	vsel vm3, v47, v22;
	v24 =	vsel vm1, v30, v5;
	v23 =	vsel vm2, v34, v6  }
0x81: {  	v22 =	vsel vm8, v35, v7;
	v49 =	vbroadcast v32, $0x0;
	v50 =	vbroadcast v24, $0x0  }
0x82: {  	v45 =	vsel vm7, $0x41D00000, v0;
	v54 =	vbroadcast v23, $0x0;
	v55 =	vbroadcast v22, $0x0  }
0x83: {  	v31 =	vnsel vm3, $0x42500000, v45;
	v57 =	vbroadcast v32, $0x1;
	v62 =	vbroadcast v24, $0x1  }
0x84: {  	v25 =	vsel vm0, v32, v4;
	v46 =	vbroadcast v23, $0x1;
	v42 =	vbroadcast v22, $0x3  }
0x85: {  	v29 =	vcvt.s32.f32 v29;
	vm9 =	vne.s32 v25, v49;
	vm10 =	vne.s32 v24, v49  }
0x86: {  	vm11 =	vne.s32 v23, v49;
	vm12 =	vne.s32 v22, v49;
	vm13 =	veq.s32 v25, v50  }
0x87: {  	vm14 =	veq.s32 v24, v50;
	vm15 =	veq.s32 v23, v50;
	vm3 =	veq.s32 v22, v50  }
0x88: {  	vm6 =	veq.s32 v25, v54;
	vm7 =	veq.s32 v24, v54;
	vm8 =	veq.s32 v23, v54  }
0x89: {  	vm1 =	veq.s32 v25, v62;
	vm2 =	veq.s32 v23, v62;
	vm4 =	veq.s32 v25, v46  }
0x8a: {  	v30 =	vsel vm9, $0xFFFFFFFF, v3;
	v51 =	vsel vm10, $0xFFFFFFFF, v3;
	v52 =	vsel vm11, $0xFFFFFFFF, v3  }
0x8b: {  	v36 =	vsel vm12, $0xFFFFFFFF, v3;
	vm9 =	veq.s32 v22, v54;
	vm10 =	veq.s32 v25, v55  }
0x8c: {  	vm11 =	veq.s32 v24, v55;
	vm12 =	veq.s32 v23, v55;
	v53 =	vsel vm13, $0x8, v30  }
0x8d: {  	v35 =	vsel vm14, $0x8, v51;
	v37 =	vsel vm15, $0x8, v52;
	v36 =	vsel vm3, $0x8, v36  }
0x8e: {  	vm13 =	veq.s32 v22, v55;
	vm14 =	veq.s32 v25, v57;
	v51 =	vbroadcast v22, $0x1  }
0x8f: {  	v55 =	vimm.s32 $0x0;
	v38 =	vsel vm6, $0x10, v53;
	v35 =	vsel vm7, $0x10, v35  }
0x90: {  	v37 =	vsel vm8, $0x10, v37;
	v34 =	vsel vm9, $0x10, v36;
	v39 =	vsel vm14, $0xFFFFFFFF, v58  }
0x91: {  	vm7 =	veq.s32 v24, v57;
	vm9 =	veq.s32 v23, v57;
	v53 =	vbroadcast v32, $0x2  }
0x92: {  	v58 =	vbroadcast v24, $0x2;
	v56 =	vsel vm10, $0x18, v38;
	v35 =	vsel vm11, $0x18, v35  }
0x93: {  	v37 =	vsel vm12, $0x18, v37;
	v34 =	vsel vm13, $0x18, v34;
	vm10 =	veq.s32 v22, v57  }
0x94: {  	vm13 =	veq.s32 v24, v62;
	vm15 =	vgt.s32 v56, $0x1;
	vm6 =	vgt.s32 v35, $0x1  }
0x95: {  	vm8 =	vgt.s32 v37, $0x1;
	vm11 =	vgt.s32 v34, $0x1;
	v59 =	vnsel vm15, $0x1, v56  }
0x96: {  	v60 =	vnsel vm6, $0x1, v35;
	v61 =	vnsel vm8, $0x1, v37;
	v63 =	vnsel vm11, $0x1, v34  }
0x97: {  	vm8 =	veq.s32 v22, v62;
	v36 =	vsel vm14, v59, v56;
	v35 =	vsel vm7, v60, v35  }
0x98: {  	v37 =	vsel vm9, v61, v37;
	v34 =	vsel vm10, v63, v34;
	vm12 =	vgt.s32 v36, $0x9  }
0x99: {  	vm14 =	vgt.s32 v35, $0x9;
	vm15 =	vgt.s32 v37, $0x9;
	vm9 =	vgt.s32 v34, $0x9  }
0x9a: {  	[tilespmem:$0x1FFC0] =	vst v39;
	v44 =	vnsel vm12, $0x9, v36;
	v45 =	vnsel vm14, $0x9, v35;
	v39 =	vnsel vm15, $0x9, v37  }
0x9b: {  	v47 =	vnsel vm9, $0x9, v34;
	vm12 =	veq.s32 v24, v46;
	vm14 =	veq.s32 v23, v46  }
0x9c: {  	vm9 =	veq.s32 v25, v51;
	v36 =	vsel vm1, v44, v36;
	v35 =	vsel vm13, v45, v35  }
0x9d: {  	v37 =	vsel vm2, v39, v37;
	v34 =	vsel vm8, v47, v34;
	vm8 =	veq.s32 v22, v46  }
0x9e: {  	vm3 =	vmor vm9, vm4;
	v44 =	vbroadcast v23, $0x2;
	vm10 =	vgt.s32 v36, $0x11  }
0x9f: {  	vm11 =	vgt.s32 v35, $0x11;
	vm13 =	vgt.s32 v37, $0x11;
	vm15 =	vgt.s32 v34, $0x11  }
0xa0: {  	vm1 =	vmor vm3, vm1;
	vm3 =	veq.s32 v22, v58;
	v48 =	vnsel vm10, $0x11, v36  }
0xa1: {  	v49 =	vnsel vm11, $0x11, v35;
	v50 =	vnsel vm13, $0x11, v37;
	v52 =	vnsel vm15, $0x11, v34  }
0xa2: {  	vm10 =	veq.s32 v24, v51;
	vm11 =	veq.s32 v23, v51;
	v40 =	vsel vm1, $0xFFFFFFFF, v55  }
0xa3: {  	vm1 =	veq.s32 v25, v58;
	vm5 =	veq.s32 v25, v44;
	v36 =	vsel vm4, v48, v36  }
0xa4: {  	v35 =	vsel vm12, v49, v35;
	v37 =	vsel vm14, v50, v37;
	v34 =	vsel vm8, v52, v34  }
0xa5: {  	vm12 =	veq.s32 v22, v51;
	vm4 =	veq.s32 v25, v53;
	vm14 =	veq.s32 v24, v53  }
0xa6: {  	vm8 =	veq.s32 v23, v53;
	v48 =	vbroadcast v22, $0x2;
	v50 =	vbroadcast v32, $0x3  }
0xa7: {  	v52 =	vimm.s32 $0x0;
	v36 =	vsel vm9, $0x19, v36;
	v35 =	vsel vm10, $0x19, v35  }
0xa8: {  	v37 =	vsel vm11, $0x19, v37;
	v34 =	vsel vm12, $0x19, v34;
	vm9 =	veq.s32 v22, v53  }
0xa9: {  	vm13 =	vgt.s32 v36, $0x2;
	vm15 =	vgt.s32 v35, $0x2;
	vm2 =	vgt.s32 v37, $0x2  }
0xaa: {  	vm10 =	vgt.s32 v34, $0x2;
	vm6 =	veq.s32 v25, v50;
	v54 =	vnsel vm13, $0x2, v36  }
0xab: {  	v56 =	vnsel vm15, $0x2, v35;
	v57 =	vnsel vm2, $0x2, v37;
	v59 =	vnsel vm10, $0x2, v34  }
0xac: {  	vm13 =	veq.s32 v24, v58;
	vm15 =	veq.s32 v23, v58;
	vm10 =	veq.s32 v22, v42  }
0xad: {  	v36 =	vsel vm4, v54, v36;
	v35 =	vsel vm14, v56, v35;
	v37 =	vsel vm8, v57, v37  }
0xae: {  	v34 =	vsel vm9, v59, v34;
	vm9 =	veq.s32 v22, v50;
	v56 =	vbroadcast v24, $0x3  }
0xaf: {  	vm11 =	vgt.s32 v36, $0xA;
	vm12 =	vgt.s32 v35, $0xA;
	vm14 =	vgt.s32 v37, $0xA  }
0xb0: {  	vm2 =	vgt.s32 v34, $0xA;
	v60 =	vnsel vm11, $0xA, v36;
	v61 =	vnsel vm12, $0xA, v35  }
0xb1: {  	v62 =	vnsel vm14, $0xA, v37;
	v63 =	vnsel vm2, $0xA, v34;
	vm14 =	veq.s32 v24, v44  }
0xb2: {  	vm2 =	veq.s32 v23, v44;
	v36 =	vsel vm1, v60, v36;
	v35 =	vsel vm13, v61, v35  }
0xb3: {  	v37 =	vsel vm15, v62, v37;
	v34 =	vsel vm3, v63, v34;
	vm3 =	veq.s32 v22, v44  }
0xb4: {  	v60 =	vbroadcast v23, $0x3;
	v44 =	vbroadcast v32, $0x4;
	vm12 =	vgt.s32 v36, $0x12  }
0xb5: {  	vm13 =	vgt.s32 v35, $0x12;
	vm15 =	vgt.s32 v37, $0x12;
	vm11 =	vgt.s32 v34, $0x12  }
0xb6: {  	v45 =	vnsel vm12, $0x12, v36;
	v46 =	vnsel vm13, $0x12, v35;
	v47 =	vnsel vm15, $0x12, v37  }
0xb7: {  	v49 =	vnsel vm11, $0x12, v34;
	vm12 =	veq.s32 v25, v48;
	vm13 =	veq.s32 v24, v48  }
0xb8: {  	vm15 =	veq.s32 v22, v48;
	vm8 =	veq.s32 v25, v60;
	v36 =	vsel vm5, v45, v36  }
0xb9: {  	v35 =	vsel vm14, v46, v35;
	v37 =	vsel vm2, v47, v37;
	v34 =	vsel vm3, v49, v34  }
0xba: {  	vm14 =	veq.s32 v23, v48;
	vm5 =	vmor vm12, vm5;
	v48 =	vbroadcast v24, $0x4  }
0xbb: {  	v36 =	vsel vm12, $0x1A, v36;
	v35 =	vsel vm13, $0x1A, v35;
	v37 =	vsel vm14, $0x1A, v37  }
0xbc: {  	v34 =	vsel vm15, $0x1A, v34;
	vm1 =	vmor vm5, vm1;
	vm12 =	veq.s32 v24, v50  }
0xbd: {  	vm14 =	veq.s32 v23, v50;
	vm5 =	veq.s32 v24, v44;
	vm2 =	vgt.s32 v36, $0x3  }
0xbe: {  	[tilespmem:$0x1FFD0] =	vst v40;
	v40 =	vsel vm1, $0xFFFFFFFF, v52;
	vm11 =	vgt.s32 v35, $0x3;
	vm13 =	vgt.s32 v37, $0x3  }
0xbf: {  	vm15 =	vgt.s32 v34, $0x3;
	vm1 =	veq.s32 v25, v56;
	v51 =	vnsel vm2, $0x3, v36  }
0xc0: {  	v53 =	vnsel vm11, $0x3, v35;
	v54 =	vnsel vm13, $0x3, v37;
	v55 =	vnsel vm15, $0x3, v34  }
0xc1: {  	vm11 =	veq.s32 v24, v56;
	vm13 =	veq.s32 v23, v56;
	vm15 =	veq.s32 v22, v56  }
0xc2: {  	v36 =	vsel vm6, v51, v36;
	v35 =	vsel vm12, v53, v35;
	v37 =	vsel vm14, v54, v37  }
0xc3: {  	v34 =	vsel vm9, v55, v34;
	vm9 =	veq.s32 v25, v44;
	v54 =	vbroadcast v23, $0x4  }
0xc4: {  	vm2 =	vgt.s32 v36, $0xB;
	vm3 =	vgt.s32 v35, $0xB;
	vm12 =	vgt.s32 v37, $0xB  }
0xc5: {  	vm14 =	vgt.s32 v34, $0xB;
	v57 =	vnsel vm2, $0xB, v36;
	v39 =	vnsel vm3, $0xB, v35  }
0xc6: {  	v58 =	vnsel vm12, $0xB, v37;
	v59 =	vnsel vm14, $0xB, v34;
	vm12 =	veq.s32 v24, v60  }
0xc7: {  	v36 =	vsel vm1, v57, v36;
	v35 =	vsel vm11, v39, v35;
	v37 =	vsel vm13, v58, v37  }
0xc8: {  	v34 =	vsel vm15, v59, v34;
	vm13 =	veq.s32 v23, v60;
	vm11 =	veq.s32 v23, v44  }
0xc9: {  	vm2 =	vgt.s32 v36, $0x13;
	vm3 =	vgt.s32 v35, $0x13;
	vm14 =	vgt.s32 v37, $0x13  }
0xca: {  	vm15 =	vgt.s32 v34, $0x13;
	v61 =	vnsel vm2, $0x13, v36;
	v62 =	vnsel vm3, $0x13, v35  }
0xcb: {  	v63 =	vnsel vm14, $0x13, v37;
	vm2 =	veq.s32 v22, v60;
	v43 =	vnsel vm15, $0x13, v34  }
0xcc: {  	vm3 =	veq.s32 v25, v42;
	v60 =	vbroadcast v22, $0x4;
	v36 =	vsel vm8, v61, v36  }
0xcd: {  	v35 =	vsel vm12, v62, v35;
	v37 =	vsel vm13, v63, v37;
	v34 =	vsel vm2, v43, v34  }
0xce: {  	vm12 =	veq.s32 v24, v42;
	vm13 =	veq.s32 v23, v42;
	vm7 =	vmor vm3, vm8  }
0xcf: {  	vm2 =	veq.s32 v22, v48;
	v63 =	vbroadcast v32, $0x5;
	v42 =	vnsel vm0, $0x0, v33  }
0xd0: {  	v36 =	vsel vm3, $0x1B, v36;
	v35 =	vsel vm12, $0x1B, v35;
	v37 =	vsel vm13, $0x1B, v37  }
0xd1: {  	v34 =	vsel vm10, $0x1B, v34;
	vm8 =	vmor vm7, vm1;
	vm12 =	vgt.s32 v25, $0x0  }
0xd2: {  	vm13 =	veq.s32 v22, v44;
	vm1 =	veq.s32 v25, v48;
	vm14 =	vgt.s32 v36, $0x4  }
0xd3: {  	vm15 =	vgt.s32 v35, $0x4;
	vm10 =	vgt.s32 v37, $0x4;
	v49 =	vnsel vm12, $0x0, v25  }
0xd4: {  	vm12 =	veq.s32 v24, v48;
	v45 =	vnsel vm14, $0x4, v36;
	v46 =	vnsel vm15, $0x4, v35  }
0xd5: {  	v47 =	vnsel vm10, $0x4, v37;
	vm14 =	vgt.s32 v34, $0x4;
	vm10 =	veq.s32 v25, v54  }
0xd6: {  	v36 =	vsel vm9, v45, v36;
	v35 =	vsel vm5, v46, v35;
	v37 =	vsel vm11, v47, v37  }
0xd7: {  	v50 =	vnsel vm14, $0x4, v34;
	vm14 =	veq.s32 v23, v48;
	vm15 =	vgt.s32 v36, $0xC  }
0xd8: {  	v34 =	vsel vm13, v50, v34;
	vm3 =	vgt.s32 v35, $0xC;
	vm13 =	vgt.s32 v37, $0xC  }
0xd9: {  	v51 =	vnsel vm15, $0xC, v36;
	v52 =	vnsel vm3, $0xC, v35;
	v53 =	vnsel vm13, $0xC, v37  }
0xda: {  	vm15 =	vgt.s32 v34, $0xC;
	v36 =	vsel vm1, v51, v36;
	v35 =	vsel vm12, v52, v35  }
0xdb: {  	v37 =	vsel vm14, v53, v37;
	v55 =	vnsel vm15, $0xC, v34;
	vm12 =	veq.s32 v24, v54  }
0xdc: {  	vm14 =	veq.s32 v23, v54;
	vm15 =	vgt.s32 v24, $0x0;
	v51 =	vbroadcast v24, $0x5  }
0xdd: {  	[tilespmem:$0x1FFE0] =	vst v40;
	v40 =	vld.idx.msk [tilespmem:v49+s2+$0x0], $0xffff;
	vm3 =	vgt.s32 v36, $0x14;
	v34 =	vsel vm2, v55, v34;
	vm11 =	vgt.s32 v35, $0x14  }
0xde: {  	vm13 =	vgt.s32 v37, $0x14;
	v61 =	vnsel vm15, $0x0, v24;
	vm15 =	veq.s32 v22, v60  }
0xdf: {  	v56 =	vnsel vm3, $0x14, v36;
	v57 =	vnsel vm11, $0x14, v35;
	v58 =	vnsel vm13, $0x14, v37  }
0xe0: {  	vm2 =	vgt.s32 v34, $0x14;
	vm3 =	veq.s32 v22, v54;
	vm13 =	veq.s32 v24, v60  }
0xe1: {  	vm11 =	veq.s32 v25, v63;
	v36 =	vsel vm10, v56, v36;
	v35 =	vsel vm12, v57, v35  }
0xe2: {  	v37 =	vsel vm14, v58, v37;
	v62 =	vnsel vm2, $0x14, v34;
	v40 =	vsub.f32 $0.0e+00, v40  }
0xe3: {  	vm12 =	veq.s32 v25, v60;
	vm14 =	veq.s32 v23, v60;
	v56 =	vbroadcast v23, $0x5  }
0xe4: {  	v34 =	vsel vm3, v62, v34;
	v36 =	vsel vm12, $0x1C, v36;
	v59 =	vmul.f32 $1.442695020e+00, v40  }
0xe5: {  	v35 =	vsel vm13, $0x1C, v35;
	v37 =	vsel vm14, $0x1C, v37;
	vm7 =	vmor vm12, vm10  }
0xe6: {  	vm14 =	veq.s32 v23, v63;
	vm13 =	veq.s32 v25, v51;
	(erf) = vpow2.f32 v59  }
0xe7: {  	v34 =	vsel vm15, $0x1C, v34;
	vm12 =	vgt.s32 v36, $0x5;
	vm10 =	vmor vm7, vm1  }
0xe8: {  	vm1 =	veq.s32 v24, v63;
	vm2 =	vgt.s32 v35, $0x5;
	vm3 =	vgt.s32 v37, $0x5  }
0xe9: {  	vm15 =	veq.s32 v22, v63;
	vm7 =	vgt.s32 v23, $0x0;
	v46 =	vnsel vm12, $0x5, v36  }
0xea: {  	v45 =	vld.idx.msk [tilespmem:v61+s2+$0x0], $0xffff;
	v47 =	vnsel vm2, $0x5, v35;
	v48 =	vnsel vm3, $0x5, v37;
	vm3 =	vgt.s32 v34, $0x5  }
0xeb: {  	v52 =	vnsel vm7, $0x0, v23;
	vm7 =	veq.s32 v23, v51;
	vm2 =	veq.s32 v23, v56  }
0xec: {  	v36 =	vsel vm11, v46, v36;
	v35 =	vsel vm1, v47, v35;
	v37 =	vsel vm14, v48, v37  }
0xed: {  	v50 =	vnsel vm3, $0x5, v34;
	vm14 =	veq.s32 v24, v51;
	vm1 =	veq.s32 v25, v56  }
0xee: {  	v34 =	vsel vm15, v50, v34;
	vm15 =	vgt.s32 v36, $0xD;
	vm12 =	vgt.s32 v35, $0xD  }
0xef: {  	v53 =	vnsel vm15, $0xD, v36;
	v54 =	vnsel vm12, $0xD, v35;
	v39 =	vsub.f32 $0.0e+00, v45;
	v49 =	vpop (erf)  }
0xf0: {  	vm15 =	vgt.s32 v37, $0xD;
	vm12 =	veq.s32 v22, v51;
	v38 =	vadd.f32 $1.000000000e+00, v49  }
0xf1: {  	vm5 =	vgt.s32 v34, $0xD;
	v36 =	vsel vm13, v53, v36;
	v39 =	vmul.f32 $1.442695020e+00, v39  }
0xf2: {  	v35 =	vsel vm14, v54, v35;
	v55 =	vnsel vm15, $0xD, v37;
	(erf) = vrcp.f32 v38  }
0xf3: {  	v57 =	vnsel vm5, $0xD, v34;
	v54 =	vbroadcast v24, $0x6;
	(erf) = vpow2.f32 v39  }
0xf4: {  	vm14 =	vgt.s32 v36, $0x15;
	v37 =	vsel vm7, v55, v37;
	v59 =	vsel vm12, v57, v34  }
0xf5: {  	vm7 =	veq.s32 v24, v56;
	vm3 =	vgt.s32 v35, $0x15;
	v45 =	vbroadcast v22, $0x5  }
0xf6: {  	v58 =	vnsel vm14, $0x15, v36;
	vm5 =	vgt.s32 v37, $0x15;
	v60 =	vnsel vm3, $0x15, v35  }
0xf7: {  	vm3 =	vgt.s32 v59, $0x15;
	v36 =	vsel vm1, v58, v36;
	v61 =	vnsel vm5, $0x15, v37;
	v38 =	vld.idx.msk [tilespmem:v52+s2+$0x0], $0xffff  }
0xf8: {  	v35 =	vsel vm7, v60, v35;
	vm7 =	veq.s32 v22, v56;
	vm5 =	vgt.s32 v22, $0x0  }
0xf9: {  	v46 =	vnsel vm3, $0x15, v59;
	vm12 =	veq.s32 v25, v45;
	vm3 =	veq.s32 v23, v45  }
0xfa: {  	v60 =	vbroadcast v23, $0x6;
	v37 =	vsel vm2, v61, v37;
	v47 =	vnsel vm5, $0x0, v22  }
0xfb: {  	vm2 =	veq.s32 v24, v45;
	v48 =	vsel vm7, v46, v59;
	v36 =	vsel vm12, $0x1D, v36;
	v34 =	vpop (erf)  }
0xfc: {  	vm5 =	veq.s32 v22, v45;
	v35 =	vsel vm2, $0x1D, v35;
	v38 =	vsub.f32 $0.0e+00, v38;
	v62 =	vpop (erf)  }
0xfd: {  	v37 =	vsel vm3, $0x1D, v37;
	vm7 =	vgt.s32 v36, $0x6;
	v63 =	vadd.f32 $1.000000000e+00, v62  }
0xfe: {  	vm2 =	vmor vm12, vm1;
	v49 =	vbroadcast v32, $0x6;
	v38 =	vmul.f32 $1.442695020e+00, v38  }
0xff: {  	vm14 =	veq.s32 v24, v60;
	v50 =	vnsel vm7, $0x6, v36;
	v40 =	vld.idx.msk [tilespmem:v47+s2+$0x0], $0xffff;
	(erf) = vrcp.f32 v63  }
0x100: {  	vm3 =	vgt.s32 v35, $0x6;
	vm12 =	veq.s32 v25, v49;
	(erf) = vpow2.f32 v38  }
0x101: {  	vm15 =	vgt.s32 v37, $0x6;
	v51 =	vnsel vm3, $0x6, v35;
	v36 =	vsel vm12, v50, v36  }
0x102: {  	v32 =	vbroadcast v32, $0x7;
	vm1 =	veq.s32 v24, v49;
	vm3 =	vgt.s32 v36, $0xE  }
0x103: {  	v52 =	vnsel vm15, $0x6, v37;
	vm15 =	veq.s32 v25, v54;
	v57 =	vnsel vm3, $0xE, v36  }
0x104: {  	vm7 =	veq.s32 v22, v49;
	v40 =	vsub.f32 $0.0e+00, v40;
	v36 =	vsel vm15, v57, v36  }
0x105: {  	v53 =	vsel vm1, v51, v35;
	v57 =	vbroadcast v24, $0x7;
	vm3 =	vgt.s32 v36, $0x16  }
0x106: {  	v40 =	vmul.f32 $1.442695020e+00, v40;
	v62 =	vnsel vm3, $0x16, v36;
	vm3 =	veq.s32 v23, v60  }
0x107: {  	v38 =	vsel vm5, $0x1D, v48;
	vm5 =	veq.s32 v23, v49;
	v49 =	vbroadcast v22, $0x6  }
0x108: {  	v37 =	vsel vm5, v52, v37;
	vm1 =	vgt.s32 v38, $0x6;
	vm5 =	vgt.s32 v53, $0xE;
	v35 =	vpop (erf)  }
0x109: {  	v55 =	vnsel vm1, $0x6, v38;
	vm0 =	vgt.s32 v37, $0xE;
	v58 =	vnsel vm5, $0xE, v53;
	v56 =	vpop (erf)  }
0x10a: {  	vm5 =	veq.s32 v23, v54;
	v38 =	vsel vm7, v55, v38;
	v43 =	vadd.f32 $1.000000000e+00, v56  }
0x10b: {  	vm7 =	veq.s32 v24, v54;
	v59 =	vnsel vm0, $0xE, v37;
	vm0 =	veq.s32 v22, v54  }
0x10c: {  	v33 =	vsel vm7, v58, v53;
	v37 =	vsel vm5, v59, v37;
	(erf) = vrcp.f32 v43  }
0x10d: {  	vm1 =	vgt.s32 v38, $0xE;
	vm7 =	veq.s32 v25, v60;
	(erf) = vpow2.f32 v40  }
0x10e: {  	v53 =	vadd.s32 $0x10, v42;
	v61 =	vnsel vm1, $0xE, v38;
	v36 =	vsel vm7, v62, v36  }
0x10f: {  	vm5 =	vgt.s32 v33, $0x16;
	vm1 =	veq.s32 v25, v49;
	v38 =	vsel vm0, v61, v38  }
0x110: {  	v47 =	vnsel vm5, $0x16, v33;
	vm5 =	vgt.s32 v37, $0x16;
	v36 =	vsel vm1, $0x1E, v36  }
0x111: {  	v63 =	vld.idx.msk [tilespmem:v42+s12+$0x0], $0xffff;
	v39 =	vsel vm14, v47, v33;
	v48 =	vnsel vm5, $0x16, v37;
	vm5 =	vgt.s32 v38, $0x16  }
0x112: {  	vm14 =	veq.s32 v23, v49;
	vm0 =	vgt.s32 v36, $0x7;
	v37 =	vsel vm3, v48, v37  }
0x113: {  	vm3 =	veq.s32 v22, v60;
	v50 =	vnsel vm5, $0x16, v38;
	vm5 =	veq.s32 v24, v49  }
0x114: {  	v58 =	vnsel vm0, $0x7, v36;
	vm0 =	veq.s32 v23, v57;
	v48 =	vbroadcast v23, $0x7  }
0x115: {  	v38 =	vsel vm3, v50, v38;
	v39 =	vsel vm5, $0x1E, v39;
	v37 =	vsel vm14, $0x1E, v37;
	v33 =	vpop (erf)  }
0x116: {  	vm14 =	veq.s32 v22, v49;
	vm5 =	vgt.s32 v39, $0x7;
	v43 =	vsub.f32 $0.0e+00, v63;
	v51 =	vpop (erf)  }
0x117: {  	v38 =	vsel vm14, $0x1E, v38;
	vm14 =	veq.s32 v23, v32;
	v52 =	vadd.f32 $1.000000000e+00, v51  }
0x118: {  	v54 =	vnsel vm5, $0x7, v39;
	vm5 =	veq.s32 v24, v32;
	v43 =	vmul.f32 $1.442695020e+00, v43  }
0x119: {  	v39 =	vsel vm5, v54, v39;
	vm5 =	vgt.s32 v37, $0x7;
	(erf) = vrcp.f32 v52  }
0x11a: {  	v55 =	vnsel vm5, $0x7, v37;
	vm5 =	vgt.s32 v38, $0x7;
	(erf) = vpow2.f32 v43  }
0x11b: {  	v37 =	vsel vm14, v55, v37;
	v56 =	vnsel vm5, $0x7, v38;
	vm14 =	veq.s32 v22, v32  }
0x11c: {  	vm3 =	vmor vm1, vm7;
	v40 =	vld.idx.msk [tilespmem:v53+s12+$0x0], $0xffff;
	vm5 =	vgt.s32 v39, $0xF;
	v38 =	vsel vm14, v56, v38  }
0x11d: {  	v59 =	vnsel vm5, $0xF, v39;
	vm14 =	veq.s32 v24, v57;
	vm5 =	vgt.s32 v37, $0xF  }
0x11e: {  	v39 =	vsel vm14, v59, v39;
	vm14 =	veq.s32 v25, v32;
	v60 =	vnsel vm5, $0xF, v37  }
0x11f: {  	vm5 =	veq.s32 v22, v57;
	vm7 =	vgt.s32 v38, $0xF;
	v41 =	vsel vm14, v58, v36  }
0x120: {  	v37 =	vsel vm0, v60, v37;
	v63 =	vnsel vm7, $0xF, v38;
	vm7 =	veq.s32 v24, v48  }
0x121: {  	v40 =	vsub.f32 $0.0e+00, v40;
	v49 =	vsel vm5, v63, v38;
	vm5 =	vgt.s32 v39, $0x17  }
0x122: {  	v50 =	vnsel vm5, $0x17, v39;
	vm5 =	vgt.s32 v37, $0x17;
	v51 =	vadd.s32 $0x20, v42;
	v32 =	vpop (erf)  }
0x123: {  	v36 =	vsel vm7, v50, v39;
	vm7 =	veq.s32 v23, v48;
	v52 =	vnsel vm5, $0x17, v37;
	v61 =	vpop (erf)  }
0x124: {  	v37 =	vsel vm7, v52, v37;
	vm7 =	veq.s32 v25, v57;
	v57 =	vld [tilespmem:$0x1FFC0];
	v44 =	vadd.f32 $1.000000000e+00, v61  }
0x125: {  	vm13 =	vmor vm2, vm13;
	vm15 =	vmor vm3, vm15;
	v53 =	vadd.s32 $0x30, v42  }
0x126: {  	vm0 =	vgt.s32 v41, $0xF;
	v62 =	vmul.f32 $1.442695020e+00, v40;
	(erf) = vrcp.f32 v44  }
0x127: {  	v54 =	vnsel vm0, $0xF, v41;
	vm0 =	vgt.s32 v49, $0x17;
	v56 =	vld.idx.msk [tilespmem:v51+s12+$0x0], $0xffff;
	(erf) = vrcp.f32 v31  }
0x128: {  	v63 =	vbroadcast v22, $0x7;
	v55 =	vnsel vm0, $0x17, v49;
	(erf) = vpow2.f32 v62  }
0x129: {  	vm0 =	veq.s32 v30, v1;
	vm5 =	veq.s32 v22, v48;
	vm1 =	vnez.u8 v57  }
0x12a: {  	v58 =	vsel vm7, v54, v41;
	v31 =	vsel vm5, v55, v49;
	vm5 =	vmneg vm1  }
0x12b: {  	v40 =	vld.idx.msk [tilespmem:v53+s12+$0x0], $0xffff;
	v57 =	vmul.f32 v34, v34;
	vm0 =	vmand vm5, vm0;
	vm5 =	vcmask $0x704  }
0x12c: {  	v30 =	vmul.f32 $1.442695020e+00, v56;
	v56 =	vmul.f32 v17, v17;
	vm2 =	vmand vm1, vm5  }
0x12d: {  	v44 =	vcvt.s32.f32 v28;
	vm1 =	vmor vm2, vm0;
	vm2 =	vgt.s32 v58, $0x17  }
0x12e: {  	vm0 =	vmneg vm4;
	v42 =	vnsel vm2, $0x17, v58;
	vm2 =	vcmask $0xB08  }
0x12f: {  	v55 =	vadd.f32 v20, v16;
	vm0 =	vmand vm0, vm1;
	vm2 =	vmand vm4, vm2;
	v59 =	vpop (erf)  }
0x130: {  	v62 =	vmul.f32 $1.442695020e+00, v40;
	vm4 =	vmneg vm6;
	vm0 =	vmor vm2, vm0;
	v60 =	vpop (erf)  }
0x131: {  	vm1 =	veq.s32 v25, v48;
	vm0 =	vmand vm4, vm0;
	vm4 =	vcmask $0xF0C;
	v61 =	vpop (erf)  }
0x132: {  	v38 =	vsel vm1, v42, v58;
	vm2 =	vmand vm6, vm4;
	v43 =	vadd.f32 $1.000000000e+00, v61  }
0x133: {  	vm4 =	vmneg vm9;
	vm6 =	vcmask $0x1310;
	vm0 =	vmor vm2, vm0  }
0x134: {  	vm2 =	vmand vm9, vm6;
	vm9 =	veq.s32 v25, v63;
	(erf) = vrcp.f32 v43  }
0x135: {  	v42 =	vld [tilespmem:$0x1FFD0];
	vm6 =	vmneg vm11;
	v19 =	vadd.f32 v44, v59;
	(erf) = vpow2.f32 v30  }
0x136: {  	v59 =	vmul.f32 v35, v35;
	vm0 =	vmand vm4, vm0;
	(erf) = vpow2.f32 v62  }
0x137: {  	vm1 =	vmor vm9, vm1;
	vm9 =	vcmask $0x1714;
	vm4 =	vmneg vm12;
	v43 =	vld [tilespmem:$0x1FFE0]  }
0x138: {  	vm0 =	vmor vm2, vm0;
	vm11 =	vmand vm11, vm9;
	vm2 =	vmor vm1, vm7  }
0x139: {  	vm7 =	vcmask $0x1B18;
	vm9 =	vcmask $0x3F04;
	v19 =	vmul.f32 v19, v60  }
0x13a: {  	vm0 =	vmand vm6, vm0;
	vm6 =	vnez.u8 v42;
	vm3 =	vmand vm12, vm7  }
0x13b: {  	vm0 =	vmor vm11, vm0;
	vm1 =	vmneg vm6;
	vm6 =	vcmask $0x3F10  }
0x13c: {  	vm0 =	vmand vm4, vm0;
	vm1 =	vmor vm1, vm9;
	vm11 =	vnez.u8 v43  }
0x13d: {  	vm9 =	vcmask $0x3F08;
	vm4 =	vmneg vm10;
	vm12 =	vmneg vm11;
	v45 =	vpop (erf)  }
0x13e: {  	vm3 =	vmor vm3, vm0;
	v62 =	vmul.f32 v32, v32;
	vm7 =	vmand vm12, vm1;
	v46 =	vpop (erf)  }
0x13f: {  	vm1 =	vmand vm11, vm9;
	vm11 =	vmneg vm8;
	v27 =	vmul.f32 v46, v27;
	v47 =	vpop (erf)  }
0x140: {  	vm12 =	vcmask $0x3F0C;
	v48 =	vadd.f32 v29, v45;
	v26 =	vmul.f32 v47, v26  }
0x141: {  	vm9 =	vmneg vm14;
	vm0 =	vmor vm1, vm7;
	v27 =	vmul.f32 $5.000000000e-01, v27  }
0x142: {  	vm1 =	vmand vm8, vm12;
	v18 =	vmul.f32 v48, v60;
	v26 =	vmul.f32 $5.000000000e-01, v26  }
0x143: {  	vm7 =	vmneg vm13;
	v49 =	vsub.f32 v19, v27;
	v19 =	vadd.f32 v19, v27  }
0x144: {  	vm8 =	vcmask $0x3F14;
	v50 =	vsub.f32 v18, v26;
	v18 =	vadd.f32 v18, v26  }
0x145: {  	v51 =	vmax.f32 v49, v13;
	v52 =	vmin.f32 v19, v14;
	v19 =	vsub.f32 v19, v49  }
0x146: {  	v11 =	vmax.f32 v50, v11;
	v53 =	vmin.f32 v18, v12;
	v18 =	vsub.f32 v18, v50  }
0x147: {  	vm3 =	vmand vm9, vm3;
	v13 =	vsub.f32 v52, v51;
	v11 =	vsub.f32 v53, v11  }
0x148: {  	vm12 =	vmneg vm2;
	vm9 =	vne.s32 v24, v63;
	v54 =	vmul.f32 v18, v19  }
0x149: {  	vm0 =	vmand vm11, vm0;
	v13 =	vmax.f32 v13, $0.0e+00;
	v11 =	vmax.f32 v11, $0.0e+00  }
0x14a: {  	vm11 =	vcmask $0x3F18;
	v11 =	vmul.f32 v11, v13;
	v12 =	vadd.f32 v54, v15  }
0x14b: {  	vm0 =	vmor vm1, vm0;
	vm1 =	vmand vm10, vm6;
	vm10 =	vmneg vm15  }
0x14c: {  	vm6 =	vcmask $0x1F1C;
	vm0 =	vmand vm4, vm0;
	v12 =	vsub.f32 v12, v11  }
0x14d: {  	vm14 =	vmand vm14, vm6;
	vm0 =	vmor vm1, vm0;
	vm1 =	vmand vm13, vm8  }
0x14e: {  	vm13 =	vne.s32 v25, v63;
	vm3 =	vmor vm14, vm3;
	v12 =	vadd.f32 $9.999999710e-10, v12  }
0x14f: {  	vm8 =	vgt.s32 v25, $0xFFFFFFFF;
	vm14 =	vgt.s32 v24, $0xFFFFFFFF;
	v60 =	vmul.f32 v33, v33  }
0x150: {  	vm0 =	vmand vm7, vm0;
	vm7 =	veq.s32 v38, v1;
	(erf) = vrcp.f32 v12  }
0x151: {  	vm0 =	vmor vm1, vm0;
	vm1 =	vmand vm15, vm11;
	vm15 =	vcmask $0x3F1C  }
0x152: {  	vm11 =	veq.s32 v36, v8;
	vm0 =	vmand vm10, vm0;
	vm2 =	vmand vm2, vm15  }
0x153: {  	vm10 =	veq.s32 v23, v63;
	vm15 =	vcmask $0x3F3C;
	vm0 =	vmor vm1, vm0  }
0x154: {  	vm1 =	vmand vm13, vm7;
	vm13 =	vmneg vm10;
	vm0 =	vmand vm12, vm0  }
0x155: {  	vm1 =	vmand vm8, vm1;
	vm12 =	veq.s32 v37, v9;
	vm0 =	vmor vm2, vm0  }
0x156: {  	vm2 =	vmand vm10, vm15;
	vm10 =	veq.s32 v31, v10;
	vm0 =	vmand vm3, vm0  }
0x157: {  	vm3 =	veq.s32 v22, v63;
	v58 =	vsel vm0, $0x3F800000, v2;
	vm0 =	vmand vm9, vm11  }
0x158: {  	vm9 =	vgt.s32 v23, $0xFFFFFFFF;
	vm11 =	vmneg vm3;
	v13 =	vadd.f32 v56, v55  }
0x159: {  	vm0 =	vmand vm14, vm0;
	v12 =	vnsel vm1, $0x0, v57;
	vm1 =	vmand vm13, vm12;
	v61 =	vpop (erf)  }
0x15a: {  	vm12 =	vmand vm11, vm10;
	v12 =	vsub.f32 v13, v12;
	v11 =	vmul.f32 v61, v11  }
0x15b: {  	vm13 =	vmand vm3, vm6;
	vm1 =	vmor vm2, vm1;
	v13 =	vnsel vm0, $0x0, v59  }
0x15c: {  	vm1 =	vmand vm9, vm1;
	v12 =	vsub.f32 v12, v13;
	v11 =	vsub.f32 v34, v11  }
0x15d: {  	vm14 =	vgt.s32 v22, $0xFFFFFFFF;
	vm0 =	vmor vm13, vm12;
	v15 =	vnsel vm1, $0x0, v60  }
0x15e: {  	vm0 =	vmand vm14, vm0;
	v12 =	vsub.f32 v12, v15;
	v63 =	vmul.f32 v11, v58  }
0x15f: {  	v13 =	vnsel vm0, $0x0, v62  }
0x160: {  	v12 =	vsub.f32 v12, v13;
	v11 =	vmul.f32 v63, v11;
	_ =	sdelay $0x1  }
0x161: {  	v11 =	vadd.f32 v11, v12;
	_ =	sdelay $0x1  }
0x162: {  	(xrf2) =	vadd.scan.msk.f32 $0xffff, v11;
	_ =	sdelay $0x9  }
0x163: {  	v11, _, _ =	vpop (xrf2)  }
0x164: {  	(v2sf) =	vpush v11, $0xF;
	_ =	sdelay $0x3  }
0x165: {  	(xrf2) =	vadd.scan.msk.f32 $0xffff, v58;
	_ =	sdelay $0x9  }
0x166: {  	v11, _, _ =	vpop (xrf2)  }
0x167: {  	v11 =	vbroadcast v11, $0xF;
	s16 =	spop (v2sf)  }
0x168: {  	s16 =	sadd.f32 $-2.250000000e+00, s16  }
0x169: {  	s15 =	sadd.s32 $0x1, s15;
	vm15 =	veq.s32 v1, $0x0;
	v11 =	vnsel vm5, $0x0, v11  }
0x16a: {  	p0 =	sne.s32 s15, s8;
	v11 =	vsel vm15, s16, v11  }
.Ltmp1:
0x16b: {  	[tilespmem:$0x2A30] =	vst v11;
	(pc) =	sbr.rel @p0 .LBB2_1-.Ltmp1, $4  }
0x16c: {  	[hbm4b:s7+s2] =	stream.linear.scatter [tilespmem:s14], [sflag:$0x2], $0x10, $0x38;
	[tilespmem:$0x2A40] =	vst v63  }
0x16d: {  	_ =	swait.ge [sflag:s10], $0x10  }
0x16e: {  	[sflag:s10] =	ssyncset.done $0x0  }
0x16f: {  	[sflag:s10] =	ssyncadd.s32 $0xFFFFFFF0  }
0x170: {  	_ =	sfence.sel $0x180000  }
0x171: {  	[bflag:$0x0] =	sbarrier.arrive $0xFFFF  }
0x172: {  	p0 =	sne.s32 s0, $0x0;
	_ =	strace $0x90000047  }
0x173: {  	s0 =	sadd.s32 @!p0 $0x100000, s1;
	[bflag:$0x2] =	sbarrier.arrive $0xFFFF  }
0x174: {  	[sflag:s0] =	ssyncadd.tile.s32 @!p0 $0x1;
	_ =	shalt  }
.Lfunc_end2:
_tile_overlayer_lowered:
.L_overlay_start_2:
0x175: {  	(tag) =	ssettag $0x2  }
0x176: {  	s0 =	rddreg [dreg:$0x0];
	s2 =	stileid.u32  }
0x177: {  	s1 =	rddreg [dreg:$0x1];
	p0 =	sne.s32 s2, $0x0  }
0x178: {  	s3 =	rddreg [dreg:$0x2];
	[bflag:$0x3] =	sbarrier.arrive $0xFFFF;
	s2 =	simm.s32 @!p0 $0x1C02  }
0x179: {  	[timem:s3], [sflag:s2] =	dma.local @!p0 [hbm:s0], s1  }
0x17a: {  	s0 =	simm.s32 @!p0 $0x2  }
0x17b: {  	_ =	swait.ge @!p0 [sflag:s0], s1  }
0x17c: {  	s1 =	ssub.s32 @!p0 $0x0, s1;
	[sflag:s0] =	ssyncset.done @!p0 $0x0  }
0x17d: {  	[sflag:s0] =	ssyncadd.s32 @!p0 s1  }
0x17e: {  	[bflag:$0x3] =	sbarrier.arrive $0xFFFF  }
0x17f: {  	_ =	shalt  }

</sc_bundles>
